<compile_context>
chip_gen: v7x
topology: tpu7x:2x2x1
jax: 0.10.2.dev20260603
libtpu: 0.0.44.dev20260713+nightly
codegen_flags: <defaults>
</compile_context>

<pallas_src>
import functools

import jax
import jax.numpy as jnp
from jax import lax
from jax.experimental import pallas as pl
from jax.experimental.pallas import tpu as pltpu
from jax.experimental.pallas import tpu_sc as plsc

N = 4096
D = 128
E = 131072
NEG_INF = float("-inf")

NC = 2
NS = 16
NW = NC * NS
VR = N // NW
CH = 16384
QB = 128
FLUSH_AT = QB - 16
FILLB = 16384
FILLN = (VR * N) // FILLB



def _dense_pre_body(x_ref, we_ref, be_ref, wm1_ref, wm2_ref,
                    z_ref, a_ref, b_ref):
    x0 = jnp.concatenate([x_ref[...], jnp.zeros((N, D), jnp.float32)], axis=1)
    z = jnp.dot(x0, we_ref[...], preferred_element_type=jnp.float32)
    z = z + be_ref[...]
    z_ref[...] = z
    a_ref[...] = jnp.dot(z, wm1_ref[...], preferred_element_type=jnp.float32)
    b_ref[...] = jnp.dot(z, wm2_ref[...], preferred_element_type=jnp.float32)


def _dense_pre(x, we, be, wm1, wm2):
    return pl.pallas_call(
        _dense_pre_body,
        out_shape=(
            jax.ShapeDtypeStruct((N, D), jnp.float32),
            jax.ShapeDtypeStruct((N, D), jnp.float32),
            jax.ShapeDtypeStruct((N, D), jnp.float32),
        ),
    )(x, we, be, wm1, wm2)


def _dense_post_body(z_ref, a_ref, s_ref, bm_ref, wu1_ref, bu1_ref,
                     wu2_ref, bu2_ref, wdec_ref, bdec_ref,
                     wt_ref, bt_ref, wp_ref,
                     h_ref, y_ref, t_ref, uv_ref):
    s = s_ref[...]
    agg = jnp.where(s == NEG_INF, 0.0, a_ref[...] + s + bm_ref[...])
    z = z_ref[...]
    upd_in = jnp.concatenate([z, agg], axis=1)
    pre = jnp.dot(upd_in, wu1_ref[...], preferred_element_type=jnp.float32)
    pre = jnp.maximum(pre + bu1_ref[...], 0.0)
    h = jnp.dot(pre, wu2_ref[...], preferred_element_type=jnp.float32) + bu2_ref[...]
    h_ref[...] = h
    dec_in = jnp.concatenate([z, h], axis=1)
    y = jnp.dot(dec_in, wdec_ref[...], preferred_element_type=jnp.float32)
    y_ref[...] = y + bdec_ref[...]
    hm = jnp.mean(h, axis=0, keepdims=True)
    term_in = jnp.concatenate([h, jnp.broadcast_to(hm, (N, D))], axis=1)
    tcol = jnp.dot(term_in, wt_ref[...], preferred_element_type=jnp.float32)
    t_ref[...] = jnp.mean(tcol + bt_ref[...], keepdims=True)
    uv_ref[...] = jnp.dot(h, wp_ref[...], preferred_element_type=jnp.float32)


def _dense_post(z, a, s, bm, wu1, bu1, wu2, bu2, wdec, bdec, wt, bt, wp):
    return pl.pallas_call(
        _dense_post_body,
        out_shape=(
            jax.ShapeDtypeStruct((N, D), jnp.float32),
            jax.ShapeDtypeStruct((N, D), jnp.float32),
            jax.ShapeDtypeStruct((1, 1), jnp.float32),
            jax.ShapeDtypeStruct((N, D), jnp.float32),
        ),
    )(z, a, s, bm, wu1, bu1, wu2, bu2, wdec, bdec, wt, bt, wp)



NSLAB = D // 16
ASLAB = (VR + 1) * 16


def _segmax_body(ekey_r, ew_r, btab_r, wv_r, out_r,
                 k_v, w_v, *rest):
    slabs = rest[:NSLAB]
    qd, qs, qw, rows, wv_v, gsem = rest[NSLAB:]
    wid = lax.axis_index("s") * NC + lax.axis_index("c")
    lo = wid * VR
    klo = lo * N
    khi = klo + VR * N

    neg16 = jnp.full((16,), NEG_INF, jnp.float32)
    zero16 = jnp.zeros((16,), jnp.int32)
    iota16 = lax.iota(jnp.int32, 16)

    def init_acc(k, c):
        for a in slabs:
            a[pl.ds(k * 16, 16)] = neg16
        return c
    lax.fori_loop(0, ASLAB // 16, init_acc, 0)
    for j in range(QB // 16):
        qd[pl.ds(j * 16, 16)] = zero16
        qs[pl.ds(j * 16, 16)] = zero16 + VR
        qw[pl.ds(j * 16, 16)] = jnp.zeros((16,), jnp.float32)
    pltpu.sync_copy(wv_r, wv_v)

    def flush(cnt):
        pltpu.async_copy(btab_r.at[qd], rows, gsem).wait()

        def ebody(e, c):
            ev = jnp.full((16,), 0, jnp.int32) + e
            slv = plsc.load_gather(qs, [ev])
            wgv = plsc.load_gather(qw, [ev])
            addr = slv * 16 + iota16
            for j in range(NSLAB):
                a = slabs[j]
                val = (rows[e, pl.ds(j * 16, 16)]
                       + wgv * wv_v[pl.ds(j * 16, 16)])
                cur = plsc.load_gather(a, [addr])
                plsc.store_scatter(a, [addr], jnp.maximum(cur, val))
            return c
        lax.fori_loop(0, cnt, ebody, 0)
        return jnp.int32(0)

    def chunk(ci, cnt):
        base = ci * CH
        pltpu.sync_copy(ekey_r.at[pl.ds(base, CH)], k_v)
        pltpu.sync_copy(ew_r.at[pl.ds(base, CH)], w_v)

        def group(g, cnt):
            k16 = k_v[pl.ds(g * 16, 16)]
            m = (k16 >= klo) & (k16 < khi)
            pc = plsc.all_reduce_population_count(m)[0]

            def do_append(cnt):
                cnt = lax.cond(cnt > FLUSH_AT, flush, lambda c: c, cnt)
                w = w_v[pl.ds(g * 16, 16)]
                plsc.store_compressed(qd.at[pl.ds(cnt, 16)], k16 & (N - 1),
                                      mask=m)
                plsc.store_compressed(qs.at[pl.ds(cnt, 16)], (k16 >> 12) - lo,
                                      mask=m)
                plsc.store_compressed(qw.at[pl.ds(cnt, 16)], w, mask=m)
                return cnt + pc

            return lax.cond(pc > 0, do_append, lambda c: c, cnt)

        return lax.fori_loop(0, CH // 16, group, cnt)

    cnt = lax.fori_loop(0, E // CH, chunk, jnp.int32(0))
    flush(cnt)

    def gatherout(r, c):
        for j in range(NSLAB):
            rows[r, pl.ds(j * 16, 16)] = slabs[j][pl.ds(r * 16, 16)]
        return c
    lax.fori_loop(0, VR, gatherout, 0)
    pltpu.sync_copy(rows, out_r.at[pl.ds(lo, VR)])


def _segmax(ekey, ew, btab, wv):
    mesh = plsc.VectorSubcoreMesh(core_axis_name="c", subcore_axis_name="s")
    f = functools.partial(
        pl.kernel,
        out_type=jax.ShapeDtypeStruct((N, D), jnp.float32),
        mesh=mesh,
        compiler_params=pltpu.CompilerParams(needs_layout_passes=False),
        scratch_types=[
            pltpu.VMEM((CH,), jnp.int32),
            pltpu.VMEM((CH,), jnp.float32),
        ] + [pltpu.VMEM((ASLAB,), jnp.float32) for _ in range(NSLAB)] + [
            pltpu.VMEM((QB,), jnp.int32),
            pltpu.VMEM((QB,), jnp.int32),
            pltpu.VMEM((QB,), jnp.float32),
            pltpu.VMEM((QB, D), jnp.float32),
            pltpu.VMEM((D,), jnp.float32),
            pltpu.SemaphoreType.DMA,
        ],
    )(_segmax_body)
    return f(ekey, ew, btab, wv)



def _pred_body(ekey_r, ew_r, u_r, v_r, c_r, p_r,
               k_v, w_v, negbuf, uloc, vall, cbuf, qi, qv, fsem, ssem):
    wid = lax.axis_index("s") * NC + lax.axis_index("c")
    lo = wid * VR
    klo = lo * N
    khi = klo + VR * N

    neg16 = jnp.full((16,), NEG_INF, jnp.float32)

    def init_neg(k, c):
        negbuf[pl.ds(k * 16, 16)] = neg16
        return c
    lax.fori_loop(0, FILLB // 16, init_neg, 0)

    fills = [
        pltpu.async_copy(negbuf, p_r.at[pl.ds(lo * N + k * FILLB, FILLB)], fsem)
        for k in range(FILLN)
    ]
    for cp in fills:
        cp.wait()

    pltpu.sync_copy(u_r.at[pl.ds(lo, VR)], uloc)
    pltpu.sync_copy(v_r, vall)
    pltpu.sync_copy(c_r, cbuf)
    wp_v = plsc.load_gather(cbuf, [jnp.zeros((16,), jnp.int32)])
    bp_v = plsc.load_gather(cbuf, [jnp.ones((16,), jnp.int32)])

    diag16 = jnp.full((16,), 0, jnp.int32) + (lo * N + lo)
    for j in range(QB // 16):
        qi[pl.ds(j * 16, 16)] = diag16
        qv[pl.ds(j * 16, 16)] = neg16

    def flushp(cnt):
        pltpu.async_copy(qv, p_r.at[qi], ssem).wait()
        return jnp.int32(0)

    def chunk(ci, cnt):
        base = ci * CH
        pltpu.sync_copy(ekey_r.at[pl.ds(base, CH)], k_v)
        pltpu.sync_copy(ew_r.at[pl.ds(base, CH)], w_v)

        def group(g, cnt):
            k16 = k_v[pl.ds(g * 16, 16)]
            d = k16 & (N - 1)
            sl = (k16 >> 12) - lo
            m = (k16 >= klo) & (k16 < khi) & ((k16 >> 12) != d)
            pc = plsc.all_reduce_population_count(m)[0]

            def do_append(cnt):
                cnt = lax.cond(cnt > FLUSH_AT, flushp, lambda c: c, cnt)
                w = w_v[pl.ds(g * 16, 16)]
                ug = plsc.load_gather(uloc, [jnp.where(m, sl, 0)])
                vg = plsc.load_gather(vall, [d])
                val = ug + vg + w * wp_v + bp_v
                plsc.store_compressed(qi.at[pl.ds(cnt, 16)], k16, mask=m)
                plsc.store_compressed(qv.at[pl.ds(cnt, 16)], val, mask=m)
                return cnt + pc

            return lax.cond(pc > 0, do_append, lambda c: c, cnt)

        return lax.fori_loop(0, CH // 16, group, cnt)

    cnt = lax.fori_loop(0, E // CH, chunk, jnp.int32(0))
    flushp(cnt)


def _pred(ekey, ew, u, v, cvec):
    mesh = plsc.VectorSubcoreMesh(core_axis_name="c", subcore_axis_name="s")
    f = functools.partial(
        pl.kernel,
        out_type=jax.ShapeDtypeStruct((N * N,), jnp.float32),
        mesh=mesh,
        compiler_params=pltpu.CompilerParams(needs_layout_passes=False),
        scratch_types=[
            pltpu.VMEM((CH,), jnp.int32),
            pltpu.VMEM((CH,), jnp.float32),
            pltpu.VMEM((FILLB,), jnp.float32),
            pltpu.VMEM((VR,), jnp.float32),
            pltpu.VMEM((N,), jnp.float32),
            pltpu.VMEM((16,), jnp.float32),
            pltpu.VMEM((QB,), jnp.int32),
            pltpu.VMEM((QB,), jnp.float32),
            pltpu.SemaphoreType.DMA,
            pltpu.SemaphoreType.DMA,
        ],
    )(_pred_body)
    return f(ekey, ew, u, v, cvec)



def kernel(x, edge_index, edge_weight, W_enc, b_enc, W_msg, b_msg,
           W_u1, b_u1, W_u2, b_u2, W_dec, b_dec, W_term, b_term,
           W_pred, b_pred):
    src = edge_index[0]
    dst = edge_index[1]
    ekey = src * N + dst
    wm1 = W_msg[:D]
    wm2 = W_msg[D:2 * D]
    wv = W_msg[2 * D]

    z, a, b = _dense_pre(x, W_enc, b_enc[None, :], wm1, wm2)

    s = _segmax(ekey, edge_weight, b, wv)

    wp_pad = jnp.zeros((D, D), jnp.float32)
    wp_pad = wp_pad.at[:, 0].set(W_pred[:D, 0]).at[:, 1].set(W_pred[D:2 * D, 0])
    h, y, t, uv = _dense_post(
        z, a, s, b_msg[None, :], W_u1, b_u1[None, :],
        W_u2, b_u2[None, :], W_dec, b_dec[None, :],
        W_term, b_term[None, :], wp_pad)

    u = uv[:, 0]
    v = uv[:, 1]
    cvec = jnp.concatenate([W_pred[2 * D], b_pred, jnp.zeros((14,), jnp.float32)])

    p = _pred(ekey, edge_weight, u, v, cvec)

    return (y, jnp.reshape(p, (N, N)), h, t[0, 0])

# --- scband reference (transcript-rebuilt; emitter-appended) ---
"""Pipeline reference for scband-model-87849261073015 (READ-ONLY COPY).

The authoritative reference and input builder live on the scoring server;
editing this copy changes nothing except your own understanding.
"""

import jax, jax.numpy as jnp
import numpy as np

N = 4096
E = 131072
IN_DIM = 128
HID = 128
OUT_DIM = 128

def _linear_params(key, fan_in, fan_out):
    k1, k2 = jax.random.split(key)
    bound = 1.0 / np.sqrt(fan_in)
    W = jax.random.uniform(k1, (fan_in, fan_out), minval=-bound, maxval=bound, dtype=jnp.float32)
    b = jax.random.uniform(k2, (fan_out,), minval=-bound, maxval=bound, dtype=jnp.float32)
    return W, b

def setup_inputs(seed: int = 0):
    key = jax.random.key(seed)
    ks = jax.random.split(key, 12)
    x = jax.random.normal(ks[0], (N, IN_DIM), dtype=jnp.float32)
    edge_index = jax.random.randint(ks[1], (2, E), 0, N, dtype=jnp.int32)
    edge_weight = jax.random.uniform(ks[2], (E,), dtype=jnp.float32)
    W_enc, b_enc = _linear_params(ks[3], IN_DIM + HID, HID)
    W_msg, b_msg = _linear_params(ks[4], 2 * HID + 1, HID)
    W_u1, b_u1 = _linear_params(ks[5], 2 * HID, HID)
    W_u2, b_u2 = _linear_params(ks[6], HID, HID)
    W_dec, b_dec = _linear_params(ks[7], 2 * HID, OUT_DIM)
    W_term, b_term = _linear_params(ks[8], 2 * HID, 1)
    W_pred, b_pred = _linear_params(ks[9], 2 * HID + 1, 1)
    return {"x": x, "edge_index": edge_index, "edge_weight": edge_weight,
            "W_enc": W_enc, "b_enc": b_enc, "W_msg": W_msg, "b_msg": b_msg,
            "W_u1": W_u1, "b_u1": b_u1, "W_u2": W_u2, "b_u2": b_u2,
            "W_dec": W_dec, "b_dec": b_dec, "W_term": W_term, "b_term": b_term,
            "W_pred": W_pred, "b_pred": b_pred}

def reference(x, edge_index, edge_weight, W_enc, b_enc, W_msg, b_msg, W_u1, b_u1, W_u2, b_u2, W_dec, b_dec, W_term, b_term, W_pred, b_pred):
    n = x.shape[0]
    src = edge_index[0]
    dst = edge_index[1]
    # Encoder (h=None -> zeros)
    h0 = jnp.zeros((n, W_enc.shape[1]), dtype=x.dtype)
    z = jnp.concatenate([x, h0], axis=1) @ W_enc + b_enc
    # Processor: per-edge message, max aggregation over outgoing edges of each node u
    msg_in = jnp.concatenate([z[src], z[dst], edge_weight[:, None]], axis=1)
    msg = msg_in @ W_msg + b_msg
    agg = jax.ops.segment_max(msg, src, num_segments=n)
    deg = jax.ops.segment_sum(jnp.ones((src.shape[0],), dtype=x.dtype), src, num_segments=n)
    agg = jnp.where(deg[:, None] > 0, agg, jnp.zeros_like(agg))
    upd_in = jnp.concatenate([z, agg], axis=1)
    h = jax.nn.relu(upd_in @ W_u1 + b_u1) @ W_u2 + b_u2
    # Decoder
    y = jnp.concatenate([z, h], axis=1) @ W_dec + b_dec
    # Termination
    h_bar = jnp.broadcast_to(jnp.mean(h, axis=0, keepdims=True), h.shape)
    t = jnp.mean(jnp.concatenate([h, h_bar], axis=1) @ W_term + b_term)
    # Predecessor: dense [N, N] score matrix, -inf for non-edges, self-loops skipped
    pred_in = jnp.concatenate([h[src], h[dst], edge_weight[:, None]], axis=1)
    pred_val = (pred_in @ W_pred + b_pred)[:, 0]
    p = jnp.full((n, n), -jnp.inf, dtype=x.dtype)
    p = p.at[src, dst].set(pred_val)
    diag = jnp.arange(n)
    p = p.at[diag, diag].set(-jnp.inf)
    return (y, p, h, t)

if __name__ == "__main__":
    import jax
    _d = setup_inputs()
    print(jax.jit(kernel)(*tuple(_d.values())))

</pallas_src>

<mosaic_0001>
#map = affine_map<(d0, d1) -> (0)>
module attributes {stable_mosaic.version = 14 : i64} {
  func.func @_pred_body(%arg0: i32, %arg1: i32, %arg2: memref<131072xi32, #tpu.memory_space<hbm>>, %arg3: memref<131072xf32, #tpu.memory_space<hbm>>, %arg4: memref<4096xf32, #tpu.memory_space<hbm>>, %arg5: memref<4096xf32, #tpu.memory_space<hbm>>, %arg6: memref<16xf32, #tpu.memory_space<hbm>>, %arg7: memref<16777216xf32, #tpu.memory_space<hbm>>, %arg8: memref<16384xi32, #tpu.memory_space<vmem>>, %arg9: memref<16384xf32, #tpu.memory_space<vmem>>, %arg10: memref<16384xf32, #tpu.memory_space<vmem>>, %arg11: memref<128xf32, #tpu.memory_space<vmem>>, %arg12: memref<4096xf32, #tpu.memory_space<vmem>>, %arg13: memref<16xf32, #tpu.memory_space<vmem>>, %arg14: memref<128xi32, #tpu.memory_space<vmem>>, %arg15: memref<128xf32, #tpu.memory_space<vmem>>, %arg16: memref<!tpu.dma_semaphore, #tpu.memory_space<semaphore_mem>>, %arg17: memref<!tpu.dma_semaphore, #tpu.memory_space<semaphore_mem>>) attributes {dimension_semantics = [#tpu.dimension_semantics<core_parallel>, #tpu.dimension_semantics<subcore_parallel>], iteration_bounds = array<i64: 2, 16>, scalar_prefetch = 0 : i64, scratch_operands = 10 : i64, tpu.core_type = #tpu.core_type<sc_vector_subcore>, window_params = [{transform_indices = #map}, {transform_indices = #map}, {transform_indices = #map}, {transform_indices = #map}, {transform_indices = #map}, {transform_indices = #map}]} {
    %mul3A = arith.constant 2 : i32
    %mul3A_0 = arith.muli %arg1, %mul3A : i32
    %add3A = arith.addi %mul3A_0, %arg0 : i32
    %mul3A_1 = arith.constant 128 : i32
    %mul3A_2 = arith.muli %add3A, %mul3A_1 : i32
    %mul3A_3 = arith.constant 4096 : i32
    %mul3A_4 = arith.muli %mul3A_2, %mul3A_3 : i32
    %add3A_5 = arith.constant 524288 : i32
    %add3A_6 = arith.addi %mul3A_4, %add3A_5 : i32
    %broadcast_in_dim3A = arith.constant 0xFF800000 : f32
    %broadcast_in_dim3A_7 = vector.broadcast %broadcast_in_dim3A : f32 to vector<16xf32>
    %scan3A = arith.constant 0 : i32
    %scan3A_8 = arith.constant 0 : i32
    %scan3A_9 = arith.constant 1024 : i32
    %scan3A_10 = arith.addi %scan3A_8, %scan3A_9 : i32
    %scan3A_11 = arith.constant 1 : i32
    scf.for %scan3A_321 = %scan3A_8 to %scan3A_10 step %scan3A_11  : i32 {
      %mul3A_322 = arith.constant 16 : i32
      %mul3A_323 = arith.muli %scan3A_321, %mul3A_322 : i32
      %swap3A_324 = arith.index_cast %mul3A_323 : i32 to index
      %swap3A_325 = tpu.vector_load %arg10[%swap3A_324] {strides = array<i32>} : memref<16384xf32, #tpu.memory_space<vmem>>, vector<16xf32>,
      tpu.vector_store %arg10[%swap3A_324], %broadcast_in_dim3A_7 {strides = array<i32>} : memref<16384xf32, #tpu.memory_space<vmem>>, vector<16xf32>,
    }
    %scan3A_12 = arith.constant 1024 : i32
    %mul3A_13 = arith.constant 4096 : i32
    %mul3A_14 = arith.muli %mul3A_2, %mul3A_13 : i32
    %add3A_15 = arith.constant 0 : i32
    %add3A_16 = arith.addi %mul3A_14, %add3A_15 : i32
    %dma_start3A = tpu.memref_slice %arg7[%add3A_16] : memref<16777216xf32, #tpu.memory_space<hbm>> -> memref<16384xf32, #tpu.memory_space<hbm>>
    %dma_start3A_17 = tpu.memref_slice %arg7[%add3A_16] : memref<16777216xf32, #tpu.memory_space<hbm>> -> memref<16384xf32, #tpu.memory_space<hbm>>
    tpu.enqueue_dma source(%arg10 : memref<16384xf32, #tpu.memory_space<vmem>>) target(%dma_start3A_17 : memref<16384xf32, #tpu.memory_space<hbm>>) target_semaphore(%arg16 : memref<!tpu.dma_semaphore, #tpu.memory_space<semaphore_mem>>)
    %mul3A_18 = arith.constant 4096 : i32
    %mul3A_19 = arith.muli %mul3A_2, %mul3A_18 : i32
    %add3A_20 = arith.constant 16384 : i32
    %add3A_21 = arith.addi %mul3A_19, %add3A_20 : i32
    %dma_start3A_22 = tpu.memref_slice %arg7[%add3A_21] : memref<16777216xf32, #tpu.memory_space<hbm>> -> memref<16384xf32, #tpu.memory_space<hbm>>
    %dma_start3A_23 = tpu.memref_slice %arg7[%add3A_21] : memref<16777216xf32, #tpu.memory_space<hbm>> -> memref<16384xf32, #tpu.memory_space<hbm>>
    tpu.enqueue_dma source(%arg10 : memref<16384xf32, #tpu.memory_space<vmem>>) target(%dma_start3A_23 : memref<16384xf32, #tpu.memory_space<hbm>>) target_semaphore(%arg16 : memref<!tpu.dma_semaphore, #tpu.memory_space<semaphore_mem>>)
    %mul3A_24 = arith.constant 4096 : i32
    %mul3A_25 = arith.muli %mul3A_2, %mul3A_24 : i32
    %add3A_26 = arith.constant 32768 : i32
    %add3A_27 = arith.addi %mul3A_25, %add3A_26 : i32
    %dma_start3A_28 = tpu.memref_slice %arg7[%add3A_27] : memref<16777216xf32, #tpu.memory_space<hbm>> -> memref<16384xf32, #tpu.memory_space<hbm>>
    %dma_start3A_29 = tpu.memref_slice %arg7[%add3A_27] : memref<16777216xf32, #tpu.memory_space<hbm>> -> memref<16384xf32, #tpu.memory_space<hbm>>
    tpu.enqueue_dma source(%arg10 : memref<16384xf32, #tpu.memory_space<vmem>>) target(%dma_start3A_29 : memref<16384xf32, #tpu.memory_space<hbm>>) target_semaphore(%arg16 : memref<!tpu.dma_semaphore, #tpu.memory_space<semaphore_mem>>)
    %mul3A_30 = arith.constant 4096 : i32
    %mul3A_31 = arith.muli %mul3A_2, %mul3A_30 : i32
    %add3A_32 = arith.constant 49152 : i32
    %add3A_33 = arith.addi %mul3A_31, %add3A_32 : i32
    %dma_start3A_34 = tpu.memref_slice %arg7[%add3A_33] : memref<16777216xf32, #tpu.memory_space<hbm>> -> memref<16384xf32, #tpu.memory_space<hbm>>
    %dma_start3A_35 = tpu.memref_slice %arg7[%add3A_33] : memref<16777216xf32, #tpu.memory_space<hbm>> -> memref<16384xf32, #tpu.memory_space<hbm>>
    tpu.enqueue_dma source(%arg10 : memref<16384xf32, #tpu.memory_space<vmem>>) target(%dma_start3A_35 : memref<16384xf32, #tpu.memory_space<hbm>>) target_semaphore(%arg16 : memref<!tpu.dma_semaphore, #tpu.memory_space<semaphore_mem>>)
    %mul3A_36 = arith.constant 4096 : i32
    %mul3A_37 = arith.muli %mul3A_2, %mul3A_36 : i32
    %add3A_38 = arith.constant 65536 : i32
    %add3A_39 = arith.addi %mul3A_37, %add3A_38 : i32
    %dma_start3A_40 = tpu.memref_slice %arg7[%add3A_39] : memref<16777216xf32, #tpu.memory_space<hbm>> -> memref<16384xf32, #tpu.memory_space<hbm>>
    %dma_start3A_41 = tpu.memref_slice %arg7[%add3A_39] : memref<16777216xf32, #tpu.memory_space<hbm>> -> memref<16384xf32, #tpu.memory_space<hbm>>
    tpu.enqueue_dma source(%arg10 : memref<16384xf32, #tpu.memory_space<vmem>>) target(%dma_start3A_41 : memref<16384xf32, #tpu.memory_space<hbm>>) target_semaphore(%arg16 : memref<!tpu.dma_semaphore, #tpu.memory_space<semaphore_mem>>)
    %mul3A_42 = arith.constant 4096 : i32
    %mul3A_43 = arith.muli %mul3A_2, %mul3A_42 : i32
    %add3A_44 = arith.constant 81920 : i32
    %add3A_45 = arith.addi %mul3A_43, %add3A_44 : i32
    %dma_start3A_46 = tpu.memref_slice %arg7[%add3A_45] : memref<16777216xf32, #tpu.memory_space<hbm>> -> memref<16384xf32, #tpu.memory_space<hbm>>
    %dma_start3A_47 = tpu.memref_slice %arg7[%add3A_45] : memref<16777216xf32, #tpu.memory_space<hbm>> -> memref<16384xf32, #tpu.memory_space<hbm>>
    tpu.enqueue_dma source(%arg10 : memref<16384xf32, #tpu.memory_space<vmem>>) target(%dma_start3A_47 : memref<16384xf32, #tpu.memory_space<hbm>>) target_semaphore(%arg16 : memref<!tpu.dma_semaphore, #tpu.memory_space<semaphore_mem>>)
    %mul3A_48 = arith.constant 4096 : i32
    %mul3A_49 = arith.muli %mul3A_2, %mul3A_48 : i32
    %add3A_50 = arith.constant 98304 : i32
    %add3A_51 = arith.addi %mul3A_49, %add3A_50 : i32
    %dma_start3A_52 = tpu.memref_slice %arg7[%add3A_51] : memref<16777216xf32, #tpu.memory_space<hbm>> -> memref<16384xf32, #tpu.memory_space<hbm>>
    %dma_start3A_53 = tpu.memref_slice %arg7[%add3A_51] : memref<16777216xf32, #tpu.memory_space<hbm>> -> memref<16384xf32, #tpu.memory_space<hbm>>
    tpu.enqueue_dma source(%arg10 : memref<16384xf32, #tpu.memory_space<vmem>>) target(%dma_start3A_53 : memref<16384xf32, #tpu.memory_space<hbm>>) target_semaphore(%arg16 : memref<!tpu.dma_semaphore, #tpu.memory_space<semaphore_mem>>)
    %mul3A_54 = arith.constant 4096 : i32
    %mul3A_55 = arith.muli %mul3A_2, %mul3A_54 : i32
    %add3A_56 = arith.constant 114688 : i32
    %add3A_57 = arith.addi %mul3A_55, %add3A_56 : i32
    %dma_start3A_58 = tpu.memref_slice %arg7[%add3A_57] : memref<16777216xf32, #tpu.memory_space<hbm>> -> memref<16384xf32, #tpu.memory_space<hbm>>
    %dma_start3A_59 = tpu.memref_slice %arg7[%add3A_57] : memref<16777216xf32, #tpu.memory_space<hbm>> -> memref<16384xf32, #tpu.memory_space<hbm>>
    tpu.enqueue_dma source(%arg10 : memref<16384xf32, #tpu.memory_space<vmem>>) target(%dma_start3A_59 : memref<16384xf32, #tpu.memory_space<hbm>>) target_semaphore(%arg16 : memref<!tpu.dma_semaphore, #tpu.memory_space<semaphore_mem>>)
    %mul3A_60 = arith.constant 4096 : i32
    %mul3A_61 = arith.muli %mul3A_2, %mul3A_60 : i32
    %add3A_62 = arith.constant 131072 : i32
    %add3A_63 = arith.addi %mul3A_61, %add3A_62 : i32
    %dma_start3A_64 = tpu.memref_slice %arg7[%add3A_63] : memref<16777216xf32, #tpu.memory_space<hbm>> -> memref<16384xf32, #tpu.memory_space<hbm>>
    %dma_start3A_65 = tpu.memref_slice %arg7[%add3A_63] : memref<16777216xf32, #tpu.memory_space<hbm>> -> memref<16384xf32, #tpu.memory_space<hbm>>
    tpu.enqueue_dma source(%arg10 : memref<16384xf32, #tpu.memory_space<vmem>>) target(%dma_start3A_65 : memref<16384xf32, #tpu.memory_space<hbm>>) target_semaphore(%arg16 : memref<!tpu.dma_semaphore, #tpu.memory_space<semaphore_mem>>)
    %mul3A_66 = arith.constant 4096 : i32
    %mul3A_67 = arith.muli %mul3A_2, %mul3A_66 : i32
    %add3A_68 = arith.constant 147456 : i32
    %add3A_69 = arith.addi %mul3A_67, %add3A_68 : i32
    %dma_start3A_70 = tpu.memref_slice %arg7[%add3A_69] : memref<16777216xf32, #tpu.memory_space<hbm>> -> memref<16384xf32, #tpu.memory_space<hbm>>
    %dma_start3A_71 = tpu.memref_slice %arg7[%add3A_69] : memref<16777216xf32, #tpu.memory_space<hbm>> -> memref<16384xf32, #tpu.memory_space<hbm>>
    tpu.enqueue_dma source(%arg10 : memref<16384xf32, #tpu.memory_space<vmem>>) target(%dma_start3A_71 : memref<16384xf32, #tpu.memory_space<hbm>>) target_semaphore(%arg16 : memref<!tpu.dma_semaphore, #tpu.memory_space<semaphore_mem>>)
    %mul3A_72 = arith.constant 4096 : i32
    %mul3A_73 = arith.muli %mul3A_2, %mul3A_72 : i32
    %add3A_74 = arith.constant 163840 : i32
    %add3A_75 = arith.addi %mul3A_73, %add3A_74 : i32
    %dma_start3A_76 = tpu.memref_slice %arg7[%add3A_75] : memref<16777216xf32, #tpu.memory_space<hbm>> -> memref<16384xf32, #tpu.memory_space<hbm>>
    %dma_start3A_77 = tpu.memref_slice %arg7[%add3A_75] : memref<16777216xf32, #tpu.memory_space<hbm>> -> memref<16384xf32, #tpu.memory_space<hbm>>
    tpu.enqueue_dma source(%arg10 : memref<16384xf32, #tpu.memory_space<vmem>>) target(%dma_start3A_77 : memref<16384xf32, #tpu.memory_space<hbm>>) target_semaphore(%arg16 : memref<!tpu.dma_semaphore, #tpu.memory_space<semaphore_mem>>)
    %mul3A_78 = arith.constant 4096 : i32
    %mul3A_79 = arith.muli %mul3A_2, %mul3A_78 : i32
    %add3A_80 = arith.constant 180224 : i32
    %add3A_81 = arith.addi %mul3A_79, %add3A_80 : i32
    %dma_start3A_82 = tpu.memref_slice %arg7[%add3A_81] : memref<16777216xf32, #tpu.memory_space<hbm>> -> memref<16384xf32, #tpu.memory_space<hbm>>
    %dma_start3A_83 = tpu.memref_slice %arg7[%add3A_81] : memref<16777216xf32, #tpu.memory_space<hbm>> -> memref<16384xf32, #tpu.memory_space<hbm>>
    tpu.enqueue_dma source(%arg10 : memref<16384xf32, #tpu.memory_space<vmem>>) target(%dma_start3A_83 : memref<16384xf32, #tpu.memory_space<hbm>>) target_semaphore(%arg16 : memref<!tpu.dma_semaphore, #tpu.memory_space<semaphore_mem>>)
    %mul3A_84 = arith.constant 4096 : i32
    %mul3A_85 = arith.muli %mul3A_2, %mul3A_84 : i32
    %add3A_86 = arith.constant 196608 : i32
    %add3A_87 = arith.addi %mul3A_85, %add3A_86 : i32
    %dma_start3A_88 = tpu.memref_slice %arg7[%add3A_87] : memref<16777216xf32, #tpu.memory_space<hbm>> -> memref<16384xf32, #tpu.memory_space<hbm>>
    %dma_start3A_89 = tpu.memref_slice %arg7[%add3A_87] : memref<16777216xf32, #tpu.memory_space<hbm>> -> memref<16384xf32, #tpu.memory_space<hbm>>
    tpu.enqueue_dma source(%arg10 : memref<16384xf32, #tpu.memory_space<vmem>>) target(%dma_start3A_89 : memref<16384xf32, #tpu.memory_space<hbm>>) target_semaphore(%arg16 : memref<!tpu.dma_semaphore, #tpu.memory_space<semaphore_mem>>)
    %mul3A_90 = arith.constant 4096 : i32
    %mul3A_91 = arith.muli %mul3A_2, %mul3A_90 : i32
    %add3A_92 = arith.constant 212992 : i32
    %add3A_93 = arith.addi %mul3A_91, %add3A_92 : i32
    %dma_start3A_94 = tpu.memref_slice %arg7[%add3A_93] : memref<16777216xf32, #tpu.memory_space<hbm>> -> memref<16384xf32, #tpu.memory_space<hbm>>
    %dma_start3A_95 = tpu.memref_slice %arg7[%add3A_93] : memref<16777216xf32, #tpu.memory_space<hbm>> -> memref<16384xf32, #tpu.memory_space<hbm>>
    tpu.enqueue_dma source(%arg10 : memref<16384xf32, #tpu.memory_space<vmem>>) target(%dma_start3A_95 : memref<16384xf32, #tpu.memory_space<hbm>>) target_semaphore(%arg16 : memref<!tpu.dma_semaphore, #tpu.memory_space<semaphore_mem>>)
    %mul3A_96 = arith.constant 4096 : i32
    %mul3A_97 = arith.muli %mul3A_2, %mul3A_96 : i32
    %add3A_98 = arith.constant 229376 : i32
    %add3A_99 = arith.addi %mul3A_97, %add3A_98 : i32
    %dma_start3A_100 = tpu.memref_slice %arg7[%add3A_99] : memref<16777216xf32, #tpu.memory_space<hbm>> -> memref<16384xf32, #tpu.memory_space<hbm>>
    %dma_start3A_101 = tpu.memref_slice %arg7[%add3A_99] : memref<16777216xf32, #tpu.memory_space<hbm>> -> memref<16384xf32, #tpu.memory_space<hbm>>
    tpu.enqueue_dma source(%arg10 : memref<16384xf32, #tpu.memory_space<vmem>>) target(%dma_start3A_101 : memref<16384xf32, #tpu.memory_space<hbm>>) target_semaphore(%arg16 : memref<!tpu.dma_semaphore, #tpu.memory_space<semaphore_mem>>)
    %mul3A_102 = arith.constant 4096 : i32
    %mul3A_103 = arith.muli %mul3A_2, %mul3A_102 : i32
    %add3A_104 = arith.constant 245760 : i32
    %add3A_105 = arith.addi %mul3A_103, %add3A_104 : i32
    %dma_start3A_106 = tpu.memref_slice %arg7[%add3A_105] : memref<16777216xf32, #tpu.memory_space<hbm>> -> memref<16384xf32, #tpu.memory_space<hbm>>
    %dma_start3A_107 = tpu.memref_slice %arg7[%add3A_105] : memref<16777216xf32, #tpu.memory_space<hbm>> -> memref<16384xf32, #tpu.memory_space<hbm>>
    tpu.enqueue_dma source(%arg10 : memref<16384xf32, #tpu.memory_space<vmem>>) target(%dma_start3A_107 : memref<16384xf32, #tpu.memory_space<hbm>>) target_semaphore(%arg16 : memref<!tpu.dma_semaphore, #tpu.memory_space<semaphore_mem>>)
    %mul3A_108 = arith.constant 4096 : i32
    %mul3A_109 = arith.muli %mul3A_2, %mul3A_108 : i32
    %add3A_110 = arith.constant 262144 : i32
    %add3A_111 = arith.addi %mul3A_109, %add3A_110 : i32
    %dma_start3A_112 = tpu.memref_slice %arg7[%add3A_111] : memref<16777216xf32, #tpu.memory_space<hbm>> -> memref<16384xf32, #tpu.memory_space<hbm>>
    %dma_start3A_113 = tpu.memref_slice %arg7[%add3A_111] : memref<16777216xf32, #tpu.memory_space<hbm>> -> memref<16384xf32, #tpu.memory_space<hbm>>
    tpu.enqueue_dma source(%arg10 : memref<16384xf32, #tpu.memory_space<vmem>>) target(%dma_start3A_113 : memref<16384xf32, #tpu.memory_space<hbm>>) target_semaphore(%arg16 : memref<!tpu.dma_semaphore, #tpu.memory_space<semaphore_mem>>)
    %mul3A_114 = arith.constant 4096 : i32
    %mul3A_115 = arith.muli %mul3A_2, %mul3A_114 : i32
    %add3A_116 = arith.constant 278528 : i32
    %add3A_117 = arith.addi %mul3A_115, %add3A_116 : i32
    %dma_start3A_118 = tpu.memref_slice %arg7[%add3A_117] : memref<16777216xf32, #tpu.memory_space<hbm>> -> memref<16384xf32, #tpu.memory_space<hbm>>
    %dma_start3A_119 = tpu.memref_slice %arg7[%add3A_117] : memref<16777216xf32, #tpu.memory_space<hbm>> -> memref<16384xf32, #tpu.memory_space<hbm>>
    tpu.enqueue_dma source(%arg10 : memref<16384xf32, #tpu.memory_space<vmem>>) target(%dma_start3A_119 : memref<16384xf32, #tpu.memory_space<hbm>>) target_semaphore(%arg16 : memref<!tpu.dma_semaphore, #tpu.memory_space<semaphore_mem>>)
    %mul3A_120 = arith.constant 4096 : i32
    %mul3A_121 = arith.muli %mul3A_2, %mul3A_120 : i32
    %add3A_122 = arith.constant 294912 : i32
    %add3A_123 = arith.addi %mul3A_121, %add3A_122 : i32
    %dma_start3A_124 = tpu.memref_slice %arg7[%add3A_123] : memref<16777216xf32, #tpu.memory_space<hbm>> -> memref<16384xf32, #tpu.memory_space<hbm>>
    %dma_start3A_125 = tpu.memref_slice %arg7[%add3A_123] : memref<16777216xf32, #tpu.memory_space<hbm>> -> memref<16384xf32, #tpu.memory_space<hbm>>
    tpu.enqueue_dma source(%arg10 : memref<16384xf32, #tpu.memory_space<vmem>>) target(%dma_start3A_125 : memref<16384xf32, #tpu.memory_space<hbm>>) target_semaphore(%arg16 : memref<!tpu.dma_semaphore, #tpu.memory_space<semaphore_mem>>)
    %mul3A_126 = arith.constant 4096 : i32
    %mul3A_127 = arith.muli %mul3A_2, %mul3A_126 : i32
    %add3A_128 = arith.constant 311296 : i32
    %add3A_129 = arith.addi %mul3A_127, %add3A_128 : i32
    %dma_start3A_130 = tpu.memref_slice %arg7[%add3A_129] : memref<16777216xf32, #tpu.memory_space<hbm>> -> memref<16384xf32, #tpu.memory_space<hbm>>
    %dma_start3A_131 = tpu.memref_slice %arg7[%add3A_129] : memref<16777216xf32, #tpu.memory_space<hbm>> -> memref<16384xf32, #tpu.memory_space<hbm>>
    tpu.enqueue_dma source(%arg10 : memref<16384xf32, #tpu.memory_space<vmem>>) target(%dma_start3A_131 : memref<16384xf32, #tpu.memory_space<hbm>>) target_semaphore(%arg16 : memref<!tpu.dma_semaphore, #tpu.memory_space<semaphore_mem>>)
    %mul3A_132 = arith.constant 4096 : i32
    %mul3A_133 = arith.muli %mul3A_2, %mul3A_132 : i32
    %add3A_134 = arith.constant 327680 : i32
    %add3A_135 = arith.addi %mul3A_133, %add3A_134 : i32
    %dma_start3A_136 = tpu.memref_slice %arg7[%add3A_135] : memref<16777216xf32, #tpu.memory_space<hbm>> -> memref<16384xf32, #tpu.memory_space<hbm>>
    %dma_start3A_137 = tpu.memref_slice %arg7[%add3A_135] : memref<16777216xf32, #tpu.memory_space<hbm>> -> memref<16384xf32, #tpu.memory_space<hbm>>
    tpu.enqueue_dma source(%arg10 : memref<16384xf32, #tpu.memory_space<vmem>>) target(%dma_start3A_137 : memref<16384xf32, #tpu.memory_space<hbm>>) target_semaphore(%arg16 : memref<!tpu.dma_semaphore, #tpu.memory_space<semaphore_mem>>)
    %mul3A_138 = arith.constant 4096 : i32
    %mul3A_139 = arith.muli %mul3A_2, %mul3A_138 : i32
    %add3A_140 = arith.constant 344064 : i32
    %add3A_141 = arith.addi %mul3A_139, %add3A_140 : i32
    %dma_start3A_142 = tpu.memref_slice %arg7[%add3A_141] : memref<16777216xf32, #tpu.memory_space<hbm>> -> memref<16384xf32, #tpu.memory_space<hbm>>
    %dma_start3A_143 = tpu.memref_slice %arg7[%add3A_141] : memref<16777216xf32, #tpu.memory_space<hbm>> -> memref<16384xf32, #tpu.memory_space<hbm>>
    tpu.enqueue_dma source(%arg10 : memref<16384xf32, #tpu.memory_space<vmem>>) target(%dma_start3A_143 : memref<16384xf32, #tpu.memory_space<hbm>>) target_semaphore(%arg16 : memref<!tpu.dma_semaphore, #tpu.memory_space<semaphore_mem>>)
    %mul3A_144 = arith.constant 4096 : i32
    %mul3A_145 = arith.muli %mul3A_2, %mul3A_144 : i32
    %add3A_146 = arith.constant 360448 : i32
    %add3A_147 = arith.addi %mul3A_145, %add3A_146 : i32
    %dma_start3A_148 = tpu.memref_slice %arg7[%add3A_147] : memref<16777216xf32, #tpu.memory_space<hbm>> -> memref<16384xf32, #tpu.memory_space<hbm>>
    %dma_start3A_149 = tpu.memref_slice %arg7[%add3A_147] : memref<16777216xf32, #tpu.memory_space<hbm>> -> memref<16384xf32, #tpu.memory_space<hbm>>
    tpu.enqueue_dma source(%arg10 : memref<16384xf32, #tpu.memory_space<vmem>>) target(%dma_start3A_149 : memref<16384xf32, #tpu.memory_space<hbm>>) target_semaphore(%arg16 : memref<!tpu.dma_semaphore, #tpu.memory_space<semaphore_mem>>)
    %mul3A_150 = arith.constant 4096 : i32
    %mul3A_151 = arith.muli %mul3A_2, %mul3A_150 : i32
    %add3A_152 = arith.constant 376832 : i32
    %add3A_153 = arith.addi %mul3A_151, %add3A_152 : i32
    %dma_start3A_154 = tpu.memref_slice %arg7[%add3A_153] : memref<16777216xf32, #tpu.memory_space<hbm>> -> memref<16384xf32, #tpu.memory_space<hbm>>
    %dma_start3A_155 = tpu.memref_slice %arg7[%add3A_153] : memref<16777216xf32, #tpu.memory_space<hbm>> -> memref<16384xf32, #tpu.memory_space<hbm>>
    tpu.enqueue_dma source(%arg10 : memref<16384xf32, #tpu.memory_space<vmem>>) target(%dma_start3A_155 : memref<16384xf32, #tpu.memory_space<hbm>>) target_semaphore(%arg16 : memref<!tpu.dma_semaphore, #tpu.memory_space<semaphore_mem>>)
    %mul3A_156 = arith.constant 4096 : i32
    %mul3A_157 = arith.muli %mul3A_2, %mul3A_156 : i32
    %add3A_158 = arith.constant 393216 : i32
    %add3A_159 = arith.addi %mul3A_157, %add3A_158 : i32
    %dma_start3A_160 = tpu.memref_slice %arg7[%add3A_159] : memref<16777216xf32, #tpu.memory_space<hbm>> -> memref<16384xf32, #tpu.memory_space<hbm>>
    %dma_start3A_161 = tpu.memref_slice %arg7[%add3A_159] : memref<16777216xf32, #tpu.memory_space<hbm>> -> memref<16384xf32, #tpu.memory_space<hbm>>
    tpu.enqueue_dma source(%arg10 : memref<16384xf32, #tpu.memory_space<vmem>>) target(%dma_start3A_161 : memref<16384xf32, #tpu.memory_space<hbm>>) target_semaphore(%arg16 : memref<!tpu.dma_semaphore, #tpu.memory_space<semaphore_mem>>)
    %mul3A_162 = arith.constant 4096 : i32
    %mul3A_163 = arith.muli %mul3A_2, %mul3A_162 : i32
    %add3A_164 = arith.constant 409600 : i32
    %add3A_165 = arith.addi %mul3A_163, %add3A_164 : i32
    %dma_start3A_166 = tpu.memref_slice %arg7[%add3A_165] : memref<16777216xf32, #tpu.memory_space<hbm>> -> memref<16384xf32, #tpu.memory_space<hbm>>
    %dma_start3A_167 = tpu.memref_slice %arg7[%add3A_165] : memref<16777216xf32, #tpu.memory_space<hbm>> -> memref<16384xf32, #tpu.memory_space<hbm>>
    tpu.enqueue_dma source(%arg10 : memref<16384xf32, #tpu.memory_space<vmem>>) target(%dma_start3A_167 : memref<16384xf32, #tpu.memory_space<hbm>>) target_semaphore(%arg16 : memref<!tpu.dma_semaphore, #tpu.memory_space<semaphore_mem>>)
    %mul3A_168 = arith.constant 4096 : i32
    %mul3A_169 = arith.muli %mul3A_2, %mul3A_168 : i32
    %add3A_170 = arith.constant 425984 : i32
    %add3A_171 = arith.addi %mul3A_169, %add3A_170 : i32
    %dma_start3A_172 = tpu.memref_slice %arg7[%add3A_171] : memref<16777216xf32, #tpu.memory_space<hbm>> -> memref<16384xf32, #tpu.memory_space<hbm>>
    %dma_start3A_173 = tpu.memref_slice %arg7[%add3A_171] : memref<16777216xf32, #tpu.memory_space<hbm>> -> memref<16384xf32, #tpu.memory_space<hbm>>
    tpu.enqueue_dma source(%arg10 : memref<16384xf32, #tpu.memory_space<vmem>>) target(%dma_start3A_173 : memref<16384xf32, #tpu.memory_space<hbm>>) target_semaphore(%arg16 : memref<!tpu.dma_semaphore, #tpu.memory_space<semaphore_mem>>)
    %mul3A_174 = arith.constant 4096 : i32
    %mul3A_175 = arith.muli %mul3A_2, %mul3A_174 : i32
    %add3A_176 = arith.constant 442368 : i32
    %add3A_177 = arith.addi %mul3A_175, %add3A_176 : i32
    %dma_start3A_178 = tpu.memref_slice %arg7[%add3A_177] : memref<16777216xf32, #tpu.memory_space<hbm>> -> memref<16384xf32, #tpu.memory_space<hbm>>
    %dma_start3A_179 = tpu.memref_slice %arg7[%add3A_177] : memref<16777216xf32, #tpu.memory_space<hbm>> -> memref<16384xf32, #tpu.memory_space<hbm>>
    tpu.enqueue_dma source(%arg10 : memref<16384xf32, #tpu.memory_space<vmem>>) target(%dma_start3A_179 : memref<16384xf32, #tpu.memory_space<hbm>>) target_semaphore(%arg16 : memref<!tpu.dma_semaphore, #tpu.memory_space<semaphore_mem>>)
    %mul3A_180 = arith.constant 4096 : i32
    %mul3A_181 = arith.muli %mul3A_2, %mul3A_180 : i32
    %add3A_182 = arith.constant 458752 : i32
    %add3A_183 = arith.addi %mul3A_181, %add3A_182 : i32
    %dma_start3A_184 = tpu.memref_slice %arg7[%add3A_183] : memref<16777216xf32, #tpu.memory_space<hbm>> -> memref<16384xf32, #tpu.memory_space<hbm>>
    %dma_start3A_185 = tpu.memref_slice %arg7[%add3A_183] : memref<16777216xf32, #tpu.memory_space<hbm>> -> memref<16384xf32, #tpu.memory_space<hbm>>
    tpu.enqueue_dma source(%arg10 : memref<16384xf32, #tpu.memory_space<vmem>>) target(%dma_start3A_185 : memref<16384xf32, #tpu.memory_space<hbm>>) target_semaphore(%arg16 : memref<!tpu.dma_semaphore, #tpu.memory_space<semaphore_mem>>)
    %mul3A_186 = arith.constant 4096 : i32
    %mul3A_187 = arith.muli %mul3A_2, %mul3A_186 : i32
    %add3A_188 = arith.constant 475136 : i32
    %add3A_189 = arith.addi %mul3A_187, %add3A_188 : i32
    %dma_start3A_190 = tpu.memref_slice %arg7[%add3A_189] : memref<16777216xf32, #tpu.memory_space<hbm>> -> memref<16384xf32, #tpu.memory_space<hbm>>
    %dma_start3A_191 = tpu.memref_slice %arg7[%add3A_189] : memref<16777216xf32, #tpu.memory_space<hbm>> -> memref<16384xf32, #tpu.memory_space<hbm>>
    tpu.enqueue_dma source(%arg10 : memref<16384xf32, #tpu.memory_space<vmem>>) target(%dma_start3A_191 : memref<16384xf32, #tpu.memory_space<hbm>>) target_semaphore(%arg16 : memref<!tpu.dma_semaphore, #tpu.memory_space<semaphore_mem>>)
    %mul3A_192 = arith.constant 4096 : i32
    %mul3A_193 = arith.muli %mul3A_2, %mul3A_192 : i32
    %add3A_194 = arith.constant 491520 : i32
    %add3A_195 = arith.addi %mul3A_193, %add3A_194 : i32
    %dma_start3A_196 = tpu.memref_slice %arg7[%add3A_195] : memref<16777216xf32, #tpu.memory_space<hbm>> -> memref<16384xf32, #tpu.memory_space<hbm>>
    %dma_start3A_197 = tpu.memref_slice %arg7[%add3A_195] : memref<16777216xf32, #tpu.memory_space<hbm>> -> memref<16384xf32, #tpu.memory_space<hbm>>
    tpu.enqueue_dma source(%arg10 : memref<16384xf32, #tpu.memory_space<vmem>>) target(%dma_start3A_197 : memref<16384xf32, #tpu.memory_space<hbm>>) target_semaphore(%arg16 : memref<!tpu.dma_semaphore, #tpu.memory_space<semaphore_mem>>)
    %mul3A_198 = arith.constant 4096 : i32
    %mul3A_199 = arith.muli %mul3A_2, %mul3A_198 : i32
    %add3A_200 = arith.constant 507904 : i32
    %add3A_201 = arith.addi %mul3A_199, %add3A_200 : i32
    %dma_start3A_202 = tpu.memref_slice %arg7[%add3A_201] : memref<16777216xf32, #tpu.memory_space<hbm>> -> memref<16384xf32, #tpu.memory_space<hbm>>
    %dma_start3A_203 = tpu.memref_slice %arg7[%add3A_201] : memref<16777216xf32, #tpu.memory_space<hbm>> -> memref<16384xf32, #tpu.memory_space<hbm>>
    tpu.enqueue_dma source(%arg10 : memref<16384xf32, #tpu.memory_space<vmem>>) target(%dma_start3A_203 : memref<16384xf32, #tpu.memory_space<hbm>>) target_semaphore(%arg16 : memref<!tpu.dma_semaphore, #tpu.memory_space<semaphore_mem>>)
    %dma_wait3A = tpu.memref_slice %arg7[%add3A_16] : memref<16777216xf32, #tpu.memory_space<hbm>> -> memref<16384xf32, #tpu.memory_space<hbm>>
    %dma_wait3A_204 = tpu.memref_slice %arg7[%add3A_16] : memref<16777216xf32, #tpu.memory_space<hbm>> -> memref<16384xf32, #tpu.memory_space<hbm>>
    tpu.wait_dma2 semaphore(%arg16 : memref<!tpu.dma_semaphore, #tpu.memory_space<semaphore_mem>>) src(%arg10 : memref<16384xf32, #tpu.memory_space<vmem>>) dst(%dma_wait3A_204 : memref<16384xf32, #tpu.memory_space<hbm>>)
    %dma_wait3A_205 = tpu.memref_slice %arg7[%add3A_21] : memref<16777216xf32, #tpu.memory_space<hbm>> -> memref<16384xf32, #tpu.memory_space<hbm>>
    %dma_wait3A_206 = tpu.memref_slice %arg7[%add3A_21] : memref<16777216xf32, #tpu.memory_space<hbm>> -> memref<16384xf32, #tpu.memory_space<hbm>>
    tpu.wait_dma2 semaphore(%arg16 : memref<!tpu.dma_semaphore, #tpu.memory_space<semaphore_mem>>) src(%arg10 : memref<16384xf32, #tpu.memory_space<vmem>>) dst(%dma_wait3A_206 : memref<16384xf32, #tpu.memory_space<hbm>>)
    %dma_wait3A_207 = tpu.memref_slice %arg7[%add3A_27] : memref<16777216xf32, #tpu.memory_space<hbm>> -> memref<16384xf32, #tpu.memory_space<hbm>>
    %dma_wait3A_208 = tpu.memref_slice %arg7[%add3A_27] : memref<16777216xf32, #tpu.memory_space<hbm>> -> memref<16384xf32, #tpu.memory_space<hbm>>
    tpu.wait_dma2 semaphore(%arg16 : memref<!tpu.dma_semaphore, #tpu.memory_space<semaphore_mem>>) src(%arg10 : memref<16384xf32, #tpu.memory_space<vmem>>) dst(%dma_wait3A_208 : memref<16384xf32, #tpu.memory_space<hbm>>)
    %dma_wait3A_209 = tpu.memref_slice %arg7[%add3A_33] : memref<16777216xf32, #tpu.memory_space<hbm>> -> memref<16384xf32, #tpu.memory_space<hbm>>
    %dma_wait3A_210 = tpu.memref_slice %arg7[%add3A_33] : memref<16777216xf32, #tpu.memory_space<hbm>> -> memref<16384xf32, #tpu.memory_space<hbm>>
    tpu.wait_dma2 semaphore(%arg16 : memref<!tpu.dma_semaphore, #tpu.memory_space<semaphore_mem>>) src(%arg10 : memref<16384xf32, #tpu.memory_space<vmem>>) dst(%dma_wait3A_210 : memref<16384xf32, #tpu.memory_space<hbm>>)
    %dma_wait3A_211 = tpu.memref_slice %arg7[%add3A_39] : memref<16777216xf32, #tpu.memory_space<hbm>> -> memref<16384xf32, #tpu.memory_space<hbm>>
    %dma_wait3A_212 = tpu.memref_slice %arg7[%add3A_39] : memref<16777216xf32, #tpu.memory_space<hbm>> -> memref<16384xf32, #tpu.memory_space<hbm>>
    tpu.wait_dma2 semaphore(%arg16 : memref<!tpu.dma_semaphore, #tpu.memory_space<semaphore_mem>>) src(%arg10 : memref<16384xf32, #tpu.memory_space<vmem>>) dst(%dma_wait3A_212 : memref<16384xf32, #tpu.memory_space<hbm>>)
    %dma_wait3A_213 = tpu.memref_slice %arg7[%add3A_45] : memref<16777216xf32, #tpu.memory_space<hbm>> -> memref<16384xf32, #tpu.memory_space<hbm>>
    %dma_wait3A_214 = tpu.memref_slice %arg7[%add3A_45] : memref<16777216xf32, #tpu.memory_space<hbm>> -> memref<16384xf32, #tpu.memory_space<hbm>>
    tpu.wait_dma2 semaphore(%arg16 : memref<!tpu.dma_semaphore, #tpu.memory_space<semaphore_mem>>) src(%arg10 : memref<16384xf32, #tpu.memory_space<vmem>>) dst(%dma_wait3A_214 : memref<16384xf32, #tpu.memory_space<hbm>>)
    %dma_wait3A_215 = tpu.memref_slice %arg7[%add3A_51] : memref<16777216xf32, #tpu.memory_space<hbm>> -> memref<16384xf32, #tpu.memory_space<hbm>>
    %dma_wait3A_216 = tpu.memref_slice %arg7[%add3A_51] : memref<16777216xf32, #tpu.memory_space<hbm>> -> memref<16384xf32, #tpu.memory_space<hbm>>
    tpu.wait_dma2 semaphore(%arg16 : memref<!tpu.dma_semaphore, #tpu.memory_space<semaphore_mem>>) src(%arg10 : memref<16384xf32, #tpu.memory_space<vmem>>) dst(%dma_wait3A_216 : memref<16384xf32, #tpu.memory_space<hbm>>)
    %dma_wait3A_217 = tpu.memref_slice %arg7[%add3A_57] : memref<16777216xf32, #tpu.memory_space<hbm>> -> memref<16384xf32, #tpu.memory_space<hbm>>
    %dma_wait3A_218 = tpu.memref_slice %arg7[%add3A_57] : memref<16777216xf32, #tpu.memory_space<hbm>> -> memref<16384xf32, #tpu.memory_space<hbm>>
    tpu.wait_dma2 semaphore(%arg16 : memref<!tpu.dma_semaphore, #tpu.memory_space<semaphore_mem>>) src(%arg10 : memref<16384xf32, #tpu.memory_space<vmem>>) dst(%dma_wait3A_218 : memref<16384xf32, #tpu.memory_space<hbm>>)
    %dma_wait3A_219 = tpu.memref_slice %arg7[%add3A_63] : memref<16777216xf32, #tpu.memory_space<hbm>> -> memref<16384xf32, #tpu.memory_space<hbm>>
    %dma_wait3A_220 = tpu.memref_slice %arg7[%add3A_63] : memref<16777216xf32, #tpu.memory_space<hbm>> -> memref<16384xf32, #tpu.memory_space<hbm>>
    tpu.wait_dma2 semaphore(%arg16 : memref<!tpu.dma_semaphore, #tpu.memory_space<semaphore_mem>>) src(%arg10 : memref<16384xf32, #tpu.memory_space<vmem>>) dst(%dma_wait3A_220 : memref<16384xf32, #tpu.memory_space<hbm>>)
    %dma_wait3A_221 = tpu.memref_slice %arg7[%add3A_69] : memref<16777216xf32, #tpu.memory_space<hbm>> -> memref<16384xf32, #tpu.memory_space<hbm>>
    %dma_wait3A_222 = tpu.memref_slice %arg7[%add3A_69] : memref<16777216xf32, #tpu.memory_space<hbm>> -> memref<16384xf32, #tpu.memory_space<hbm>>
    tpu.wait_dma2 semaphore(%arg16 : memref<!tpu.dma_semaphore, #tpu.memory_space<semaphore_mem>>) src(%arg10 : memref<16384xf32, #tpu.memory_space<vmem>>) dst(%dma_wait3A_222 : memref<16384xf32, #tpu.memory_space<hbm>>)
    %dma_wait3A_223 = tpu.memref_slice %arg7[%add3A_75] : memref<16777216xf32, #tpu.memory_space<hbm>> -> memref<16384xf32, #tpu.memory_space<hbm>>
    %dma_wait3A_224 = tpu.memref_slice %arg7[%add3A_75] : memref<16777216xf32, #tpu.memory_space<hbm>> -> memref<16384xf32, #tpu.memory_space<hbm>>
    tpu.wait_dma2 semaphore(%arg16 : memref<!tpu.dma_semaphore, #tpu.memory_space<semaphore_mem>>) src(%arg10 : memref<16384xf32, #tpu.memory_space<vmem>>) dst(%dma_wait3A_224 : memref<16384xf32, #tpu.memory_space<hbm>>)
    %dma_wait3A_225 = tpu.memref_slice %arg7[%add3A_81] : memref<16777216xf32, #tpu.memory_space<hbm>> -> memref<16384xf32, #tpu.memory_space<hbm>>
    %dma_wait3A_226 = tpu.memref_slice %arg7[%add3A_81] : memref<16777216xf32, #tpu.memory_space<hbm>> -> memref<16384xf32, #tpu.memory_space<hbm>>
    tpu.wait_dma2 semaphore(%arg16 : memref<!tpu.dma_semaphore, #tpu.memory_space<semaphore_mem>>) src(%arg10 : memref<16384xf32, #tpu.memory_space<vmem>>) dst(%dma_wait3A_226 : memref<16384xf32, #tpu.memory_space<hbm>>)
    %dma_wait3A_227 = tpu.memref_slice %arg7[%add3A_87] : memref<16777216xf32, #tpu.memory_space<hbm>> -> memref<16384xf32, #tpu.memory_space<hbm>>
    %dma_wait3A_228 = tpu.memref_slice %arg7[%add3A_87] : memref<16777216xf32, #tpu.memory_space<hbm>> -> memref<16384xf32, #tpu.memory_space<hbm>>
    tpu.wait_dma2 semaphore(%arg16 : memref<!tpu.dma_semaphore, #tpu.memory_space<semaphore_mem>>) src(%arg10 : memref<16384xf32, #tpu.memory_space<vmem>>) dst(%dma_wait3A_228 : memref<16384xf32, #tpu.memory_space<hbm>>)
    %dma_wait3A_229 = tpu.memref_slice %arg7[%add3A_93] : memref<16777216xf32, #tpu.memory_space<hbm>> -> memref<16384xf32, #tpu.memory_space<hbm>>
    %dma_wait3A_230 = tpu.memref_slice %arg7[%add3A_93] : memref<16777216xf32, #tpu.memory_space<hbm>> -> memref<16384xf32, #tpu.memory_space<hbm>>
    tpu.wait_dma2 semaphore(%arg16 : memref<!tpu.dma_semaphore, #tpu.memory_space<semaphore_mem>>) src(%arg10 : memref<16384xf32, #tpu.memory_space<vmem>>) dst(%dma_wait3A_230 : memref<16384xf32, #tpu.memory_space<hbm>>)
    %dma_wait3A_231 = tpu.memref_slice %arg7[%add3A_99] : memref<16777216xf32, #tpu.memory_space<hbm>> -> memref<16384xf32, #tpu.memory_space<hbm>>
    %dma_wait3A_232 = tpu.memref_slice %arg7[%add3A_99] : memref<16777216xf32, #tpu.memory_space<hbm>> -> memref<16384xf32, #tpu.memory_space<hbm>>
    tpu.wait_dma2 semaphore(%arg16 : memref<!tpu.dma_semaphore, #tpu.memory_space<semaphore_mem>>) src(%arg10 : memref<16384xf32, #tpu.memory_space<vmem>>) dst(%dma_wait3A_232 : memref<16384xf32, #tpu.memory_space<hbm>>)
    %dma_wait3A_233 = tpu.memref_slice %arg7[%add3A_105] : memref<16777216xf32, #tpu.memory_space<hbm>> -> memref<16384xf32, #tpu.memory_space<hbm>>
    %dma_wait3A_234 = tpu.memref_slice %arg7[%add3A_105] : memref<16777216xf32, #tpu.memory_space<hbm>> -> memref<16384xf32, #tpu.memory_space<hbm>>
    tpu.wait_dma2 semaphore(%arg16 : memref<!tpu.dma_semaphore, #tpu.memory_space<semaphore_mem>>) src(%arg10 : memref<16384xf32, #tpu.memory_space<vmem>>) dst(%dma_wait3A_234 : memref<16384xf32, #tpu.memory_space<hbm>>)
    %dma_wait3A_235 = tpu.memref_slice %arg7[%add3A_111] : memref<16777216xf32, #tpu.memory_space<hbm>> -> memref<16384xf32, #tpu.memory_space<hbm>>
    %dma_wait3A_236 = tpu.memref_slice %arg7[%add3A_111] : memref<16777216xf32, #tpu.memory_space<hbm>> -> memref<16384xf32, #tpu.memory_space<hbm>>
    tpu.wait_dma2 semaphore(%arg16 : memref<!tpu.dma_semaphore, #tpu.memory_space<semaphore_mem>>) src(%arg10 : memref<16384xf32, #tpu.memory_space<vmem>>) dst(%dma_wait3A_236 : memref<16384xf32, #tpu.memory_space<hbm>>)
    %dma_wait3A_237 = tpu.memref_slice %arg7[%add3A_117] : memref<16777216xf32, #tpu.memory_space<hbm>> -> memref<16384xf32, #tpu.memory_space<hbm>>
    %dma_wait3A_238 = tpu.memref_slice %arg7[%add3A_117] : memref<16777216xf32, #tpu.memory_space<hbm>> -> memref<16384xf32, #tpu.memory_space<hbm>>
    tpu.wait_dma2 semaphore(%arg16 : memref<!tpu.dma_semaphore, #tpu.memory_space<semaphore_mem>>) src(%arg10 : memref<16384xf32, #tpu.memory_space<vmem>>) dst(%dma_wait3A_238 : memref<16384xf32, #tpu.memory_space<hbm>>)
    %dma_wait3A_239 = tpu.memref_slice %arg7[%add3A_123] : memref<16777216xf32, #tpu.memory_space<hbm>> -> memref<16384xf32, #tpu.memory_space<hbm>>
    %dma_wait3A_240 = tpu.memref_slice %arg7[%add3A_123] : memref<16777216xf32, #tpu.memory_space<hbm>> -> memref<16384xf32, #tpu.memory_space<hbm>>
    tpu.wait_dma2 semaphore(%arg16 : memref<!tpu.dma_semaphore, #tpu.memory_space<semaphore_mem>>) src(%arg10 : memref<16384xf32, #tpu.memory_space<vmem>>) dst(%dma_wait3A_240 : memref<16384xf32, #tpu.memory_space<hbm>>)
    %dma_wait3A_241 = tpu.memref_slice %arg7[%add3A_129] : memref<16777216xf32, #tpu.memory_space<hbm>> -> memref<16384xf32, #tpu.memory_space<hbm>>
    %dma_wait3A_242 = tpu.memref_slice %arg7[%add3A_129] : memref<16777216xf32, #tpu.memory_space<hbm>> -> memref<16384xf32, #tpu.memory_space<hbm>>
    tpu.wait_dma2 semaphore(%arg16 : memref<!tpu.dma_semaphore, #tpu.memory_space<semaphore_mem>>) src(%arg10 : memref<16384xf32, #tpu.memory_space<vmem>>) dst(%dma_wait3A_242 : memref<16384xf32, #tpu.memory_space<hbm>>)
    %dma_wait3A_243 = tpu.memref_slice %arg7[%add3A_135] : memref<16777216xf32, #tpu.memory_space<hbm>> -> memref<16384xf32, #tpu.memory_space<hbm>>
    %dma_wait3A_244 = tpu.memref_slice %arg7[%add3A_135] : memref<16777216xf32, #tpu.memory_space<hbm>> -> memref<16384xf32, #tpu.memory_space<hbm>>
    tpu.wait_dma2 semaphore(%arg16 : memref<!tpu.dma_semaphore, #tpu.memory_space<semaphore_mem>>) src(%arg10 : memref<16384xf32, #tpu.memory_space<vmem>>) dst(%dma_wait3A_244 : memref<16384xf32, #tpu.memory_space<hbm>>)
    %dma_wait3A_245 = tpu.memref_slice %arg7[%add3A_141] : memref<16777216xf32, #tpu.memory_space<hbm>> -> memref<16384xf32, #tpu.memory_space<hbm>>
    %dma_wait3A_246 = tpu.memref_slice %arg7[%add3A_141] : memref<16777216xf32, #tpu.memory_space<hbm>> -> memref<16384xf32, #tpu.memory_space<hbm>>
    tpu.wait_dma2 semaphore(%arg16 : memref<!tpu.dma_semaphore, #tpu.memory_space<semaphore_mem>>) src(%arg10 : memref<16384xf32, #tpu.memory_space<vmem>>) dst(%dma_wait3A_246 : memref<16384xf32, #tpu.memory_space<hbm>>)
    %dma_wait3A_247 = tpu.memref_slice %arg7[%add3A_147] : memref<16777216xf32, #tpu.memory_space<hbm>> -> memref<16384xf32, #tpu.memory_space<hbm>>
    %dma_wait3A_248 = tpu.memref_slice %arg7[%add3A_147] : memref<16777216xf32, #tpu.memory_space<hbm>> -> memref<16384xf32, #tpu.memory_space<hbm>>
    tpu.wait_dma2 semaphore(%arg16 : memref<!tpu.dma_semaphore, #tpu.memory_space<semaphore_mem>>) src(%arg10 : memref<16384xf32, #tpu.memory_space<vmem>>) dst(%dma_wait3A_248 : memref<16384xf32, #tpu.memory_space<hbm>>)
    %dma_wait3A_249 = tpu.memref_slice %arg7[%add3A_153] : memref<16777216xf32, #tpu.memory_space<hbm>> -> memref<16384xf32, #tpu.memory_space<hbm>>
    %dma_wait3A_250 = tpu.memref_slice %arg7[%add3A_153] : memref<16777216xf32, #tpu.memory_space<hbm>> -> memref<16384xf32, #tpu.memory_space<hbm>>
    tpu.wait_dma2 semaphore(%arg16 : memref<!tpu.dma_semaphore, #tpu.memory_space<semaphore_mem>>) src(%arg10 : memref<16384xf32, #tpu.memory_space<vmem>>) dst(%dma_wait3A_250 : memref<16384xf32, #tpu.memory_space<hbm>>)
    %dma_wait3A_251 = tpu.memref_slice %arg7[%add3A_159] : memref<16777216xf32, #tpu.memory_space<hbm>> -> memref<16384xf32, #tpu.memory_space<hbm>>
    %dma_wait3A_252 = tpu.memref_slice %arg7[%add3A_159] : memref<16777216xf32, #tpu.memory_space<hbm>> -> memref<16384xf32, #tpu.memory_space<hbm>>
    tpu.wait_dma2 semaphore(%arg16 : memref<!tpu.dma_semaphore, #tpu.memory_space<semaphore_mem>>) src(%arg10 : memref<16384xf32, #tpu.memory_space<vmem>>) dst(%dma_wait3A_252 : memref<16384xf32, #tpu.memory_space<hbm>>)
    %dma_wait3A_253 = tpu.memref_slice %arg7[%add3A_165] : memref<16777216xf32, #tpu.memory_space<hbm>> -> memref<16384xf32, #tpu.memory_space<hbm>>
    %dma_wait3A_254 = tpu.memref_slice %arg7[%add3A_165] : memref<16777216xf32, #tpu.memory_space<hbm>> -> memref<16384xf32, #tpu.memory_space<hbm>>
    tpu.wait_dma2 semaphore(%arg16 : memref<!tpu.dma_semaphore, #tpu.memory_space<semaphore_mem>>) src(%arg10 : memref<16384xf32, #tpu.memory_space<vmem>>) dst(%dma_wait3A_254 : memref<16384xf32, #tpu.memory_space<hbm>>)
    %dma_wait3A_255 = tpu.memref_slice %arg7[%add3A_171] : memref<16777216xf32, #tpu.memory_space<hbm>> -> memref<16384xf32, #tpu.memory_space<hbm>>
    %dma_wait3A_256 = tpu.memref_slice %arg7[%add3A_171] : memref<16777216xf32, #tpu.memory_space<hbm>> -> memref<16384xf32, #tpu.memory_space<hbm>>
    tpu.wait_dma2 semaphore(%arg16 : memref<!tpu.dma_semaphore, #tpu.memory_space<semaphore_mem>>) src(%arg10 : memref<16384xf32, #tpu.memory_space<vmem>>) dst(%dma_wait3A_256 : memref<16384xf32, #tpu.memory_space<hbm>>)
    %dma_wait3A_257 = tpu.memref_slice %arg7[%add3A_177] : memref<16777216xf32, #tpu.memory_space<hbm>> -> memref<16384xf32, #tpu.memory_space<hbm>>
    %dma_wait3A_258 = tpu.memref_slice %arg7[%add3A_177] : memref<16777216xf32, #tpu.memory_space<hbm>> -> memref<16384xf32, #tpu.memory_space<hbm>>
    tpu.wait_dma2 semaphore(%arg16 : memref<!tpu.dma_semaphore, #tpu.memory_space<semaphore_mem>>) src(%arg10 : memref<16384xf32, #tpu.memory_space<vmem>>) dst(%dma_wait3A_258 : memref<16384xf32, #tpu.memory_space<hbm>>)
    %dma_wait3A_259 = tpu.memref_slice %arg7[%add3A_183] : memref<16777216xf32, #tpu.memory_space<hbm>> -> memref<16384xf32, #tpu.memory_space<hbm>>
    %dma_wait3A_260 = tpu.memref_slice %arg7[%add3A_183] : memref<16777216xf32, #tpu.memory_space<hbm>> -> memref<16384xf32, #tpu.memory_space<hbm>>
    tpu.wait_dma2 semaphore(%arg16 : memref<!tpu.dma_semaphore, #tpu.memory_space<semaphore_mem>>) src(%arg10 : memref<16384xf32, #tpu.memory_space<vmem>>) dst(%dma_wait3A_260 : memref<16384xf32, #tpu.memory_space<hbm>>)
    %dma_wait3A_261 = tpu.memref_slice %arg7[%add3A_189] : memref<16777216xf32, #tpu.memory_space<hbm>> -> memref<16384xf32, #tpu.memory_space<hbm>>
    %dma_wait3A_262 = tpu.memref_slice %arg7[%add3A_189] : memref<16777216xf32, #tpu.memory_space<hbm>> -> memref<16384xf32, #tpu.memory_space<hbm>>
    tpu.wait_dma2 semaphore(%arg16 : memref<!tpu.dma_semaphore, #tpu.memory_space<semaphore_mem>>) src(%arg10 : memref<16384xf32, #tpu.memory_space<vmem>>) dst(%dma_wait3A_262 : memref<16384xf32, #tpu.memory_space<hbm>>)
    %dma_wait3A_263 = tpu.memref_slice %arg7[%add3A_195] : memref<16777216xf32, #tpu.memory_space<hbm>> -> memref<16384xf32, #tpu.memory_space<hbm>>
    %dma_wait3A_264 = tpu.memref_slice %arg7[%add3A_195] : memref<16777216xf32, #tpu.memory_space<hbm>> -> memref<16384xf32, #tpu.memory_space<hbm>>
    tpu.wait_dma2 semaphore(%arg16 : memref<!tpu.dma_semaphore, #tpu.memory_space<semaphore_mem>>) src(%arg10 : memref<16384xf32, #tpu.memory_space<vmem>>) dst(%dma_wait3A_264 : memref<16384xf32, #tpu.memory_space<hbm>>)
    %dma_wait3A_265 = tpu.memref_slice %arg7[%add3A_201] : memref<16777216xf32, #tpu.memory_space<hbm>> -> memref<16384xf32, #tpu.memory_space<hbm>>
    %dma_wait3A_266 = tpu.memref_slice %arg7[%add3A_201] : memref<16777216xf32, #tpu.memory_space<hbm>> -> memref<16384xf32, #tpu.memory_space<hbm>>
    tpu.wait_dma2 semaphore(%arg16 : memref<!tpu.dma_semaphore, #tpu.memory_space<semaphore_mem>>) src(%arg10 : memref<16384xf32, #tpu.memory_space<vmem>>) dst(%dma_wait3A_266 : memref<16384xf32, #tpu.memory_space<hbm>>)
    "tpu.region"() ({
      %run_scoped3A = tpu.sem_alloc : memref<!tpu.dma_semaphore, #tpu.memory_space<semaphore_mem>>
      %dma_start3A_321 = tpu.memref_slice %arg4[%mul3A_2] : memref<4096xf32, #tpu.memory_space<hbm>> -> memref<128xf32, #tpu.memory_space<hbm>>
      %dma_start3A_322 = tpu.memref_slice %arg4[%mul3A_2] : memref<4096xf32, #tpu.memory_space<hbm>> -> memref<128xf32, #tpu.memory_space<hbm>>
      tpu.enqueue_dma source(%dma_start3A_322 : memref<128xf32, #tpu.memory_space<hbm>>) target(%arg11 : memref<128xf32, #tpu.memory_space<vmem>>) target_semaphore(%run_scoped3A : memref<!tpu.dma_semaphore, #tpu.memory_space<semaphore_mem>>)
      %dma_wait3A_323 = tpu.memref_slice %arg4[%mul3A_2] : memref<4096xf32, #tpu.memory_space<hbm>> -> memref<128xf32, #tpu.memory_space<hbm>>
      %dma_wait3A_324 = tpu.memref_slice %arg4[%mul3A_2] : memref<4096xf32, #tpu.memory_space<hbm>> -> memref<128xf32, #tpu.memory_space<hbm>>
      tpu.wait_dma2 semaphore(%run_scoped3A : memref<!tpu.dma_semaphore, #tpu.memory_space<semaphore_mem>>) src(%dma_wait3A_324 : memref<128xf32, #tpu.memory_space<hbm>>) dst(%arg11 : memref<128xf32, #tpu.memory_space<vmem>>)
      tpu.yield
    }) : () -> ()
    "tpu.region"() ({
      %run_scoped3A = tpu.sem_alloc : memref<!tpu.dma_semaphore, #tpu.memory_space<semaphore_mem>>
      tpu.enqueue_dma source(%arg5 : memref<4096xf32, #tpu.memory_space<hbm>>) target(%arg12 : memref<4096xf32, #tpu.memory_space<vmem>>) target_semaphore(%run_scoped3A : memref<!tpu.dma_semaphore, #tpu.memory_space<semaphore_mem>>)
      tpu.wait_dma2 semaphore(%run_scoped3A : memref<!tpu.dma_semaphore, #tpu.memory_space<semaphore_mem>>) src(%arg5 : memref<4096xf32, #tpu.memory_space<hbm>>) dst(%arg12 : memref<4096xf32, #tpu.memory_space<vmem>>)
      tpu.yield
    }) : () -> ()
    "tpu.region"() ({
      %run_scoped3A = tpu.sem_alloc : memref<!tpu.dma_semaphore, #tpu.memory_space<semaphore_mem>>
      tpu.enqueue_dma source(%arg6 : memref<16xf32, #tpu.memory_space<hbm>>) target(%arg13 : memref<16xf32, #tpu.memory_space<vmem>>) target_semaphore(%run_scoped3A : memref<!tpu.dma_semaphore, #tpu.memory_space<semaphore_mem>>)
      tpu.wait_dma2 semaphore(%run_scoped3A : memref<!tpu.dma_semaphore, #tpu.memory_space<semaphore_mem>>) src(%arg6 : memref<16xf32, #tpu.memory_space<hbm>>) dst(%arg13 : memref<16xf32, #tpu.memory_space<vmem>>)
      tpu.yield
    }) : () -> ()
    %broadcast_in_dim3A_267 = arith.constant 0 : i32
    %broadcast_in_dim3A_268 = vector.broadcast %broadcast_in_dim3A_267 : i32 to vector<16xi32>
    %gather3A = tpu.vector_load_idx %arg13[%broadcast_in_dim3A_268] : memref<16xf32, #tpu.memory_space<vmem>>[vector<16xi32>], vector<16xf32>,
    %broadcast_in_dim3A_269 = arith.constant 1 : i32
    %broadcast_in_dim3A_270 = vector.broadcast %broadcast_in_dim3A_269 : i32 to vector<16xi32>
    %gather3A_271 = tpu.vector_load_idx %arg13[%broadcast_in_dim3A_270] : memref<16xf32, #tpu.memory_space<vmem>>[vector<16xi32>], vector<16xf32>,
    %broadcast_in_dim3A_272 = arith.constant 0 : i32
    %broadcast_in_dim3A_273 = vector.broadcast %broadcast_in_dim3A_272 : i32 to vector<16xi32>
    %mul3A_274 = arith.constant 4096 : i32
    %mul3A_275 = arith.muli %mul3A_2, %mul3A_274 : i32
    %add3A_276 = arith.addi %mul3A_275, %mul3A_2 : i32
    %add3A_277 = vector.broadcast %add3A_276 : i32 to vector<16xi32>
    %add3A_278 = arith.addi %broadcast_in_dim3A_273, %add3A_277 : vector<16xi32>
    %swap3A = arith.constant 0 : index
    %swap3A_279 = tpu.vector_load %arg14[%swap3A] {strides = array<i32>} : memref<128xi32, #tpu.memory_space<vmem>>, vector<16xi32>,
    tpu.vector_store %arg14[%swap3A], %add3A_278 {strides = array<i32>} : memref<128xi32, #tpu.memory_space<vmem>>, vector<16xi32>,
    %swap3A_280 = arith.constant 0 : index
    %swap3A_281 = tpu.vector_load %arg15[%swap3A_280] {strides = array<i32>} : memref<128xf32, #tpu.memory_space<vmem>>, vector<16xf32>,
    tpu.vector_store %arg15[%swap3A_280], %broadcast_in_dim3A_7 {strides = array<i32>} : memref<128xf32, #tpu.memory_space<vmem>>, vector<16xf32>,
    %swap3A_282 = arith.constant 16 : index
    %swap3A_283 = tpu.vector_load %arg14[%swap3A_282] {strides = array<i32>} : memref<128xi32, #tpu.memory_space<vmem>>, vector<16xi32>,
    tpu.vector_store %arg14[%swap3A_282], %add3A_278 {strides = array<i32>} : memref<128xi32, #tpu.memory_space<vmem>>, vector<16xi32>,
    %swap3A_284 = arith.constant 16 : index
    %swap3A_285 = tpu.vector_load %arg15[%swap3A_284] {strides = array<i32>} : memref<128xf32, #tpu.memory_space<vmem>>, vector<16xf32>,
    tpu.vector_store %arg15[%swap3A_284], %broadcast_in_dim3A_7 {strides = array<i32>} : memref<128xf32, #tpu.memory_space<vmem>>, vector<16xf32>,
    %swap3A_286 = arith.constant 32 : index
    %swap3A_287 = tpu.vector_load %arg14[%swap3A_286] {strides = array<i32>} : memref<128xi32, #tpu.memory_space<vmem>>, vector<16xi32>,
    tpu.vector_store %arg14[%swap3A_286], %add3A_278 {strides = array<i32>} : memref<128xi32, #tpu.memory_space<vmem>>, vector<16xi32>,
    %swap3A_288 = arith.constant 32 : index
    %swap3A_289 = tpu.vector_load %arg15[%swap3A_288] {strides = array<i32>} : memref<128xf32, #tpu.memory_space<vmem>>, vector<16xf32>,
    tpu.vector_store %arg15[%swap3A_288], %broadcast_in_dim3A_7 {strides = array<i32>} : memref<128xf32, #tpu.memory_space<vmem>>, vector<16xf32>,
    %swap3A_290 = arith.constant 48 : index
    %swap3A_291 = tpu.vector_load %arg14[%swap3A_290] {strides = array<i32>} : memref<128xi32, #tpu.memory_space<vmem>>, vector<16xi32>,
    tpu.vector_store %arg14[%swap3A_290], %add3A_278 {strides = array<i32>} : memref<128xi32, #tpu.memory_space<vmem>>, vector<16xi32>,
    %swap3A_292 = arith.constant 48 : index
    %swap3A_293 = tpu.vector_load %arg15[%swap3A_292] {strides = array<i32>} : memref<128xf32, #tpu.memory_space<vmem>>, vector<16xf32>,
    tpu.vector_store %arg15[%swap3A_292], %broadcast_in_dim3A_7 {strides = array<i32>} : memref<128xf32, #tpu.memory_space<vmem>>, vector<16xf32>,
    %swap3A_294 = arith.constant 64 : index
    %swap3A_295 = tpu.vector_load %arg14[%swap3A_294] {strides = array<i32>} : memref<128xi32, #tpu.memory_space<vmem>>, vector<16xi32>,
    tpu.vector_store %arg14[%swap3A_294], %add3A_278 {strides = array<i32>} : memref<128xi32, #tpu.memory_space<vmem>>, vector<16xi32>,
    %swap3A_296 = arith.constant 64 : index
    %swap3A_297 = tpu.vector_load %arg15[%swap3A_296] {strides = array<i32>} : memref<128xf32, #tpu.memory_space<vmem>>, vector<16xf32>,
    tpu.vector_store %arg15[%swap3A_296], %broadcast_in_dim3A_7 {strides = array<i32>} : memref<128xf32, #tpu.memory_space<vmem>>, vector<16xf32>,
    %swap3A_298 = arith.constant 80 : index
    %swap3A_299 = tpu.vector_load %arg14[%swap3A_298] {strides = array<i32>} : memref<128xi32, #tpu.memory_space<vmem>>, vector<16xi32>,
    tpu.vector_store %arg14[%swap3A_298], %add3A_278 {strides = array<i32>} : memref<128xi32, #tpu.memory_space<vmem>>, vector<16xi32>,
    %swap3A_300 = arith.constant 80 : index
    %swap3A_301 = tpu.vector_load %arg15[%swap3A_300] {strides = array<i32>} : memref<128xf32, #tpu.memory_space<vmem>>, vector<16xf32>,
    tpu.vector_store %arg15[%swap3A_300], %broadcast_in_dim3A_7 {strides = array<i32>} : memref<128xf32, #tpu.memory_space<vmem>>, vector<16xf32>,
    %swap3A_302 = arith.constant 96 : index
    %swap3A_303 = tpu.vector_load %arg14[%swap3A_302] {strides = array<i32>} : memref<128xi32, #tpu.memory_space<vmem>>, vector<16xi32>,
    tpu.vector_store %arg14[%swap3A_302], %add3A_278 {strides = array<i32>} : memref<128xi32, #tpu.memory_space<vmem>>, vector<16xi32>,
    %swap3A_304 = arith.constant 96 : index
    %swap3A_305 = tpu.vector_load %arg15[%swap3A_304] {strides = array<i32>} : memref<128xf32, #tpu.memory_space<vmem>>, vector<16xf32>,
    tpu.vector_store %arg15[%swap3A_304], %broadcast_in_dim3A_7 {strides = array<i32>} : memref<128xf32, #tpu.memory_space<vmem>>, vector<16xf32>,
    %swap3A_306 = arith.constant 112 : index
    %swap3A_307 = tpu.vector_load %arg14[%swap3A_306] {strides = array<i32>} : memref<128xi32, #tpu.memory_space<vmem>>, vector<16xi32>,
    tpu.vector_store %arg14[%swap3A_306], %add3A_278 {strides = array<i32>} : memref<128xi32, #tpu.memory_space<vmem>>, vector<16xi32>,
    %swap3A_308 = arith.constant 112 : index
    %swap3A_309 = tpu.vector_load %arg15[%swap3A_308] {strides = array<i32>} : memref<128xf32, #tpu.memory_space<vmem>>, vector<16xf32>,
    tpu.vector_store %arg15[%swap3A_308], %broadcast_in_dim3A_7 {strides = array<i32>} : memref<128xf32, #tpu.memory_space<vmem>>, vector<16xf32>,
    %scan3A_310 = arith.constant 0 : i32
    %scan3A_311 = arith.constant 0 : i32
    %scan3A_312 = arith.constant 8 : i32
    %scan3A_313 = arith.addi %scan3A_311, %scan3A_312 : i32
    %scan3A_314 = arith.constant 1 : i32
    %scan3A_315 = scf.for %scan3A_321 = %scan3A_311 to %scan3A_313 step %scan3A_314 iter_args(%scan3A_322 = %scan3A_310) -> (i32)  : i32 {
      %mul3A_323 = arith.constant 16384 : i32
      %mul3A_324 = arith.muli %scan3A_321, %mul3A_323 : i32
      "tpu.region"() ({
        %run_scoped3A = tpu.sem_alloc : memref<!tpu.dma_semaphore, #tpu.memory_space<semaphore_mem>>
        %dma_start3A_331 = tpu.memref_slice %arg2[%mul3A_324] : memref<131072xi32, #tpu.memory_space<hbm>> -> memref<16384xi32, #tpu.memory_space<hbm>>
        %dma_start3A_332 = tpu.memref_slice %arg2[%mul3A_324] : memref<131072xi32, #tpu.memory_space<hbm>> -> memref<16384xi32, #tpu.memory_space<hbm>>
        tpu.enqueue_dma source(%dma_start3A_332 : memref<16384xi32, #tpu.memory_space<hbm>>) target(%arg8 : memref<16384xi32, #tpu.memory_space<vmem>>) target_semaphore(%run_scoped3A : memref<!tpu.dma_semaphore, #tpu.memory_space<semaphore_mem>>)
        %dma_wait3A_333 = tpu.memref_slice %arg2[%mul3A_324] : memref<131072xi32, #tpu.memory_space<hbm>> -> memref<16384xi32, #tpu.memory_space<hbm>>
        %dma_wait3A_334 = tpu.memref_slice %arg2[%mul3A_324] : memref<131072xi32, #tpu.memory_space<hbm>> -> memref<16384xi32, #tpu.memory_space<hbm>>
        tpu.wait_dma2 semaphore(%run_scoped3A : memref<!tpu.dma_semaphore, #tpu.memory_space<semaphore_mem>>) src(%dma_wait3A_334 : memref<16384xi32, #tpu.memory_space<hbm>>) dst(%arg8 : memref<16384xi32, #tpu.memory_space<vmem>>)
        tpu.yield
      }) : () -> ()
      "tpu.region"() ({
        %run_scoped3A = tpu.sem_alloc : memref<!tpu.dma_semaphore, #tpu.memory_space<semaphore_mem>>
        %dma_start3A_331 = tpu.memref_slice %arg3[%mul3A_324] : memref<131072xf32, #tpu.memory_space<hbm>> -> memref<16384xf32, #tpu.memory_space<hbm>>
        %dma_start3A_332 = tpu.memref_slice %arg3[%mul3A_324] : memref<131072xf32, #tpu.memory_space<hbm>> -> memref<16384xf32, #tpu.memory_space<hbm>>
        tpu.enqueue_dma source(%dma_start3A_332 : memref<16384xf32, #tpu.memory_space<hbm>>) target(%arg9 : memref<16384xf32, #tpu.memory_space<vmem>>) target_semaphore(%run_scoped3A : memref<!tpu.dma_semaphore, #tpu.memory_space<semaphore_mem>>)
        %dma_wait3A_333 = tpu.memref_slice %arg3[%mul3A_324] : memref<131072xf32, #tpu.memory_space<hbm>> -> memref<16384xf32, #tpu.memory_space<hbm>>
        %dma_wait3A_334 = tpu.memref_slice %arg3[%mul3A_324] : memref<131072xf32, #tpu.memory_space<hbm>> -> memref<16384xf32, #tpu.memory_space<hbm>>
        tpu.wait_dma2 semaphore(%run_scoped3A : memref<!tpu.dma_semaphore, #tpu.memory_space<semaphore_mem>>) src(%dma_wait3A_334 : memref<16384xf32, #tpu.memory_space<hbm>>) dst(%arg9 : memref<16384xf32, #tpu.memory_space<vmem>>)
        tpu.yield
      }) : () -> ()
      %scan3A_325 = arith.constant 0 : i32
      %scan3A_326 = arith.constant 1024 : i32
      %scan3A_327 = arith.addi %scan3A_325, %scan3A_326 : i32
      %scan3A_328 = arith.constant 1 : i32
      %scan3A_329 = scf.for %scan3A_331 = %scan3A_325 to %scan3A_327 step %scan3A_328 iter_args(%scan3A_332 = %scan3A_322) -> (i32)  : i32 {
        %mul3A_333 = arith.constant 16 : i32
        %mul3A_334 = arith.muli %scan3A_331, %mul3A_333 : i32
        %get3A = arith.index_cast %mul3A_334 : i32 to index
        %get3A_335 = tpu.vector_load %arg8[%get3A] {strides = array<i32>} : memref<16384xi32, #tpu.memory_space<vmem>>, vector<16xi32>,
        %and3A = arith.constant 4095 : i32
        %and3A_336 = vector.broadcast %and3A : i32 to vector<16xi32>
        %and3A_337 = arith.andi %get3A_335, %and3A_336 : vector<16xi32>
        %shift_right_arithmetic3A = arith.constant 12 : i32
        %shift_right_arithmetic3A_338 = vector.broadcast %shift_right_arithmetic3A : i32 to vector<16xi32>
        %shift_right_arithmetic3A_339 = arith.shrsi %get3A_335, %shift_right_arithmetic3A_338 : vector<16xi32>
        %sub3A = vector.broadcast %mul3A_2 : i32 to vector<16xi32>
        %sub3A_340 = arith.subi %shift_right_arithmetic3A_339, %sub3A : vector<16xi32>
        %ge3A = vector.broadcast %mul3A_4 : i32 to vector<16xi32>
        %ge3A_341 = arith.cmpi sge, %get3A_335, %ge3A : vector<16xi32>
        %lt3A = vector.broadcast %add3A_6 : i32 to vector<16xi32>
        %lt3A_342 = arith.cmpi slt, %get3A_335, %lt3A : vector<16xi32>
        %and3A_343 = arith.andi %ge3A_341, %lt3A_342 : vector<16xi1>
        %shift_right_arithmetic3A_344 = arith.constant 12 : i32
        %shift_right_arithmetic3A_345 = vector.broadcast %shift_right_arithmetic3A_344 : i32 to vector<16xi32>
        %shift_right_arithmetic3A_346 = arith.shrsi %get3A_335, %shift_right_arithmetic3A_345 : vector<16xi32>
        %ne3A = arith.cmpi ne, %shift_right_arithmetic3A_346, %and3A_337 : vector<16xi32>
        %and3A_347 = arith.andi %and3A_343, %ne3A : vector<16xi1>
        %all_reduce_population_count3A = tpu.all_reduce %and3A_347 {dim = 0 : i64, kind = #tpu.reduction_kind<sum>} : vector<16xi1> -> vector<16xi32>
        %slice3A = vector.extract_strided_slice %all_reduce_population_count3A {offsets = [0], sizes = [1], strides = [1]} : vector<16xi32> to vector<1xi32>
        %squeeze3A = vector.extract %slice3A[0] : i32 from vector<1xi32>
        %gt3A = arith.constant 0 : i32
        %gt3A_348 = arith.cmpi sgt, %squeeze3A, %gt3A : i32
        %convert_element_type3A = arith.extui %gt3A_348 : i1 to i32
        %cond3A = arith.constant 0 : i32
        %cond3A_349 = arith.cmpi ne, %convert_element_type3A, %cond3A : i32
        %cond3A_350 = scf.if %cond3A_349 -> (i32) {
          %gt3A_351 = arith.constant 112 : i32
          %gt3A_352 = arith.cmpi sgt, %scan3A_332, %gt3A_351 : i32
          %convert_element_type3A_353 = arith.extui %gt3A_352 : i1 to i32
          %cond3A_354 = arith.constant 0 : i32
          %cond3A_355 = arith.cmpi ne, %convert_element_type3A_353, %cond3A_354 : i32
          %cond3A_356 = scf.if %cond3A_355 -> (i32) {
            %dma_start3A_373 = arith.constant 0 : i32
            %dma_start3A_374 = tpu.memref_slice %arg7[%dma_start3A_373] : memref<16777216xf32, #tpu.memory_space<hbm>> -> memref<16777216xf32, #tpu.memory_space<hbm>>
            tpu.enqueue_indirect_dma source(%arg15 : memref<128xf32, #tpu.memory_space<vmem>>) target(%dma_start3A_374 : memref<16777216xf32, #tpu.memory_space<hbm>>) offsets(%arg14 : memref<128xi32, #tpu.memory_space<vmem>>) semaphore(%arg17 : memref<!tpu.dma_semaphore, #tpu.memory_space<semaphore_mem>>)
            %dma_wait3A_375 = arith.constant 0 : i32
            %dma_wait3A_376 = tpu.memref_slice %arg7[%dma_wait3A_375] : memref<16777216xf32, #tpu.memory_space<hbm>> -> memref<16777216xf32, #tpu.memory_space<hbm>>
            tpu.wait_indirect_dma semaphore(%arg17 : memref<!tpu.dma_semaphore, #tpu.memory_space<semaphore_mem>>) src(%arg15 : memref<128xf32, #tpu.memory_space<vmem>>) dst(%dma_wait3A_376 : memref<16777216xf32, #tpu.memory_space<hbm>>)
            %cond3A_377 = arith.constant 0 : i32
            scf.yield %cond3A_377 : i32
          } else {
            scf.yield %scan3A_332 : i32
          }
          %mul3A_357 = arith.constant 16 : i32
          %mul3A_358 = arith.muli %scan3A_331, %mul3A_357 : i32
          %get3A_359 = arith.index_cast %mul3A_358 : i32 to index
          %get3A_360 = tpu.vector_load %arg9[%get3A_359] {strides = array<i32>} : memref<16384xf32, #tpu.memory_space<vmem>>, vector<16xf32>,
          %jit3A = arith.constant 0 : i32
          %broadcast_in_dim3A_361 = vector.broadcast %jit3A : i32 to vector<16xi32>
          %select_n3A = arith.select %and3A_347, %sub3A_340, %broadcast_in_dim3A_361 : vector<16xi1>, vector<16xi32>
          %gather3A_362 = tpu.vector_load_idx %arg11[%select_n3A] : memref<128xf32, #tpu.memory_space<vmem>>[vector<16xi32>], vector<16xf32>,
          %gather3A_363 = tpu.vector_load_idx %arg12[%and3A_337] : memref<4096xf32, #tpu.memory_space<vmem>>[vector<16xi32>], vector<16xf32>,
          %add3A_364 = arith.addf %gather3A_362, %gather3A_363 : vector<16xf32>
          %mul3A_365 = arith.mulf %get3A_360, %gather3A : vector<16xf32>
          %add3A_366 = arith.addf %add3A_364, %mul3A_365 : vector<16xf32>
          %add3A_367 = arith.addf %add3A_366, %gather3A_271 : vector<16xf32>
          %swap3A_368 = arith.index_cast %cond3A_356 : i32 to index
          %swap3A_369 = tpu.vector_load %arg14[%swap3A_368] masked %and3A_347 {strides = array<i32>} : memref<128xi32, #tpu.memory_space<vmem>>, vector<16xi32>, vector<16xi1>
          tpu.vector_store %arg14[%swap3A_368], %get3A_335 masked %and3A_347 {strides = array<i32>} : memref<128xi32, #tpu.memory_space<vmem>>, vector<16xi32>, vector<16xi1>
          %swap3A_370 = arith.index_cast %cond3A_356 : i32 to index
          %swap3A_371 = tpu.vector_load %arg15[%swap3A_370] masked %and3A_347 {strides = array<i32>} : memref<128xf32, #tpu.memory_space<vmem>>, vector<16xf32>, vector<16xi1>
          tpu.vector_store %arg15[%swap3A_370], %add3A_367 masked %and3A_347 {strides = array<i32>} : memref<128xf32, #tpu.memory_space<vmem>>, vector<16xf32>, vector<16xi1>
          %add3A_372 = arith.addi %cond3A_356, %squeeze3A : i32
          scf.yield %add3A_372 : i32
        } else {
          scf.yield %scan3A_332 : i32
        }
        scf.yield %cond3A_350 : i32
      }
      %scan3A_330 = arith.constant 1024 : i32
      scf.yield %scan3A_329 : i32
    }
    %scan3A_316 = arith.constant 8 : i32
    %dma_start3A_317 = arith.constant 0 : i32
    %dma_start3A_318 = tpu.memref_slice %arg7[%dma_start3A_317] : memref<16777216xf32, #tpu.memory_space<hbm>> -> memref<16777216xf32, #tpu.memory_space<hbm>>
    tpu.enqueue_indirect_dma source(%arg15 : memref<128xf32, #tpu.memory_space<vmem>>) target(%dma_start3A_318 : memref<16777216xf32, #tpu.memory_space<hbm>>) offsets(%arg14 : memref<128xi32, #tpu.memory_space<vmem>>) semaphore(%arg17 : memref<!tpu.dma_semaphore, #tpu.memory_space<semaphore_mem>>)
    %dma_wait3A_319 = arith.constant 0 : i32
    %dma_wait3A_320 = tpu.memref_slice %arg7[%dma_wait3A_319] : memref<16777216xf32, #tpu.memory_space<hbm>> -> memref<16777216xf32, #tpu.memory_space<hbm>>
    tpu.wait_indirect_dma semaphore(%arg17 : memref<!tpu.dma_semaphore, #tpu.memory_space<semaphore_mem>>) src(%arg15 : memref<128xf32, #tpu.memory_space<vmem>>) dst(%dma_wait3A_320 : memref<16777216xf32, #tpu.memory_space<hbm>>)
    return
  }
}

#map = affine_map<(d0, d1) -> (0)>
#map1 = affine_map<(d0, d1) -> (0, 0)>
module attributes {stable_mosaic.version = 14 : i64} {
  func.func @_segmax_body(%arg0: i32, %arg1: i32, %arg2: memref<131072xi32, #tpu.memory_space<hbm>>, %arg3: memref<131072xf32, #tpu.memory_space<hbm>>, %arg4: memref<4096x128xf32, #tpu.memory_space<hbm>>, %arg5: memref<128xf32, #tpu.memory_space<hbm>>, %arg6: memref<4096x128xf32, #tpu.memory_space<hbm>>, %arg7: memref<16384xi32, #tpu.memory_space<vmem>>, %arg8: memref<16384xf32, #tpu.memory_space<vmem>>, %arg9: memref<2064xf32, #tpu.memory_space<vmem>>, %arg10: memref<2064xf32, #tpu.memory_space<vmem>>, %arg11: memref<2064xf32, #tpu.memory_space<vmem>>, %arg12: memref<2064xf32, #tpu.memory_space<vmem>>, %arg13: memref<2064xf32, #tpu.memory_space<vmem>>, %arg14: memref<2064xf32, #tpu.memory_space<vmem>>, %arg15: memref<2064xf32, #tpu.memory_space<vmem>>, %arg16: memref<2064xf32, #tpu.memory_space<vmem>>, %arg17: memref<128xi32, #tpu.memory_space<vmem>>, %arg18: memref<128xi32, #tpu.memory_space<vmem>>, %arg19: memref<128xf32, #tpu.memory_space<vmem>>, %arg20: memref<128x128xf32, #tpu.memory_space<vmem>>, %arg21: memref<128xf32, #tpu.memory_space<vmem>>, %arg22: memref<!tpu.dma_semaphore, #tpu.memory_space<semaphore_mem>>) attributes {dimension_semantics = [#tpu.dimension_semantics<core_parallel>, #tpu.dimension_semantics<subcore_parallel>], iteration_bounds = array<i64: 2, 16>, scalar_prefetch = 0 : i64, scratch_operands = 16 : i64, tpu.core_type = #tpu.core_type<sc_vector_subcore>, window_params = [{transform_indices = #map}, {transform_indices = #map}, {transform_indices = #map1}, {transform_indices = #map}, {transform_indices = #map1}]} {
    %mul3A = arith.constant 2 : i32
    %mul3A_0 = arith.muli %arg1, %mul3A : i32
    %add3A = arith.addi %mul3A_0, %arg0 : i32
    %mul3A_1 = arith.constant 128 : i32
    %mul3A_2 = arith.muli %add3A, %mul3A_1 : i32
    %mul3A_3 = arith.constant 4096 : i32
    %mul3A_4 = arith.muli %mul3A_2, %mul3A_3 : i32
    %add3A_5 = arith.constant 524288 : i32
    %add3A_6 = arith.addi %mul3A_4, %add3A_5 : i32
    %broadcast_in_dim3A = arith.constant 0xFF800000 : f32
    %broadcast_in_dim3A_7 = vector.broadcast %broadcast_in_dim3A : f32 to vector<16xf32>
    %broadcast_in_dim3A_8 = arith.constant 0 : i32
    %broadcast_in_dim3A_9 = vector.broadcast %broadcast_in_dim3A_8 : i32 to vector<16xi32>
    %iota3A = tpu.iota {dimensions = array<i32: 0>} : vector<16xi32>
    %scan3A = arith.constant 0 : i32
    %scan3A_10 = arith.constant 0 : i32
    %scan3A_11 = arith.constant 129 : i32
    %scan3A_12 = arith.addi %scan3A_10, %scan3A_11 : i32
    %scan3A_13 = arith.constant 1 : i32
    scf.for %scan3A_128 = %scan3A_10 to %scan3A_12 step %scan3A_13  : i32 {
      %mul3A_129 = arith.constant 16 : i32
      %mul3A_130 = arith.muli %scan3A_128, %mul3A_129 : i32
      %swap3A_131 = arith.index_cast %mul3A_130 : i32 to index
      %swap3A_132 = tpu.vector_load %arg9[%swap3A_131] {strides = array<i32>} : memref<2064xf32, #tpu.memory_space<vmem>>, vector<16xf32>,
      tpu.vector_store %arg9[%swap3A_131], %broadcast_in_dim3A_7 {strides = array<i32>} : memref<2064xf32, #tpu.memory_space<vmem>>, vector<16xf32>,
      %mul3A_133 = arith.constant 16 : i32
      %mul3A_134 = arith.muli %scan3A_128, %mul3A_133 : i32
      %swap3A_135 = arith.index_cast %mul3A_134 : i32 to index
      %swap3A_136 = tpu.vector_load %arg10[%swap3A_135] {strides = array<i32>} : memref<2064xf32, #tpu.memory_space<vmem>>, vector<16xf32>,
      tpu.vector_store %arg10[%swap3A_135], %broadcast_in_dim3A_7 {strides = array<i32>} : memref<2064xf32, #tpu.memory_space<vmem>>, vector<16xf32>,
      %mul3A_137 = arith.constant 16 : i32
      %mul3A_138 = arith.muli %scan3A_128, %mul3A_137 : i32
      %swap3A_139 = arith.index_cast %mul3A_138 : i32 to index
      %swap3A_140 = tpu.vector_load %arg11[%swap3A_139] {strides = array<i32>} : memref<2064xf32, #tpu.memory_space<vmem>>, vector<16xf32>,
      tpu.vector_store %arg11[%swap3A_139], %broadcast_in_dim3A_7 {strides = array<i32>} : memref<2064xf32, #tpu.memory_space<vmem>>, vector<16xf32>,
      %mul3A_141 = arith.constant 16 : i32
      %mul3A_142 = arith.muli %scan3A_128, %mul3A_141 : i32
      %swap3A_143 = arith.index_cast %mul3A_142 : i32 to index
      %swap3A_144 = tpu.vector_load %arg12[%swap3A_143] {strides = array<i32>} : memref<2064xf32, #tpu.memory_space<vmem>>, vector<16xf32>,
      tpu.vector_store %arg12[%swap3A_143], %broadcast_in_dim3A_7 {strides = array<i32>} : memref<2064xf32, #tpu.memory_space<vmem>>, vector<16xf32>,
      %mul3A_145 = arith.constant 16 : i32
      %mul3A_146 = arith.muli %scan3A_128, %mul3A_145 : i32
      %swap3A_147 = arith.index_cast %mul3A_146 : i32 to index
      %swap3A_148 = tpu.vector_load %arg13[%swap3A_147] {strides = array<i32>} : memref<2064xf32, #tpu.memory_space<vmem>>, vector<16xf32>,
      tpu.vector_store %arg13[%swap3A_147], %broadcast_in_dim3A_7 {strides = array<i32>} : memref<2064xf32, #tpu.memory_space<vmem>>, vector<16xf32>,
      %mul3A_149 = arith.constant 16 : i32
      %mul3A_150 = arith.muli %scan3A_128, %mul3A_149 : i32
      %swap3A_151 = arith.index_cast %mul3A_150 : i32 to index
      %swap3A_152 = tpu.vector_load %arg14[%swap3A_151] {strides = array<i32>} : memref<2064xf32, #tpu.memory_space<vmem>>, vector<16xf32>,
      tpu.vector_store %arg14[%swap3A_151], %broadcast_in_dim3A_7 {strides = array<i32>} : memref<2064xf32, #tpu.memory_space<vmem>>, vector<16xf32>,
      %mul3A_153 = arith.constant 16 : i32
      %mul3A_154 = arith.muli %scan3A_128, %mul3A_153 : i32
      %swap3A_155 = arith.index_cast %mul3A_154 : i32 to index
      %swap3A_156 = tpu.vector_load %arg15[%swap3A_155] {strides = array<i32>} : memref<2064xf32, #tpu.memory_space<vmem>>, vector<16xf32>,
      tpu.vector_store %arg15[%swap3A_155], %broadcast_in_dim3A_7 {strides = array<i32>} : memref<2064xf32, #tpu.memory_space<vmem>>, vector<16xf32>,
      %mul3A_157 = arith.constant 16 : i32
      %mul3A_158 = arith.muli %scan3A_128, %mul3A_157 : i32
      %swap3A_159 = arith.index_cast %mul3A_158 : i32 to index
      %swap3A_160 = tpu.vector_load %arg16[%swap3A_159] {strides = array<i32>} : memref<2064xf32, #tpu.memory_space<vmem>>, vector<16xf32>,
      tpu.vector_store %arg16[%swap3A_159], %broadcast_in_dim3A_7 {strides = array<i32>} : memref<2064xf32, #tpu.memory_space<vmem>>, vector<16xf32>,
    }
    %scan3A_14 = arith.constant 129 : i32
    %swap3A = arith.constant 0 : index
    %swap3A_15 = tpu.vector_load %arg17[%swap3A] {strides = array<i32>} : memref<128xi32, #tpu.memory_space<vmem>>, vector<16xi32>,
    tpu.vector_store %arg17[%swap3A], %broadcast_in_dim3A_9 {strides = array<i32>} : memref<128xi32, #tpu.memory_space<vmem>>, vector<16xi32>,
    %add3A_16 = arith.constant 128 : i32
    %add3A_17 = vector.broadcast %add3A_16 : i32 to vector<16xi32>
    %add3A_18 = arith.addi %broadcast_in_dim3A_9, %add3A_17 : vector<16xi32>
    %swap3A_19 = arith.constant 0 : index
    %swap3A_20 = tpu.vector_load %arg18[%swap3A_19] {strides = array<i32>} : memref<128xi32, #tpu.memory_space<vmem>>, vector<16xi32>,
    tpu.vector_store %arg18[%swap3A_19], %add3A_18 {strides = array<i32>} : memref<128xi32, #tpu.memory_space<vmem>>, vector<16xi32>,
    %broadcast_in_dim3A_21 = arith.constant 0.000000e+00 : f32
    %broadcast_in_dim3A_22 = vector.broadcast %broadcast_in_dim3A_21 : f32 to vector<16xf32>
    %swap3A_23 = arith.constant 0 : index
    %swap3A_24 = tpu.vector_load %arg19[%swap3A_23] {strides = array<i32>} : memref<128xf32, #tpu.memory_space<vmem>>, vector<16xf32>,
    tpu.vector_store %arg19[%swap3A_23], %broadcast_in_dim3A_22 {strides = array<i32>} : memref<128xf32, #tpu.memory_space<vmem>>, vector<16xf32>,
    %swap3A_25 = arith.constant 16 : index
    %swap3A_26 = tpu.vector_load %arg17[%swap3A_25] {strides = array<i32>} : memref<128xi32, #tpu.memory_space<vmem>>, vector<16xi32>,
    tpu.vector_store %arg17[%swap3A_25], %broadcast_in_dim3A_9 {strides = array<i32>} : memref<128xi32, #tpu.memory_space<vmem>>, vector<16xi32>,
    %add3A_27 = arith.constant 128 : i32
    %add3A_28 = vector.broadcast %add3A_27 : i32 to vector<16xi32>
    %add3A_29 = arith.addi %broadcast_in_dim3A_9, %add3A_28 : vector<16xi32>
    %swap3A_30 = arith.constant 16 : index
    %swap3A_31 = tpu.vector_load %arg18[%swap3A_30] {strides = array<i32>} : memref<128xi32, #tpu.memory_space<vmem>>, vector<16xi32>,
    tpu.vector_store %arg18[%swap3A_30], %add3A_29 {strides = array<i32>} : memref<128xi32, #tpu.memory_space<vmem>>, vector<16xi32>,
    %broadcast_in_dim3A_32 = arith.constant 0.000000e+00 : f32
    %broadcast_in_dim3A_33 = vector.broadcast %broadcast_in_dim3A_32 : f32 to vector<16xf32>
    %swap3A_34 = arith.constant 16 : index
    %swap3A_35 = tpu.vector_load %arg19[%swap3A_34] {strides = array<i32>} : memref<128xf32, #tpu.memory_space<vmem>>, vector<16xf32>,
    tpu.vector_store %arg19[%swap3A_34], %broadcast_in_dim3A_33 {strides = array<i32>} : memref<128xf32, #tpu.memory_space<vmem>>, vector<16xf32>,
    %swap3A_36 = arith.constant 32 : index
    %swap3A_37 = tpu.vector_load %arg17[%swap3A_36] {strides = array<i32>} : memref<128xi32, #tpu.memory_space<vmem>>, vector<16xi32>,
    tpu.vector_store %arg17[%swap3A_36], %broadcast_in_dim3A_9 {strides = array<i32>} : memref<128xi32, #tpu.memory_space<vmem>>, vector<16xi32>,
    %add3A_38 = arith.constant 128 : i32
    %add3A_39 = vector.broadcast %add3A_38 : i32 to vector<16xi32>
    %add3A_40 = arith.addi %broadcast_in_dim3A_9, %add3A_39 : vector<16xi32>
    %swap3A_41 = arith.constant 32 : index
    %swap3A_42 = tpu.vector_load %arg18[%swap3A_41] {strides = array<i32>} : memref<128xi32, #tpu.memory_space<vmem>>, vector<16xi32>,
    tpu.vector_store %arg18[%swap3A_41], %add3A_40 {strides = array<i32>} : memref<128xi32, #tpu.memory_space<vmem>>, vector<16xi32>,
    %broadcast_in_dim3A_43 = arith.constant 0.000000e+00 : f32
    %broadcast_in_dim3A_44 = vector.broadcast %broadcast_in_dim3A_43 : f32 to vector<16xf32>
    %swap3A_45 = arith.constant 32 : index
    %swap3A_46 = tpu.vector_load %arg19[%swap3A_45] {strides = array<i32>} : memref<128xf32, #tpu.memory_space<vmem>>, vector<16xf32>,
    tpu.vector_store %arg19[%swap3A_45], %broadcast_in_dim3A_44 {strides = array<i32>} : memref<128xf32, #tpu.memory_space<vmem>>, vector<16xf32>,
    %swap3A_47 = arith.constant 48 : index
    %swap3A_48 = tpu.vector_load %arg17[%swap3A_47] {strides = array<i32>} : memref<128xi32, #tpu.memory_space<vmem>>, vector<16xi32>,
    tpu.vector_store %arg17[%swap3A_47], %broadcast_in_dim3A_9 {strides = array<i32>} : memref<128xi32, #tpu.memory_space<vmem>>, vector<16xi32>,
    %add3A_49 = arith.constant 128 : i32
    %add3A_50 = vector.broadcast %add3A_49 : i32 to vector<16xi32>
    %add3A_51 = arith.addi %broadcast_in_dim3A_9, %add3A_50 : vector<16xi32>
    %swap3A_52 = arith.constant 48 : index
    %swap3A_53 = tpu.vector_load %arg18[%swap3A_52] {strides = array<i32>} : memref<128xi32, #tpu.memory_space<vmem>>, vector<16xi32>,
    tpu.vector_store %arg18[%swap3A_52], %add3A_51 {strides = array<i32>} : memref<128xi32, #tpu.memory_space<vmem>>, vector<16xi32>,
    %broadcast_in_dim3A_54 = arith.constant 0.000000e+00 : f32
    %broadcast_in_dim3A_55 = vector.broadcast %broadcast_in_dim3A_54 : f32 to vector<16xf32>
    %swap3A_56 = arith.constant 48 : index
    %swap3A_57 = tpu.vector_load %arg19[%swap3A_56] {strides = array<i32>} : memref<128xf32, #tpu.memory_space<vmem>>, vector<16xf32>,
    tpu.vector_store %arg19[%swap3A_56], %broadcast_in_dim3A_55 {strides = array<i32>} : memref<128xf32, #tpu.memory_space<vmem>>, vector<16xf32>,
    %swap3A_58 = arith.constant 64 : index
    %swap3A_59 = tpu.vector_load %arg17[%swap3A_58] {strides = array<i32>} : memref<128xi32, #tpu.memory_space<vmem>>, vector<16xi32>,
    tpu.vector_store %arg17[%swap3A_58], %broadcast_in_dim3A_9 {strides = array<i32>} : memref<128xi32, #tpu.memory_space<vmem>>, vector<16xi32>,
    %add3A_60 = arith.constant 128 : i32
    %add3A_61 = vector.broadcast %add3A_60 : i32 to vector<16xi32>
    %add3A_62 = arith.addi %broadcast_in_dim3A_9, %add3A_61 : vector<16xi32>
    %swap3A_63 = arith.constant 64 : index
    %swap3A_64 = tpu.vector_load %arg18[%swap3A_63] {strides = array<i32>} : memref<128xi32, #tpu.memory_space<vmem>>, vector<16xi32>,
    tpu.vector_store %arg18[%swap3A_63], %add3A_62 {strides = array<i32>} : memref<128xi32, #tpu.memory_space<vmem>>, vector<16xi32>,
    %broadcast_in_dim3A_65 = arith.constant 0.000000e+00 : f32
    %broadcast_in_dim3A_66 = vector.broadcast %broadcast_in_dim3A_65 : f32 to vector<16xf32>
    %swap3A_67 = arith.constant 64 : index
    %swap3A_68 = tpu.vector_load %arg19[%swap3A_67] {strides = array<i32>} : memref<128xf32, #tpu.memory_space<vmem>>, vector<16xf32>,
    tpu.vector_store %arg19[%swap3A_67], %broadcast_in_dim3A_66 {strides = array<i32>} : memref<128xf32, #tpu.memory_space<vmem>>, vector<16xf32>,
    %swap3A_69 = arith.constant 80 : index
    %swap3A_70 = tpu.vector_load %arg17[%swap3A_69] {strides = array<i32>} : memref<128xi32, #tpu.memory_space<vmem>>, vector<16xi32>,
    tpu.vector_store %arg17[%swap3A_69], %broadcast_in_dim3A_9 {strides = array<i32>} : memref<128xi32, #tpu.memory_space<vmem>>, vector<16xi32>,
    %add3A_71 = arith.constant 128 : i32
    %add3A_72 = vector.broadcast %add3A_71 : i32 to vector<16xi32>
    %add3A_73 = arith.addi %broadcast_in_dim3A_9, %add3A_72 : vector<16xi32>
    %swap3A_74 = arith.constant 80 : index
    %swap3A_75 = tpu.vector_load %arg18[%swap3A_74] {strides = array<i32>} : memref<128xi32, #tpu.memory_space<vmem>>, vector<16xi32>,
    tpu.vector_store %arg18[%swap3A_74], %add3A_73 {strides = array<i32>} : memref<128xi32, #tpu.memory_space<vmem>>, vector<16xi32>,
    %broadcast_in_dim3A_76 = arith.constant 0.000000e+00 : f32
    %broadcast_in_dim3A_77 = vector.broadcast %broadcast_in_dim3A_76 : f32 to vector<16xf32>
    %swap3A_78 = arith.constant 80 : index
    %swap3A_79 = tpu.vector_load %arg19[%swap3A_78] {strides = array<i32>} : memref<128xf32, #tpu.memory_space<vmem>>, vector<16xf32>,
    tpu.vector_store %arg19[%swap3A_78], %broadcast_in_dim3A_77 {strides = array<i32>} : memref<128xf32, #tpu.memory_space<vmem>>, vector<16xf32>,
    %swap3A_80 = arith.constant 96 : index
    %swap3A_81 = tpu.vector_load %arg17[%swap3A_80] {strides = array<i32>} : memref<128xi32, #tpu.memory_space<vmem>>, vector<16xi32>,
    tpu.vector_store %arg17[%swap3A_80], %broadcast_in_dim3A_9 {strides = array<i32>} : memref<128xi32, #tpu.memory_space<vmem>>, vector<16xi32>,
    %add3A_82 = arith.constant 128 : i32
    %add3A_83 = vector.broadcast %add3A_82 : i32 to vector<16xi32>
    %add3A_84 = arith.addi %broadcast_in_dim3A_9, %add3A_83 : vector<16xi32>
    %swap3A_85 = arith.constant 96 : index
    %swap3A_86 = tpu.vector_load %arg18[%swap3A_85] {strides = array<i32>} : memref<128xi32, #tpu.memory_space<vmem>>, vector<16xi32>,
    tpu.vector_store %arg18[%swap3A_85], %add3A_84 {strides = array<i32>} : memref<128xi32, #tpu.memory_space<vmem>>, vector<16xi32>,
    %broadcast_in_dim3A_87 = arith.constant 0.000000e+00 : f32
    %broadcast_in_dim3A_88 = vector.broadcast %broadcast_in_dim3A_87 : f32 to vector<16xf32>
    %swap3A_89 = arith.constant 96 : index
    %swap3A_90 = tpu.vector_load %arg19[%swap3A_89] {strides = array<i32>} : memref<128xf32, #tpu.memory_space<vmem>>, vector<16xf32>,
    tpu.vector_store %arg19[%swap3A_89], %broadcast_in_dim3A_88 {strides = array<i32>} : memref<128xf32, #tpu.memory_space<vmem>>, vector<16xf32>,
    %swap3A_91 = arith.constant 112 : index
    %swap3A_92 = tpu.vector_load %arg17[%swap3A_91] {strides = array<i32>} : memref<128xi32, #tpu.memory_space<vmem>>, vector<16xi32>,
    tpu.vector_store %arg17[%swap3A_91], %broadcast_in_dim3A_9 {strides = array<i32>} : memref<128xi32, #tpu.memory_space<vmem>>, vector<16xi32>,
    %add3A_93 = arith.constant 128 : i32
    %add3A_94 = vector.broadcast %add3A_93 : i32 to vector<16xi32>
    %add3A_95 = arith.addi %broadcast_in_dim3A_9, %add3A_94 : vector<16xi32>
    %swap3A_96 = arith.constant 112 : index
    %swap3A_97 = tpu.vector_load %arg18[%swap3A_96] {strides = array<i32>} : memref<128xi32, #tpu.memory_space<vmem>>, vector<16xi32>,
    tpu.vector_store %arg18[%swap3A_96], %add3A_95 {strides = array<i32>} : memref<128xi32, #tpu.memory_space<vmem>>, vector<16xi32>,
    %broadcast_in_dim3A_98 = arith.constant 0.000000e+00 : f32
    %broadcast_in_dim3A_99 = vector.broadcast %broadcast_in_dim3A_98 : f32 to vector<16xf32>
    %swap3A_100 = arith.constant 112 : index
    %swap3A_101 = tpu.vector_load %arg19[%swap3A_100] {strides = array<i32>} : memref<128xf32, #tpu.memory_space<vmem>>, vector<16xf32>,
    tpu.vector_store %arg19[%swap3A_100], %broadcast_in_dim3A_99 {strides = array<i32>} : memref<128xf32, #tpu.memory_space<vmem>>, vector<16xf32>,
    "tpu.region"() ({
      %run_scoped3A = tpu.sem_alloc : memref<!tpu.dma_semaphore, #tpu.memory_space<semaphore_mem>>
      tpu.enqueue_dma source(%arg5 : memref<128xf32, #tpu.memory_space<hbm>>) target(%arg21 : memref<128xf32, #tpu.memory_space<vmem>>) target_semaphore(%run_scoped3A : memref<!tpu.dma_semaphore, #tpu.memory_space<semaphore_mem>>)
      tpu.wait_dma2 semaphore(%run_scoped3A : memref<!tpu.dma_semaphore, #tpu.memory_space<semaphore_mem>>) src(%arg5 : memref<128xf32, #tpu.memory_space<hbm>>) dst(%arg21 : memref<128xf32, #tpu.memory_space<vmem>>)
      tpu.yield
    }) : () -> ()
    %scan3A_102 = arith.constant 0 : i32
    %scan3A_103 = arith.constant 0 : i32
    %scan3A_104 = arith.constant 8 : i32
    %scan3A_105 = arith.addi %scan3A_103, %scan3A_104 : i32
    %scan3A_106 = arith.constant 1 : i32
    %scan3A_107 = scf.for %scan3A_128 = %scan3A_103 to %scan3A_105 step %scan3A_106 iter_args(%scan3A_129 = %scan3A_102) -> (i32)  : i32 {
      %mul3A_130 = arith.constant 16384 : i32
      %mul3A_131 = arith.muli %scan3A_128, %mul3A_130 : i32
      "tpu.region"() ({
        %run_scoped3A = tpu.sem_alloc : memref<!tpu.dma_semaphore, #tpu.memory_space<semaphore_mem>>
        %dma_start3A_138 = tpu.memref_slice %arg2[%mul3A_131] : memref<131072xi32, #tpu.memory_space<hbm>> -> memref<16384xi32, #tpu.memory_space<hbm>>
        %dma_start3A_139 = tpu.memref_slice %arg2[%mul3A_131] : memref<131072xi32, #tpu.memory_space<hbm>> -> memref<16384xi32, #tpu.memory_space<hbm>>
        tpu.enqueue_dma source(%dma_start3A_139 : memref<16384xi32, #tpu.memory_space<hbm>>) target(%arg7 : memref<16384xi32, #tpu.memory_space<vmem>>) target_semaphore(%run_scoped3A : memref<!tpu.dma_semaphore, #tpu.memory_space<semaphore_mem>>)
        %dma_wait3A_140 = tpu.memref_slice %arg2[%mul3A_131] : memref<131072xi32, #tpu.memory_space<hbm>> -> memref<16384xi32, #tpu.memory_space<hbm>>
        %dma_wait3A_141 = tpu.memref_slice %arg2[%mul3A_131] : memref<131072xi32, #tpu.memory_space<hbm>> -> memref<16384xi32, #tpu.memory_space<hbm>>
        tpu.wait_dma2 semaphore(%run_scoped3A : memref<!tpu.dma_semaphore, #tpu.memory_space<semaphore_mem>>) src(%dma_wait3A_141 : memref<16384xi32, #tpu.memory_space<hbm>>) dst(%arg7 : memref<16384xi32, #tpu.memory_space<vmem>>)
        tpu.yield
      }) : () -> ()
      "tpu.region"() ({
        %run_scoped3A = tpu.sem_alloc : memref<!tpu.dma_semaphore, #tpu.memory_space<semaphore_mem>>
        %dma_start3A_138 = tpu.memref_slice %arg3[%mul3A_131] : memref<131072xf32, #tpu.memory_space<hbm>> -> memref<16384xf32, #tpu.memory_space<hbm>>
        %dma_start3A_139 = tpu.memref_slice %arg3[%mul3A_131] : memref<131072xf32, #tpu.memory_space<hbm>> -> memref<16384xf32, #tpu.memory_space<hbm>>
        tpu.enqueue_dma source(%dma_start3A_139 : memref<16384xf32, #tpu.memory_space<hbm>>) target(%arg8 : memref<16384xf32, #tpu.memory_space<vmem>>) target_semaphore(%run_scoped3A : memref<!tpu.dma_semaphore, #tpu.memory_space<semaphore_mem>>)
        %dma_wait3A_140 = tpu.memref_slice %arg3[%mul3A_131] : memref<131072xf32, #tpu.memory_space<hbm>> -> memref<16384xf32, #tpu.memory_space<hbm>>
        %dma_wait3A_141 = tpu.memref_slice %arg3[%mul3A_131] : memref<131072xf32, #tpu.memory_space<hbm>> -> memref<16384xf32, #tpu.memory_space<hbm>>
        tpu.wait_dma2 semaphore(%run_scoped3A : memref<!tpu.dma_semaphore, #tpu.memory_space<semaphore_mem>>) src(%dma_wait3A_141 : memref<16384xf32, #tpu.memory_space<hbm>>) dst(%arg8 : memref<16384xf32, #tpu.memory_space<vmem>>)
        tpu.yield
      }) : () -> ()
      %scan3A_132 = arith.constant 0 : i32
      %scan3A_133 = arith.constant 1024 : i32
      %scan3A_134 = arith.addi %scan3A_132, %scan3A_133 : i32
      %scan3A_135 = arith.constant 1 : i32
      %scan3A_136 = scf.for %scan3A_138 = %scan3A_132 to %scan3A_134 step %scan3A_135 iter_args(%scan3A_139 = %scan3A_129) -> (i32)  : i32 {
        %mul3A_140 = arith.constant 16 : i32
        %mul3A_141 = arith.muli %scan3A_138, %mul3A_140 : i32
        %get3A = arith.index_cast %mul3A_141 : i32 to index
        %get3A_142 = tpu.vector_load %arg7[%get3A] {strides = array<i32>} : memref<16384xi32, #tpu.memory_space<vmem>>, vector<16xi32>,
        %ge3A = vector.broadcast %mul3A_4 : i32 to vector<16xi32>
        %ge3A_143 = arith.cmpi sge, %get3A_142, %ge3A : vector<16xi32>
        %lt3A = vector.broadcast %add3A_6 : i32 to vector<16xi32>
        %lt3A_144 = arith.cmpi slt, %get3A_142, %lt3A : vector<16xi32>
        %and3A = arith.andi %ge3A_143, %lt3A_144 : vector<16xi1>
        %all_reduce_population_count3A = tpu.all_reduce %and3A {dim = 0 : i64, kind = #tpu.reduction_kind<sum>} : vector<16xi1> -> vector<16xi32>
        %slice3A = vector.extract_strided_slice %all_reduce_population_count3A {offsets = [0], sizes = [1], strides = [1]} : vector<16xi32> to vector<1xi32>
        %squeeze3A = vector.extract %slice3A[0] : i32 from vector<1xi32>
        %gt3A = arith.constant 0 : i32
        %gt3A_145 = arith.cmpi sgt, %squeeze3A, %gt3A : i32
        %convert_element_type3A = arith.extui %gt3A_145 : i1 to i32
        %cond3A = arith.constant 0 : i32
        %cond3A_146 = arith.cmpi ne, %convert_element_type3A, %cond3A : i32
        %cond3A_147 = scf.if %cond3A_146 -> (i32) {
          %gt3A_148 = arith.constant 112 : i32
          %gt3A_149 = arith.cmpi sgt, %scan3A_139, %gt3A_148 : i32
          %convert_element_type3A_150 = arith.extui %gt3A_149 : i1 to i32
          %cond3A_151 = arith.constant 0 : i32
          %cond3A_152 = arith.cmpi ne, %convert_element_type3A_150, %cond3A_151 : i32
          %cond3A_153 = scf.if %cond3A_152 -> (i32) {
            %dma_start3A_171 = arith.constant 0 : i32
            %dma_start3A_172 = arith.constant 0 : i32
            %dma_start3A_173 = tpu.memref_slice %arg4[%dma_start3A_171, %dma_start3A_172] : memref<4096x128xf32, #tpu.memory_space<hbm>> -> memref<4096x128xf32, #tpu.memory_space<hbm>>
            tpu.enqueue_indirect_dma source(%dma_start3A_173 : memref<4096x128xf32, #tpu.memory_space<hbm>>) target(%arg20 : memref<128x128xf32, #tpu.memory_space<vmem>>) offsets(%arg17 : memref<128xi32, #tpu.memory_space<vmem>>) semaphore(%arg22 : memref<!tpu.dma_semaphore, #tpu.memory_space<semaphore_mem>>)
            %dma_wait3A_174 = arith.constant 0 : i32
            %dma_wait3A_175 = arith.constant 0 : i32
            %dma_wait3A_176 = tpu.memref_slice %arg4[%dma_wait3A_174, %dma_wait3A_175] : memref<4096x128xf32, #tpu.memory_space<hbm>> -> memref<4096x128xf32, #tpu.memory_space<hbm>>
            tpu.wait_indirect_dma semaphore(%arg22 : memref<!tpu.dma_semaphore, #tpu.memory_space<semaphore_mem>>) src(%dma_wait3A_176 : memref<4096x128xf32, #tpu.memory_space<hbm>>) dst(%arg20 : memref<128x128xf32, #tpu.memory_space<vmem>>)
            %while3A_177 = arith.constant 0 : i32
            %while3A_178 = arith.constant 0 : i32
            %while3A_179 = arith.subi %scan3A_139, %while3A_178 : i32
            %while3A_180 = arith.addi %while3A_178, %while3A_179 : i32
            %while3A_181 = arith.constant 1 : i32
            %while3A_182 = arith.divsi %while3A_179, %while3A_181 : i32
            %while3A_183 = arith.muli %while3A_182, %while3A_181 : i32
            %while3A_184 = arith.addi %while3A_178, %while3A_183 : i32
            %while3A_185 = arith.constant 1 : i32
            scf.for %while3A_188 = %while3A_178 to %while3A_184 step %while3A_185  : i32 {
              %broadcast_in_dim3A_189 = arith.constant 0 : i32
              %broadcast_in_dim3A_190 = vector.broadcast %broadcast_in_dim3A_189 : i32 to vector<16xi32>
              %add3A_191 = vector.broadcast %while3A_188 : i32 to vector<16xi32>
              %add3A_192 = arith.addi %broadcast_in_dim3A_190, %add3A_191 : vector<16xi32>
              %gather3A = tpu.vector_load_idx %arg18[%add3A_192] : memref<128xi32, #tpu.memory_space<vmem>>[vector<16xi32>], vector<16xi32>,
              %gather3A_193 = tpu.vector_load_idx %arg19[%add3A_192] : memref<128xf32, #tpu.memory_space<vmem>>[vector<16xi32>], vector<16xf32>,
              %mul3A_194 = arith.constant 16 : i32
              %mul3A_195 = vector.broadcast %mul3A_194 : i32 to vector<16xi32>
              %mul3A_196 = arith.muli %gather3A, %mul3A_195 : vector<16xi32>
              %add3A_197 = arith.addi %mul3A_196, %iota3A : vector<16xi32>
              %get3A_198 = arith.index_cast %while3A_188 : i32 to index
              %get3A_199 = arith.constant 0 : index
              %get3A_200 = tpu.vector_load %arg20[%get3A_198, %get3A_199] {strides = array<i32>} : memref<128x128xf32, #tpu.memory_space<vmem>>, vector<16xf32>,
              %get3A_201 = arith.constant 0 : index
              %get3A_202 = tpu.vector_load %arg21[%get3A_201] {strides = array<i32>} : memref<128xf32, #tpu.memory_space<vmem>>, vector<16xf32>,
              %mul3A_203 = arith.mulf %gather3A_193, %get3A_202 : vector<16xf32>
              %add3A_204 = arith.addf %get3A_200, %mul3A_203 : vector<16xf32>
              %gather3A_205 = tpu.vector_load_idx %arg9[%add3A_197] : memref<2064xf32, #tpu.memory_space<vmem>>[vector<16xi32>], vector<16xf32>,
              %max3A = arith.maximumf %gather3A_205, %add3A_204 : vector<16xf32>
              tpu.vector_store_idx %arg9[%add3A_197], %max3A : memref<2064xf32, #tpu.memory_space<vmem>>[vector<16xi32>], vector<16xf32>,
              %get3A_206 = arith.index_cast %while3A_188 : i32 to index
              %get3A_207 = arith.constant 16 : index
              %get3A_208 = tpu.vector_load %arg20[%get3A_206, %get3A_207] {strides = array<i32>} : memref<128x128xf32, #tpu.memory_space<vmem>>, vector<16xf32>,
              %get3A_209 = arith.constant 16 : index
              %get3A_210 = tpu.vector_load %arg21[%get3A_209] {strides = array<i32>} : memref<128xf32, #tpu.memory_space<vmem>>, vector<16xf32>,
              %mul3A_211 = arith.mulf %gather3A_193, %get3A_210 : vector<16xf32>
              %add3A_212 = arith.addf %get3A_208, %mul3A_211 : vector<16xf32>
              %gather3A_213 = tpu.vector_load_idx %arg10[%add3A_197] : memref<2064xf32, #tpu.memory_space<vmem>>[vector<16xi32>], vector<16xf32>,
              %max3A_214 = arith.maximumf %gather3A_213, %add3A_212 : vector<16xf32>
              tpu.vector_store_idx %arg10[%add3A_197], %max3A_214 : memref<2064xf32, #tpu.memory_space<vmem>>[vector<16xi32>], vector<16xf32>,
              %get3A_215 = arith.index_cast %while3A_188 : i32 to index
              %get3A_216 = arith.constant 32 : index
              %get3A_217 = tpu.vector_load %arg20[%get3A_215, %get3A_216] {strides = array<i32>} : memref<128x128xf32, #tpu.memory_space<vmem>>, vector<16xf32>,
              %get3A_218 = arith.constant 32 : index
              %get3A_219 = tpu.vector_load %arg21[%get3A_218] {strides = array<i32>} : memref<128xf32, #tpu.memory_space<vmem>>, vector<16xf32>,
              %mul3A_220 = arith.mulf %gather3A_193, %get3A_219 : vector<16xf32>
              %add3A_221 = arith.addf %get3A_217, %mul3A_220 : vector<16xf32>
              %gather3A_222 = tpu.vector_load_idx %arg11[%add3A_197] : memref<2064xf32, #tpu.memory_space<vmem>>[vector<16xi32>], vector<16xf32>,
              %max3A_223 = arith.maximumf %gather3A_222, %add3A_221 : vector<16xf32>
              tpu.vector_store_idx %arg11[%add3A_197], %max3A_223 : memref<2064xf32, #tpu.memory_space<vmem>>[vector<16xi32>], vector<16xf32>,
              %get3A_224 = arith.index_cast %while3A_188 : i32 to index
              %get3A_225 = arith.constant 48 : index
              %get3A_226 = tpu.vector_load %arg20[%get3A_224, %get3A_225] {strides = array<i32>} : memref<128x128xf32, #tpu.memory_space<vmem>>, vector<16xf32>,
              %get3A_227 = arith.constant 48 : index
              %get3A_228 = tpu.vector_load %arg21[%get3A_227] {strides = array<i32>} : memref<128xf32, #tpu.memory_space<vmem>>, vector<16xf32>,
              %mul3A_229 = arith.mulf %gather3A_193, %get3A_228 : vector<16xf32>
              %add3A_230 = arith.addf %get3A_226, %mul3A_229 : vector<16xf32>
              %gather3A_231 = tpu.vector_load_idx %arg12[%add3A_197] : memref<2064xf32, #tpu.memory_space<vmem>>[vector<16xi32>], vector<16xf32>,
              %max3A_232 = arith.maximumf %gather3A_231, %add3A_230 : vector<16xf32>
              tpu.vector_store_idx %arg12[%add3A_197], %max3A_232 : memref<2064xf32, #tpu.memory_space<vmem>>[vector<16xi32>], vector<16xf32>,
              %get3A_233 = arith.index_cast %while3A_188 : i32 to index
              %get3A_234 = arith.constant 64 : index
              %get3A_235 = tpu.vector_load %arg20[%get3A_233, %get3A_234] {strides = array<i32>} : memref<128x128xf32, #tpu.memory_space<vmem>>, vector<16xf32>,
              %get3A_236 = arith.constant 64 : index
              %get3A_237 = tpu.vector_load %arg21[%get3A_236] {strides = array<i32>} : memref<128xf32, #tpu.memory_space<vmem>>, vector<16xf32>,
              %mul3A_238 = arith.mulf %gather3A_193, %get3A_237 : vector<16xf32>
              %add3A_239 = arith.addf %get3A_235, %mul3A_238 : vector<16xf32>
              %gather3A_240 = tpu.vector_load_idx %arg13[%add3A_197] : memref<2064xf32, #tpu.memory_space<vmem>>[vector<16xi32>], vector<16xf32>,
              %max3A_241 = arith.maximumf %gather3A_240, %add3A_239 : vector<16xf32>
              tpu.vector_store_idx %arg13[%add3A_197], %max3A_241 : memref<2064xf32, #tpu.memory_space<vmem>>[vector<16xi32>], vector<16xf32>,
              %get3A_242 = arith.index_cast %while3A_188 : i32 to index
              %get3A_243 = arith.constant 80 : index
              %get3A_244 = tpu.vector_load %arg20[%get3A_242, %get3A_243] {strides = array<i32>} : memref<128x128xf32, #tpu.memory_space<vmem>>, vector<16xf32>,
              %get3A_245 = arith.constant 80 : index
              %get3A_246 = tpu.vector_load %arg21[%get3A_245] {strides = array<i32>} : memref<128xf32, #tpu.memory_space<vmem>>, vector<16xf32>,
              %mul3A_247 = arith.mulf %gather3A_193, %get3A_246 : vector<16xf32>
              %add3A_248 = arith.addf %get3A_244, %mul3A_247 : vector<16xf32>
              %gather3A_249 = tpu.vector_load_idx %arg14[%add3A_197] : memref<2064xf32, #tpu.memory_space<vmem>>[vector<16xi32>], vector<16xf32>,
              %max3A_250 = arith.maximumf %gather3A_249, %add3A_248 : vector<16xf32>
              tpu.vector_store_idx %arg14[%add3A_197], %max3A_250 : memref<2064xf32, #tpu.memory_space<vmem>>[vector<16xi32>], vector<16xf32>,
              %get3A_251 = arith.index_cast %while3A_188 : i32 to index
              %get3A_252 = arith.constant 96 : index
              %get3A_253 = tpu.vector_load %arg20[%get3A_251, %get3A_252] {strides = array<i32>} : memref<128x128xf32, #tpu.memory_space<vmem>>, vector<16xf32>,
              %get3A_254 = arith.constant 96 : index
              %get3A_255 = tpu.vector_load %arg21[%get3A_254] {strides = array<i32>} : memref<128xf32, #tpu.memory_space<vmem>>, vector<16xf32>,
              %mul3A_256 = arith.mulf %gather3A_193, %get3A_255 : vector<16xf32>
              %add3A_257 = arith.addf %get3A_253, %mul3A_256 : vector<16xf32>
              %gather3A_258 = tpu.vector_load_idx %arg15[%add3A_197] : memref<2064xf32, #tpu.memory_space<vmem>>[vector<16xi32>], vector<16xf32>,
              %max3A_259 = arith.maximumf %gather3A_258, %add3A_257 : vector<16xf32>
              tpu.vector_store_idx %arg15[%add3A_197], %max3A_259 : memref<2064xf32, #tpu.memory_space<vmem>>[vector<16xi32>], vector<16xf32>,
              %get3A_260 = arith.index_cast %while3A_188 : i32 to index
              %get3A_261 = arith.constant 112 : index
              %get3A_262 = tpu.vector_load %arg20[%get3A_260, %get3A_261] {strides = array<i32>} : memref<128x128xf32, #tpu.memory_space<vmem>>, vector<16xf32>,
              %get3A_263 = arith.constant 112 : index
              %get3A_264 = tpu.vector_load %arg21[%get3A_263] {strides = array<i32>} : memref<128xf32, #tpu.memory_space<vmem>>, vector<16xf32>,
              %mul3A_265 = arith.mulf %gather3A_193, %get3A_264 : vector<16xf32>
              %add3A_266 = arith.addf %get3A_262, %mul3A_265 : vector<16xf32>
              %gather3A_267 = tpu.vector_load_idx %arg16[%add3A_197] : memref<2064xf32, #tpu.memory_space<vmem>>[vector<16xi32>], vector<16xf32>,
              %max3A_268 = arith.maximumf %gather3A_267, %add3A_266 : vector<16xf32>
              tpu.vector_store_idx %arg16[%add3A_197], %max3A_268 : memref<2064xf32, #tpu.memory_space<vmem>>[vector<16xi32>], vector<16xf32>,
            }
            %while3A_186 = arith.constant 1 : i32
            scf.for %while3A_188 = %while3A_184 to %while3A_180 step %while3A_186  : i32 {
              %broadcast_in_dim3A_189 = arith.constant 0 : i32
              %broadcast_in_dim3A_190 = vector.broadcast %broadcast_in_dim3A_189 : i32 to vector<16xi32>
              %add3A_191 = vector.broadcast %while3A_188 : i32 to vector<16xi32>
              %add3A_192 = arith.addi %broadcast_in_dim3A_190, %add3A_191 : vector<16xi32>
              %gather3A = tpu.vector_load_idx %arg18[%add3A_192] : memref<128xi32, #tpu.memory_space<vmem>>[vector<16xi32>], vector<16xi32>,
              %gather3A_193 = tpu.vector_load_idx %arg19[%add3A_192] : memref<128xf32, #tpu.memory_space<vmem>>[vector<16xi32>], vector<16xf32>,
              %mul3A_194 = arith.constant 16 : i32
              %mul3A_195 = vector.broadcast %mul3A_194 : i32 to vector<16xi32>
              %mul3A_196 = arith.muli %gather3A, %mul3A_195 : vector<16xi32>
              %add3A_197 = arith.addi %mul3A_196, %iota3A : vector<16xi32>
              %get3A_198 = arith.index_cast %while3A_188 : i32 to index
              %get3A_199 = arith.constant 0 : index
              %get3A_200 = tpu.vector_load %arg20[%get3A_198, %get3A_199] {strides = array<i32>} : memref<128x128xf32, #tpu.memory_space<vmem>>, vector<16xf32>,
              %get3A_201 = arith.constant 0 : index
              %get3A_202 = tpu.vector_load %arg21[%get3A_201] {strides = array<i32>} : memref<128xf32, #tpu.memory_space<vmem>>, vector<16xf32>,
              %mul3A_203 = arith.mulf %gather3A_193, %get3A_202 : vector<16xf32>
              %add3A_204 = arith.addf %get3A_200, %mul3A_203 : vector<16xf32>
              %gather3A_205 = tpu.vector_load_idx %arg9[%add3A_197] : memref<2064xf32, #tpu.memory_space<vmem>>[vector<16xi32>], vector<16xf32>,
              %max3A = arith.maximumf %gather3A_205, %add3A_204 : vector<16xf32>
              tpu.vector_store_idx %arg9[%add3A_197], %max3A : memref<2064xf32, #tpu.memory_space<vmem>>[vector<16xi32>], vector<16xf32>,
              %get3A_206 = arith.index_cast %while3A_188 : i32 to index
              %get3A_207 = arith.constant 16 : index
              %get3A_208 = tpu.vector_load %arg20[%get3A_206, %get3A_207] {strides = array<i32>} : memref<128x128xf32, #tpu.memory_space<vmem>>, vector<16xf32>,
              %get3A_209 = arith.constant 16 : index
              %get3A_210 = tpu.vector_load %arg21[%get3A_209] {strides = array<i32>} : memref<128xf32, #tpu.memory_space<vmem>>, vector<16xf32>,
              %mul3A_211 = arith.mulf %gather3A_193, %get3A_210 : vector<16xf32>
              %add3A_212 = arith.addf %get3A_208, %mul3A_211 : vector<16xf32>
              %gather3A_213 = tpu.vector_load_idx %arg10[%add3A_197] : memref<2064xf32, #tpu.memory_space<vmem>>[vector<16xi32>], vector<16xf32>,
              %max3A_214 = arith.maximumf %gather3A_213, %add3A_212 : vector<16xf32>
              tpu.vector_store_idx %arg10[%add3A_197], %max3A_214 : memref<2064xf32, #tpu.memory_space<vmem>>[vector<16xi32>], vector<16xf32>,
              %get3A_215 = arith.index_cast %while3A_188 : i32 to index
              %get3A_216 = arith.constant 32 : index
              %get3A_217 = tpu.vector_load %arg20[%get3A_215, %get3A_216] {strides = array<i32>} : memref<128x128xf32, #tpu.memory_space<vmem>>, vector<16xf32>,
              %get3A_218 = arith.constant 32 : index
              %get3A_219 = tpu.vector_load %arg21[%get3A_218] {strides = array<i32>} : memref<128xf32, #tpu.memory_space<vmem>>, vector<16xf32>,
              %mul3A_220 = arith.mulf %gather3A_193, %get3A_219 : vector<16xf32>
              %add3A_221 = arith.addf %get3A_217, %mul3A_220 : vector<16xf32>
              %gather3A_222 = tpu.vector_load_idx %arg11[%add3A_197] : memref<2064xf32, #tpu.memory_space<vmem>>[vector<16xi32>], vector<16xf32>,
              %max3A_223 = arith.maximumf %gather3A_222, %add3A_221 : vector<16xf32>
              tpu.vector_store_idx %arg11[%add3A_197], %max3A_223 : memref<2064xf32, #tpu.memory_space<vmem>>[vector<16xi32>], vector<16xf32>,
              %get3A_224 = arith.index_cast %while3A_188 : i32 to index
              %get3A_225 = arith.constant 48 : index
              %get3A_226 = tpu.vector_load %arg20[%get3A_224, %get3A_225] {strides = array<i32>} : memref<128x128xf32, #tpu.memory_space<vmem>>, vector<16xf32>,
              %get3A_227 = arith.constant 48 : index
              %get3A_228 = tpu.vector_load %arg21[%get3A_227] {strides = array<i32>} : memref<128xf32, #tpu.memory_space<vmem>>, vector<16xf32>,
              %mul3A_229 = arith.mulf %gather3A_193, %get3A_228 : vector<16xf32>
              %add3A_230 = arith.addf %get3A_226, %mul3A_229 : vector<16xf32>
              %gather3A_231 = tpu.vector_load_idx %arg12[%add3A_197] : memref<2064xf32, #tpu.memory_space<vmem>>[vector<16xi32>], vector<16xf32>,
              %max3A_232 = arith.maximumf %gather3A_231, %add3A_230 : vector<16xf32>
              tpu.vector_store_idx %arg12[%add3A_197], %max3A_232 : memref<2064xf32, #tpu.memory_space<vmem>>[vector<16xi32>], vector<16xf32>,
              %get3A_233 = arith.index_cast %while3A_188 : i32 to index
              %get3A_234 = arith.constant 64 : index
              %get3A_235 = tpu.vector_load %arg20[%get3A_233, %get3A_234] {strides = array<i32>} : memref<128x128xf32, #tpu.memory_space<vmem>>, vector<16xf32>,
              %get3A_236 = arith.constant 64 : index
              %get3A_237 = tpu.vector_load %arg21[%get3A_236] {strides = array<i32>} : memref<128xf32, #tpu.memory_space<vmem>>, vector<16xf32>,
              %mul3A_238 = arith.mulf %gather3A_193, %get3A_237 : vector<16xf32>
              %add3A_239 = arith.addf %get3A_235, %mul3A_238 : vector<16xf32>
              %gather3A_240 = tpu.vector_load_idx %arg13[%add3A_197] : memref<2064xf32, #tpu.memory_space<vmem>>[vector<16xi32>], vector<16xf32>,
              %max3A_241 = arith.maximumf %gather3A_240, %add3A_239 : vector<16xf32>
              tpu.vector_store_idx %arg13[%add3A_197], %max3A_241 : memref<2064xf32, #tpu.memory_space<vmem>>[vector<16xi32>], vector<16xf32>,
              %get3A_242 = arith.index_cast %while3A_188 : i32 to index
              %get3A_243 = arith.constant 80 : index
              %get3A_244 = tpu.vector_load %arg20[%get3A_242, %get3A_243] {strides = array<i32>} : memref<128x128xf32, #tpu.memory_space<vmem>>, vector<16xf32>,
              %get3A_245 = arith.constant 80 : index
              %get3A_246 = tpu.vector_load %arg21[%get3A_245] {strides = array<i32>} : memref<128xf32, #tpu.memory_space<vmem>>, vector<16xf32>,
              %mul3A_247 = arith.mulf %gather3A_193, %get3A_246 : vector<16xf32>
              %add3A_248 = arith.addf %get3A_244, %mul3A_247 : vector<16xf32>
              %gather3A_249 = tpu.vector_load_idx %arg14[%add3A_197] : memref<2064xf32, #tpu.memory_space<vmem>>[vector<16xi32>], vector<16xf32>,
              %max3A_250 = arith.maximumf %gather3A_249, %add3A_248 : vector<16xf32>
              tpu.vector_store_idx %arg14[%add3A_197], %max3A_250 : memref<2064xf32, #tpu.memory_space<vmem>>[vector<16xi32>], vector<16xf32>,
              %get3A_251 = arith.index_cast %while3A_188 : i32 to index
              %get3A_252 = arith.constant 96 : index
              %get3A_253 = tpu.vector_load %arg20[%get3A_251, %get3A_252] {strides = array<i32>} : memref<128x128xf32, #tpu.memory_space<vmem>>, vector<16xf32>,
              %get3A_254 = arith.constant 96 : index
              %get3A_255 = tpu.vector_load %arg21[%get3A_254] {strides = array<i32>} : memref<128xf32, #tpu.memory_space<vmem>>, vector<16xf32>,
              %mul3A_256 = arith.mulf %gather3A_193, %get3A_255 : vector<16xf32>
              %add3A_257 = arith.addf %get3A_253, %mul3A_256 : vector<16xf32>
              %gather3A_258 = tpu.vector_load_idx %arg15[%add3A_197] : memref<2064xf32, #tpu.memory_space<vmem>>[vector<16xi32>], vector<16xf32>,
              %max3A_259 = arith.maximumf %gather3A_258, %add3A_257 : vector<16xf32>
              tpu.vector_store_idx %arg15[%add3A_197], %max3A_259 : memref<2064xf32, #tpu.memory_space<vmem>>[vector<16xi32>], vector<16xf32>,
              %get3A_260 = arith.index_cast %while3A_188 : i32 to index
              %get3A_261 = arith.constant 112 : index
              %get3A_262 = tpu.vector_load %arg20[%get3A_260, %get3A_261] {strides = array<i32>} : memref<128x128xf32, #tpu.memory_space<vmem>>, vector<16xf32>,
              %get3A_263 = arith.constant 112 : index
              %get3A_264 = tpu.vector_load %arg21[%get3A_263] {strides = array<i32>} : memref<128xf32, #tpu.memory_space<vmem>>, vector<16xf32>,
              %mul3A_265 = arith.mulf %gather3A_193, %get3A_264 : vector<16xf32>
              %add3A_266 = arith.addf %get3A_262, %mul3A_265 : vector<16xf32>
              %gather3A_267 = tpu.vector_load_idx %arg16[%add3A_197] : memref<2064xf32, #tpu.memory_space<vmem>>[vector<16xi32>], vector<16xf32>,
              %max3A_268 = arith.maximumf %gather3A_267, %add3A_266 : vector<16xf32>
              tpu.vector_store_idx %arg16[%add3A_197], %max3A_268 : memref<2064xf32, #tpu.memory_space<vmem>>[vector<16xi32>], vector<16xf32>,
            }
            %cond3A_187 = arith.constant 0 : i32
            scf.yield %cond3A_187 : i32
          } else {
            scf.yield %scan3A_139 : i32
          }
          %mul3A_154 = arith.constant 16 : i32
          %mul3A_155 = arith.muli %scan3A_138, %mul3A_154 : i32
          %get3A_156 = arith.index_cast %mul3A_155 : i32 to index
          %get3A_157 = tpu.vector_load %arg8[%get3A_156] {strides = array<i32>} : memref<16384xf32, #tpu.memory_space<vmem>>, vector<16xf32>,
          %and3A_158 = arith.constant 4095 : i32
          %and3A_159 = vector.broadcast %and3A_158 : i32 to vector<16xi32>
          %and3A_160 = arith.andi %get3A_142, %and3A_159 : vector<16xi32>
          %swap3A_161 = arith.index_cast %cond3A_153 : i32 to index
          %swap3A_162 = tpu.vector_load %arg17[%swap3A_161] masked %and3A {strides = array<i32>} : memref<128xi32, #tpu.memory_space<vmem>>, vector<16xi32>, vector<16xi1>
          tpu.vector_store %arg17[%swap3A_161], %and3A_160 masked %and3A {strides = array<i32>} : memref<128xi32, #tpu.memory_space<vmem>>, vector<16xi32>, vector<16xi1>
          %shift_right_arithmetic3A = arith.constant 12 : i32
          %shift_right_arithmetic3A_163 = vector.broadcast %shift_right_arithmetic3A : i32 to vector<16xi32>
          %shift_right_arithmetic3A_164 = arith.shrsi %get3A_142, %shift_right_arithmetic3A_163 : vector<16xi32>
          %sub3A = vector.broadcast %mul3A_2 : i32 to vector<16xi32>
          %sub3A_165 = arith.subi %shift_right_arithmetic3A_164, %sub3A : vector<16xi32>
          %swap3A_166 = arith.index_cast %cond3A_153 : i32 to index
          %swap3A_167 = tpu.vector_load %arg18[%swap3A_166] masked %and3A {strides = array<i32>} : memref<128xi32, #tpu.memory_space<vmem>>, vector<16xi32>, vector<16xi1>
          tpu.vector_store %arg18[%swap3A_166], %sub3A_165 masked %and3A {strides = array<i32>} : memref<128xi32, #tpu.memory_space<vmem>>, vector<16xi32>, vector<16xi1>
          %swap3A_168 = arith.index_cast %cond3A_153 : i32 to index
          %swap3A_169 = tpu.vector_load %arg19[%swap3A_168] masked %and3A {strides = array<i32>} : memref<128xf32, #tpu.memory_space<vmem>>, vector<16xf32>, vector<16xi1>
          tpu.vector_store %arg19[%swap3A_168], %get3A_157 masked %and3A {strides = array<i32>} : memref<128xf32, #tpu.memory_space<vmem>>, vector<16xf32>, vector<16xi1>
          %add3A_170 = arith.addi %cond3A_153, %squeeze3A : i32
          scf.yield %add3A_170 : i32
        } else {
          scf.yield %scan3A_139 : i32
        }
        scf.yield %cond3A_147 : i32
      }
      %scan3A_137 = arith.constant 1024 : i32
      scf.yield %scan3A_136 : i32
    }
    %scan3A_108 = arith.constant 8 : i32
    %dma_start3A = arith.constant 0 : i32
    %dma_start3A_109 = arith.constant 0 : i32
    %dma_start3A_110 = tpu.memref_slice %arg4[%dma_start3A, %dma_start3A_109] : memref<4096x128xf32, #tpu.memory_space<hbm>> -> memref<4096x128xf32, #tpu.memory_space<hbm>>
    tpu.enqueue_indirect_dma source(%dma_start3A_110 : memref<4096x128xf32, #tpu.memory_space<hbm>>) target(%arg20 : memref<128x128xf32, #tpu.memory_space<vmem>>) offsets(%arg17 : memref<128xi32, #tpu.memory_space<vmem>>) semaphore(%arg22 : memref<!tpu.dma_semaphore, #tpu.memory_space<semaphore_mem>>)
    %dma_wait3A = arith.constant 0 : i32
    %dma_wait3A_111 = arith.constant 0 : i32
    %dma_wait3A_112 = tpu.memref_slice %arg4[%dma_wait3A, %dma_wait3A_111] : memref<4096x128xf32, #tpu.memory_space<hbm>> -> memref<4096x128xf32, #tpu.memory_space<hbm>>
    tpu.wait_indirect_dma semaphore(%arg22 : memref<!tpu.dma_semaphore, #tpu.memory_space<semaphore_mem>>) src(%dma_wait3A_112 : memref<4096x128xf32, #tpu.memory_space<hbm>>) dst(%arg20 : memref<128x128xf32, #tpu.memory_space<vmem>>)
    %while3A = arith.constant 0 : i32
    %while3A_113 = arith.constant 0 : i32
    %while3A_114 = arith.subi %scan3A_107, %while3A_113 : i32
    %while3A_115 = arith.addi %while3A_113, %while3A_114 : i32
    %while3A_116 = arith.constant 1 : i32
    %while3A_117 = arith.divsi %while3A_114, %while3A_116 : i32
    %while3A_118 = arith.muli %while3A_117, %while3A_116 : i32
    %while3A_119 = arith.addi %while3A_113, %while3A_118 : i32
    %while3A_120 = arith.constant 1 : i32
    scf.for %while3A_128 = %while3A_113 to %while3A_119 step %while3A_120  : i32 {
      %broadcast_in_dim3A_129 = arith.constant 0 : i32
      %broadcast_in_dim3A_130 = vector.broadcast %broadcast_in_dim3A_129 : i32 to vector<16xi32>
      %add3A_131 = vector.broadcast %while3A_128 : i32 to vector<16xi32>
      %add3A_132 = arith.addi %broadcast_in_dim3A_130, %add3A_131 : vector<16xi32>
      %gather3A = tpu.vector_load_idx %arg18[%add3A_132] : memref<128xi32, #tpu.memory_space<vmem>>[vector<16xi32>], vector<16xi32>,
      %gather3A_133 = tpu.vector_load_idx %arg19[%add3A_132] : memref<128xf32, #tpu.memory_space<vmem>>[vector<16xi32>], vector<16xf32>,
      %mul3A_134 = arith.constant 16 : i32
      %mul3A_135 = vector.broadcast %mul3A_134 : i32 to vector<16xi32>
      %mul3A_136 = arith.muli %gather3A, %mul3A_135 : vector<16xi32>
      %add3A_137 = arith.addi %mul3A_136, %iota3A : vector<16xi32>
      %get3A = arith.index_cast %while3A_128 : i32 to index
      %get3A_138 = arith.constant 0 : index
      %get3A_139 = tpu.vector_load %arg20[%get3A, %get3A_138] {strides = array<i32>} : memref<128x128xf32, #tpu.memory_space<vmem>>, vector<16xf32>,
      %get3A_140 = arith.constant 0 : index
      %get3A_141 = tpu.vector_load %arg21[%get3A_140] {strides = array<i32>} : memref<128xf32, #tpu.memory_space<vmem>>, vector<16xf32>,
      %mul3A_142 = arith.mulf %gather3A_133, %get3A_141 : vector<16xf32>
      %add3A_143 = arith.addf %get3A_139, %mul3A_142 : vector<16xf32>
      %gather3A_144 = tpu.vector_load_idx %arg9[%add3A_137] : memref<2064xf32, #tpu.memory_space<vmem>>[vector<16xi32>], vector<16xf32>,
      %max3A = arith.maximumf %gather3A_144, %add3A_143 : vector<16xf32>
      tpu.vector_store_idx %arg9[%add3A_137], %max3A : memref<2064xf32, #tpu.memory_space<vmem>>[vector<16xi32>], vector<16xf32>,
      %get3A_145 = arith.index_cast %while3A_128 : i32 to index
      %get3A_146 = arith.constant 16 : index
      %get3A_147 = tpu.vector_load %arg20[%get3A_145, %get3A_146] {strides = array<i32>} : memref<128x128xf32, #tpu.memory_space<vmem>>, vector<16xf32>,
      %get3A_148 = arith.constant 16 : index
      %get3A_149 = tpu.vector_load %arg21[%get3A_148] {strides = array<i32>} : memref<128xf32, #tpu.memory_space<vmem>>, vector<16xf32>,
      %mul3A_150 = arith.mulf %gather3A_133, %get3A_149 : vector<16xf32>
      %add3A_151 = arith.addf %get3A_147, %mul3A_150 : vector<16xf32>
      %gather3A_152 = tpu.vector_load_idx %arg10[%add3A_137] : memref<2064xf32, #tpu.memory_space<vmem>>[vector<16xi32>], vector<16xf32>,
      %max3A_153 = arith.maximumf %gather3A_152, %add3A_151 : vector<16xf32>
      tpu.vector_store_idx %arg10[%add3A_137], %max3A_153 : memref<2064xf32, #tpu.memory_space<vmem>>[vector<16xi32>], vector<16xf32>,
      %get3A_154 = arith.index_cast %while3A_128 : i32 to index
      %get3A_155 = arith.constant 32 : index
      %get3A_156 = tpu.vector_load %arg20[%get3A_154, %get3A_155] {strides = array<i32>} : memref<128x128xf32, #tpu.memory_space<vmem>>, vector<16xf32>,
      %get3A_157 = arith.constant 32 : index
      %get3A_158 = tpu.vector_load %arg21[%get3A_157] {strides = array<i32>} : memref<128xf32, #tpu.memory_space<vmem>>, vector<16xf32>,
      %mul3A_159 = arith.mulf %gather3A_133, %get3A_158 : vector<16xf32>
      %add3A_160 = arith.addf %get3A_156, %mul3A_159 : vector<16xf32>
      %gather3A_161 = tpu.vector_load_idx %arg11[%add3A_137] : memref<2064xf32, #tpu.memory_space<vmem>>[vector<16xi32>], vector<16xf32>,
      %max3A_162 = arith.maximumf %gather3A_161, %add3A_160 : vector<16xf32>
      tpu.vector_store_idx %arg11[%add3A_137], %max3A_162 : memref<2064xf32, #tpu.memory_space<vmem>>[vector<16xi32>], vector<16xf32>,
      %get3A_163 = arith.index_cast %while3A_128 : i32 to index
      %get3A_164 = arith.constant 48 : index
      %get3A_165 = tpu.vector_load %arg20[%get3A_163, %get3A_164] {strides = array<i32>} : memref<128x128xf32, #tpu.memory_space<vmem>>, vector<16xf32>,
      %get3A_166 = arith.constant 48 : index
      %get3A_167 = tpu.vector_load %arg21[%get3A_166] {strides = array<i32>} : memref<128xf32, #tpu.memory_space<vmem>>, vector<16xf32>,
      %mul3A_168 = arith.mulf %gather3A_133, %get3A_167 : vector<16xf32>
      %add3A_169 = arith.addf %get3A_165, %mul3A_168 : vector<16xf32>
      %gather3A_170 = tpu.vector_load_idx %arg12[%add3A_137] : memref<2064xf32, #tpu.memory_space<vmem>>[vector<16xi32>], vector<16xf32>,
      %max3A_171 = arith.maximumf %gather3A_170, %add3A_169 : vector<16xf32>
      tpu.vector_store_idx %arg12[%add3A_137], %max3A_171 : memref<2064xf32, #tpu.memory_space<vmem>>[vector<16xi32>], vector<16xf32>,
      %get3A_172 = arith.index_cast %while3A_128 : i32 to index
      %get3A_173 = arith.constant 64 : index
      %get3A_174 = tpu.vector_load %arg20[%get3A_172, %get3A_173] {strides = array<i32>} : memref<128x128xf32, #tpu.memory_space<vmem>>, vector<16xf32>,
      %get3A_175 = arith.constant 64 : index
      %get3A_176 = tpu.vector_load %arg21[%get3A_175] {strides = array<i32>} : memref<128xf32, #tpu.memory_space<vmem>>, vector<16xf32>,
      %mul3A_177 = arith.mulf %gather3A_133, %get3A_176 : vector<16xf32>
      %add3A_178 = arith.addf %get3A_174, %mul3A_177 : vector<16xf32>
      %gather3A_179 = tpu.vector_load_idx %arg13[%add3A_137] : memref<2064xf32, #tpu.memory_space<vmem>>[vector<16xi32>], vector<16xf32>,
      %max3A_180 = arith.maximumf %gather3A_179, %add3A_178 : vector<16xf32>
      tpu.vector_store_idx %arg13[%add3A_137], %max3A_180 : memref<2064xf32, #tpu.memory_space<vmem>>[vector<16xi32>], vector<16xf32>,
      %get3A_181 = arith.index_cast %while3A_128 : i32 to index
      %get3A_182 = arith.constant 80 : index
      %get3A_183 = tpu.vector_load %arg20[%get3A_181, %get3A_182] {strides = array<i32>} : memref<128x128xf32, #tpu.memory_space<vmem>>, vector<16xf32>,
      %get3A_184 = arith.constant 80 : index
      %get3A_185 = tpu.vector_load %arg21[%get3A_184] {strides = array<i32>} : memref<128xf32, #tpu.memory_space<vmem>>, vector<16xf32>,
      %mul3A_186 = arith.mulf %gather3A_133, %get3A_185 : vector<16xf32>
      %add3A_187 = arith.addf %get3A_183, %mul3A_186 : vector<16xf32>
      %gather3A_188 = tpu.vector_load_idx %arg14[%add3A_137] : memref<2064xf32, #tpu.memory_space<vmem>>[vector<16xi32>], vector<16xf32>,
      %max3A_189 = arith.maximumf %gather3A_188, %add3A_187 : vector<16xf32>
      tpu.vector_store_idx %arg14[%add3A_137], %max3A_189 : memref<2064xf32, #tpu.memory_space<vmem>>[vector<16xi32>], vector<16xf32>,
      %get3A_190 = arith.index_cast %while3A_128 : i32 to index
      %get3A_191 = arith.constant 96 : index
      %get3A_192 = tpu.vector_load %arg20[%get3A_190, %get3A_191] {strides = array<i32>} : memref<128x128xf32, #tpu.memory_space<vmem>>, vector<16xf32>,
      %get3A_193 = arith.constant 96 : index
      %get3A_194 = tpu.vector_load %arg21[%get3A_193] {strides = array<i32>} : memref<128xf32, #tpu.memory_space<vmem>>, vector<16xf32>,
      %mul3A_195 = arith.mulf %gather3A_133, %get3A_194 : vector<16xf32>
      %add3A_196 = arith.addf %get3A_192, %mul3A_195 : vector<16xf32>
      %gather3A_197 = tpu.vector_load_idx %arg15[%add3A_137] : memref<2064xf32, #tpu.memory_space<vmem>>[vector<16xi32>], vector<16xf32>,
      %max3A_198 = arith.maximumf %gather3A_197, %add3A_196 : vector<16xf32>
      tpu.vector_store_idx %arg15[%add3A_137], %max3A_198 : memref<2064xf32, #tpu.memory_space<vmem>>[vector<16xi32>], vector<16xf32>,
      %get3A_199 = arith.index_cast %while3A_128 : i32 to index
      %get3A_200 = arith.constant 112 : index
      %get3A_201 = tpu.vector_load %arg20[%get3A_199, %get3A_200] {strides = array<i32>} : memref<128x128xf32, #tpu.memory_space<vmem>>, vector<16xf32>,
      %get3A_202 = arith.constant 112 : index
      %get3A_203 = tpu.vector_load %arg21[%get3A_202] {strides = array<i32>} : memref<128xf32, #tpu.memory_space<vmem>>, vector<16xf32>,
      %mul3A_204 = arith.mulf %gather3A_133, %get3A_203 : vector<16xf32>
      %add3A_205 = arith.addf %get3A_201, %mul3A_204 : vector<16xf32>
      %gather3A_206 = tpu.vector_load_idx %arg16[%add3A_137] : memref<2064xf32, #tpu.memory_space<vmem>>[vector<16xi32>], vector<16xf32>,
      %max3A_207 = arith.maximumf %gather3A_206, %add3A_205 : vector<16xf32>
      tpu.vector_store_idx %arg16[%add3A_137], %max3A_207 : memref<2064xf32, #tpu.memory_space<vmem>>[vector<16xi32>], vector<16xf32>,
    }
    %while3A_121 = arith.constant 1 : i32
    scf.for %while3A_128 = %while3A_119 to %while3A_115 step %while3A_121  : i32 {
      %broadcast_in_dim3A_129 = arith.constant 0 : i32
      %broadcast_in_dim3A_130 = vector.broadcast %broadcast_in_dim3A_129 : i32 to vector<16xi32>
      %add3A_131 = vector.broadcast %while3A_128 : i32 to vector<16xi32>
      %add3A_132 = arith.addi %broadcast_in_dim3A_130, %add3A_131 : vector<16xi32>
      %gather3A = tpu.vector_load_idx %arg18[%add3A_132] : memref<128xi32, #tpu.memory_space<vmem>>[vector<16xi32>], vector<16xi32>,
      %gather3A_133 = tpu.vector_load_idx %arg19[%add3A_132] : memref<128xf32, #tpu.memory_space<vmem>>[vector<16xi32>], vector<16xf32>,
      %mul3A_134 = arith.constant 16 : i32
      %mul3A_135 = vector.broadcast %mul3A_134 : i32 to vector<16xi32>
      %mul3A_136 = arith.muli %gather3A, %mul3A_135 : vector<16xi32>
      %add3A_137 = arith.addi %mul3A_136, %iota3A : vector<16xi32>
      %get3A = arith.index_cast %while3A_128 : i32 to index
      %get3A_138 = arith.constant 0 : index
      %get3A_139 = tpu.vector_load %arg20[%get3A, %get3A_138] {strides = array<i32>} : memref<128x128xf32, #tpu.memory_space<vmem>>, vector<16xf32>,
      %get3A_140 = arith.constant 0 : index
      %get3A_141 = tpu.vector_load %arg21[%get3A_140] {strides = array<i32>} : memref<128xf32, #tpu.memory_space<vmem>>, vector<16xf32>,
      %mul3A_142 = arith.mulf %gather3A_133, %get3A_141 : vector<16xf32>
      %add3A_143 = arith.addf %get3A_139, %mul3A_142 : vector<16xf32>
      %gather3A_144 = tpu.vector_load_idx %arg9[%add3A_137] : memref<2064xf32, #tpu.memory_space<vmem>>[vector<16xi32>], vector<16xf32>,
      %max3A = arith.maximumf %gather3A_144, %add3A_143 : vector<16xf32>
      tpu.vector_store_idx %arg9[%add3A_137], %max3A : memref<2064xf32, #tpu.memory_space<vmem>>[vector<16xi32>], vector<16xf32>,
      %get3A_145 = arith.index_cast %while3A_128 : i32 to index
      %get3A_146 = arith.constant 16 : index
      %get3A_147 = tpu.vector_load %arg20[%get3A_145, %get3A_146] {strides = array<i32>} : memref<128x128xf32, #tpu.memory_space<vmem>>, vector<16xf32>,
      %get3A_148 = arith.constant 16 : index
      %get3A_149 = tpu.vector_load %arg21[%get3A_148] {strides = array<i32>} : memref<128xf32, #tpu.memory_space<vmem>>, vector<16xf32>,
      %mul3A_150 = arith.mulf %gather3A_133, %get3A_149 : vector<16xf32>
      %add3A_151 = arith.addf %get3A_147, %mul3A_150 : vector<16xf32>
      %gather3A_152 = tpu.vector_load_idx %arg10[%add3A_137] : memref<2064xf32, #tpu.memory_space<vmem>>[vector<16xi32>], vector<16xf32>,
      %max3A_153 = arith.maximumf %gather3A_152, %add3A_151 : vector<16xf32>
      tpu.vector_store_idx %arg10[%add3A_137], %max3A_153 : memref<2064xf32, #tpu.memory_space<vmem>>[vector<16xi32>], vector<16xf32>,
      %get3A_154 = arith.index_cast %while3A_128 : i32 to index
      %get3A_155 = arith.constant 32 : index
      %get3A_156 = tpu.vector_load %arg20[%get3A_154, %get3A_155] {strides = array<i32>} : memref<128x128xf32, #tpu.memory_space<vmem>>, vector<16xf32>,
      %get3A_157 = arith.constant 32 : index
      %get3A_158 = tpu.vector_load %arg21[%get3A_157] {strides = array<i32>} : memref<128xf32, #tpu.memory_space<vmem>>, vector<16xf32>,
      %mul3A_159 = arith.mulf %gather3A_133, %get3A_158 : vector<16xf32>
      %add3A_160 = arith.addf %get3A_156, %mul3A_159 : vector<16xf32>
      %gather3A_161 = tpu.vector_load_idx %arg11[%add3A_137] : memref<2064xf32, #tpu.memory_space<vmem>>[vector<16xi32>], vector<16xf32>,
      %max3A_162 = arith.maximumf %gather3A_161, %add3A_160 : vector<16xf32>
      tpu.vector_store_idx %arg11[%add3A_137], %max3A_162 : memref<2064xf32, #tpu.memory_space<vmem>>[vector<16xi32>], vector<16xf32>,
      %get3A_163 = arith.index_cast %while3A_128 : i32 to index
      %get3A_164 = arith.constant 48 : index
      %get3A_165 = tpu.vector_load %arg20[%get3A_163, %get3A_164] {strides = array<i32>} : memref<128x128xf32, #tpu.memory_space<vmem>>, vector<16xf32>,
      %get3A_166 = arith.constant 48 : index
      %get3A_167 = tpu.vector_load %arg21[%get3A_166] {strides = array<i32>} : memref<128xf32, #tpu.memory_space<vmem>>, vector<16xf32>,
      %mul3A_168 = arith.mulf %gather3A_133, %get3A_167 : vector<16xf32>
      %add3A_169 = arith.addf %get3A_165, %mul3A_168 : vector<16xf32>
      %gather3A_170 = tpu.vector_load_idx %arg12[%add3A_137] : memref<2064xf32, #tpu.memory_space<vmem>>[vector<16xi32>], vector<16xf32>,
      %max3A_171 = arith.maximumf %gather3A_170, %add3A_169 : vector<16xf32>
      tpu.vector_store_idx %arg12[%add3A_137], %max3A_171 : memref<2064xf32, #tpu.memory_space<vmem>>[vector<16xi32>], vector<16xf32>,
      %get3A_172 = arith.index_cast %while3A_128 : i32 to index
      %get3A_173 = arith.constant 64 : index
      %get3A_174 = tpu.vector_load %arg20[%get3A_172, %get3A_173] {strides = array<i32>} : memref<128x128xf32, #tpu.memory_space<vmem>>, vector<16xf32>,
      %get3A_175 = arith.constant 64 : index
      %get3A_176 = tpu.vector_load %arg21[%get3A_175] {strides = array<i32>} : memref<128xf32, #tpu.memory_space<vmem>>, vector<16xf32>,
      %mul3A_177 = arith.mulf %gather3A_133, %get3A_176 : vector<16xf32>
      %add3A_178 = arith.addf %get3A_174, %mul3A_177 : vector<16xf32>
      %gather3A_179 = tpu.vector_load_idx %arg13[%add3A_137] : memref<2064xf32, #tpu.memory_space<vmem>>[vector<16xi32>], vector<16xf32>,
      %max3A_180 = arith.maximumf %gather3A_179, %add3A_178 : vector<16xf32>
      tpu.vector_store_idx %arg13[%add3A_137], %max3A_180 : memref<2064xf32, #tpu.memory_space<vmem>>[vector<16xi32>], vector<16xf32>,
      %get3A_181 = arith.index_cast %while3A_128 : i32 to index
      %get3A_182 = arith.constant 80 : index
      %get3A_183 = tpu.vector_load %arg20[%get3A_181, %get3A_182] {strides = array<i32>} : memref<128x128xf32, #tpu.memory_space<vmem>>, vector<16xf32>,
      %get3A_184 = arith.constant 80 : index
      %get3A_185 = tpu.vector_load %arg21[%get3A_184] {strides = array<i32>} : memref<128xf32, #tpu.memory_space<vmem>>, vector<16xf32>,
      %mul3A_186 = arith.mulf %gather3A_133, %get3A_185 : vector<16xf32>
      %add3A_187 = arith.addf %get3A_183, %mul3A_186 : vector<16xf32>
      %gather3A_188 = tpu.vector_load_idx %arg14[%add3A_137] : memref<2064xf32, #tpu.memory_space<vmem>>[vector<16xi32>], vector<16xf32>,
      %max3A_189 = arith.maximumf %gather3A_188, %add3A_187 : vector<16xf32>
      tpu.vector_store_idx %arg14[%add3A_137], %max3A_189 : memref<2064xf32, #tpu.memory_space<vmem>>[vector<16xi32>], vector<16xf32>,
      %get3A_190 = arith.index_cast %while3A_128 : i32 to index
      %get3A_191 = arith.constant 96 : index
      %get3A_192 = tpu.vector_load %arg20[%get3A_190, %get3A_191] {strides = array<i32>} : memref<128x128xf32, #tpu.memory_space<vmem>>, vector<16xf32>,
      %get3A_193 = arith.constant 96 : index
      %get3A_194 = tpu.vector_load %arg21[%get3A_193] {strides = array<i32>} : memref<128xf32, #tpu.memory_space<vmem>>, vector<16xf32>,
      %mul3A_195 = arith.mulf %gather3A_133, %get3A_194 : vector<16xf32>
      %add3A_196 = arith.addf %get3A_192, %mul3A_195 : vector<16xf32>
      %gather3A_197 = tpu.vector_load_idx %arg15[%add3A_137] : memref<2064xf32, #tpu.memory_space<vmem>>[vector<16xi32>], vector<16xf32>,
      %max3A_198 = arith.maximumf %gather3A_197, %add3A_196 : vector<16xf32>
      tpu.vector_store_idx %arg15[%add3A_137], %max3A_198 : memref<2064xf32, #tpu.memory_space<vmem>>[vector<16xi32>], vector<16xf32>,
      %get3A_199 = arith.index_cast %while3A_128 : i32 to index
      %get3A_200 = arith.constant 112 : index
      %get3A_201 = tpu.vector_load %arg20[%get3A_199, %get3A_200] {strides = array<i32>} : memref<128x128xf32, #tpu.memory_space<vmem>>, vector<16xf32>,
      %get3A_202 = arith.constant 112 : index
      %get3A_203 = tpu.vector_load %arg21[%get3A_202] {strides = array<i32>} : memref<128xf32, #tpu.memory_space<vmem>>, vector<16xf32>,
      %mul3A_204 = arith.mulf %gather3A_133, %get3A_203 : vector<16xf32>
      %add3A_205 = arith.addf %get3A_201, %mul3A_204 : vector<16xf32>
      %gather3A_206 = tpu.vector_load_idx %arg16[%add3A_137] : memref<2064xf32, #tpu.memory_space<vmem>>[vector<16xi32>], vector<16xf32>,
      %max3A_207 = arith.maximumf %gather3A_206, %add3A_205 : vector<16xf32>
      tpu.vector_store_idx %arg16[%add3A_137], %max3A_207 : memref<2064xf32, #tpu.memory_space<vmem>>[vector<16xi32>], vector<16xf32>,
    }
    %scan3A_122 = arith.constant 0 : i32
    %scan3A_123 = arith.constant 0 : i32
    %scan3A_124 = arith.constant 128 : i32
    %scan3A_125 = arith.addi %scan3A_123, %scan3A_124 : i32
    %scan3A_126 = arith.constant 1 : i32
    scf.for %scan3A_128 = %scan3A_123 to %scan3A_125 step %scan3A_126  : i32 {
      %mul3A_129 = arith.constant 16 : i32
      %mul3A_130 = arith.muli %scan3A_128, %mul3A_129 : i32
      %get3A = arith.index_cast %mul3A_130 : i32 to index
      %get3A_131 = tpu.vector_load %arg9[%get3A] {strides = array<i32>} : memref<2064xf32, #tpu.memory_space<vmem>>, vector<16xf32>,
      %swap3A_132 = arith.index_cast %scan3A_128 : i32 to index
      %swap3A_133 = arith.constant 0 : index
      %swap3A_134 = tpu.vector_load %arg20[%swap3A_132, %swap3A_133] {strides = array<i32>} : memref<128x128xf32, #tpu.memory_space<vmem>>, vector<16xf32>,
      tpu.vector_store %arg20[%swap3A_132, %swap3A_133], %get3A_131 {strides = array<i32>} : memref<128x128xf32, #tpu.memory_space<vmem>>, vector<16xf32>,
      %mul3A_135 = arith.constant 16 : i32
      %mul3A_136 = arith.muli %scan3A_128, %mul3A_135 : i32
      %get3A_137 = arith.index_cast %mul3A_136 : i32 to index
      %get3A_138 = tpu.vector_load %arg10[%get3A_137] {strides = array<i32>} : memref<2064xf32, #tpu.memory_space<vmem>>, vector<16xf32>,
      %swap3A_139 = arith.index_cast %scan3A_128 : i32 to index
      %swap3A_140 = arith.constant 16 : index
      %swap3A_141 = tpu.vector_load %arg20[%swap3A_139, %swap3A_140] {strides = array<i32>} : memref<128x128xf32, #tpu.memory_space<vmem>>, vector<16xf32>,
      tpu.vector_store %arg20[%swap3A_139, %swap3A_140], %get3A_138 {strides = array<i32>} : memref<128x128xf32, #tpu.memory_space<vmem>>, vector<16xf32>,
      %mul3A_142 = arith.constant 16 : i32
      %mul3A_143 = arith.muli %scan3A_128, %mul3A_142 : i32
      %get3A_144 = arith.index_cast %mul3A_143 : i32 to index
      %get3A_145 = tpu.vector_load %arg11[%get3A_144] {strides = array<i32>} : memref<2064xf32, #tpu.memory_space<vmem>>, vector<16xf32>,
      %swap3A_146 = arith.index_cast %scan3A_128 : i32 to index
      %swap3A_147 = arith.constant 32 : index
      %swap3A_148 = tpu.vector_load %arg20[%swap3A_146, %swap3A_147] {strides = array<i32>} : memref<128x128xf32, #tpu.memory_space<vmem>>, vector<16xf32>,
      tpu.vector_store %arg20[%swap3A_146, %swap3A_147], %get3A_145 {strides = array<i32>} : memref<128x128xf32, #tpu.memory_space<vmem>>, vector<16xf32>,
      %mul3A_149 = arith.constant 16 : i32
      %mul3A_150 = arith.muli %scan3A_128, %mul3A_149 : i32
      %get3A_151 = arith.index_cast %mul3A_150 : i32 to index
      %get3A_152 = tpu.vector_load %arg12[%get3A_151] {strides = array<i32>} : memref<2064xf32, #tpu.memory_space<vmem>>, vector<16xf32>,
      %swap3A_153 = arith.index_cast %scan3A_128 : i32 to index
      %swap3A_154 = arith.constant 48 : index
      %swap3A_155 = tpu.vector_load %arg20[%swap3A_153, %swap3A_154] {strides = array<i32>} : memref<128x128xf32, #tpu.memory_space<vmem>>, vector<16xf32>,
      tpu.vector_store %arg20[%swap3A_153, %swap3A_154], %get3A_152 {strides = array<i32>} : memref<128x128xf32, #tpu.memory_space<vmem>>, vector<16xf32>,
      %mul3A_156 = arith.constant 16 : i32
      %mul3A_157 = arith.muli %scan3A_128, %mul3A_156 : i32
      %get3A_158 = arith.index_cast %mul3A_157 : i32 to index
      %get3A_159 = tpu.vector_load %arg13[%get3A_158] {strides = array<i32>} : memref<2064xf32, #tpu.memory_space<vmem>>, vector<16xf32>,
      %swap3A_160 = arith.index_cast %scan3A_128 : i32 to index
      %swap3A_161 = arith.constant 64 : index
      %swap3A_162 = tpu.vector_load %arg20[%swap3A_160, %swap3A_161] {strides = array<i32>} : memref<128x128xf32, #tpu.memory_space<vmem>>, vector<16xf32>,
      tpu.vector_store %arg20[%swap3A_160, %swap3A_161], %get3A_159 {strides = array<i32>} : memref<128x128xf32, #tpu.memory_space<vmem>>, vector<16xf32>,
      %mul3A_163 = arith.constant 16 : i32
      %mul3A_164 = arith.muli %scan3A_128, %mul3A_163 : i32
      %get3A_165 = arith.index_cast %mul3A_164 : i32 to index
      %get3A_166 = tpu.vector_load %arg14[%get3A_165] {strides = array<i32>} : memref<2064xf32, #tpu.memory_space<vmem>>, vector<16xf32>,
      %swap3A_167 = arith.index_cast %scan3A_128 : i32 to index
      %swap3A_168 = arith.constant 80 : index
      %swap3A_169 = tpu.vector_load %arg20[%swap3A_167, %swap3A_168] {strides = array<i32>} : memref<128x128xf32, #tpu.memory_space<vmem>>, vector<16xf32>,
      tpu.vector_store %arg20[%swap3A_167, %swap3A_168], %get3A_166 {strides = array<i32>} : memref<128x128xf32, #tpu.memory_space<vmem>>, vector<16xf32>,
      %mul3A_170 = arith.constant 16 : i32
      %mul3A_171 = arith.muli %scan3A_128, %mul3A_170 : i32
      %get3A_172 = arith.index_cast %mul3A_171 : i32 to index
      %get3A_173 = tpu.vector_load %arg15[%get3A_172] {strides = array<i32>} : memref<2064xf32, #tpu.memory_space<vmem>>, vector<16xf32>,
      %swap3A_174 = arith.index_cast %scan3A_128 : i32 to index
      %swap3A_175 = arith.constant 96 : index
      %swap3A_176 = tpu.vector_load %arg20[%swap3A_174, %swap3A_175] {strides = array<i32>} : memref<128x128xf32, #tpu.memory_space<vmem>>, vector<16xf32>,
      tpu.vector_store %arg20[%swap3A_174, %swap3A_175], %get3A_173 {strides = array<i32>} : memref<128x128xf32, #tpu.memory_space<vmem>>, vector<16xf32>,
      %mul3A_177 = arith.constant 16 : i32
      %mul3A_178 = arith.muli %scan3A_128, %mul3A_177 : i32
      %get3A_179 = arith.index_cast %mul3A_178 : i32 to index
      %get3A_180 = tpu.vector_load %arg16[%get3A_179] {strides = array<i32>} : memref<2064xf32, #tpu.memory_space<vmem>>, vector<16xf32>,
      %swap3A_181 = arith.index_cast %scan3A_128 : i32 to index
      %swap3A_182 = arith.constant 112 : index
      %swap3A_183 = tpu.vector_load %arg20[%swap3A_181, %swap3A_182] {strides = array<i32>} : memref<128x128xf32, #tpu.memory_space<vmem>>, vector<16xf32>,
      tpu.vector_store %arg20[%swap3A_181, %swap3A_182], %get3A_180 {strides = array<i32>} : memref<128x128xf32, #tpu.memory_space<vmem>>, vector<16xf32>,
    }
    %scan3A_127 = arith.constant 128 : i32
    "tpu.region"() ({
      %run_scoped3A = tpu.sem_alloc : memref<!tpu.dma_semaphore, #tpu.memory_space<semaphore_mem>>
      %dma_start3A_128 = arith.constant 0 : i32
      %dma_start3A_129 = tpu.memref_slice %arg6[%mul3A_2, %dma_start3A_128] : memref<4096x128xf32, #tpu.memory_space<hbm>> -> memref<128x128xf32, #tpu.memory_space<hbm>>
      %dma_start3A_130 = arith.constant 0 : i32
      %dma_start3A_131 = tpu.memref_slice %arg6[%mul3A_2, %dma_start3A_130] : memref<4096x128xf32, #tpu.memory_space<hbm>> -> memref<128x128xf32, #tpu.memory_space<hbm>>
      tpu.enqueue_dma source(%arg20 : memref<128x128xf32, #tpu.memory_space<vmem>>) target(%dma_start3A_131 : memref<128x128xf32, #tpu.memory_space<hbm>>) target_semaphore(%run_scoped3A : memref<!tpu.dma_semaphore, #tpu.memory_space<semaphore_mem>>)
      %dma_wait3A_132 = arith.constant 0 : i32
      %dma_wait3A_133 = tpu.memref_slice %arg6[%mul3A_2, %dma_wait3A_132] : memref<4096x128xf32, #tpu.memory_space<hbm>> -> memref<128x128xf32, #tpu.memory_space<hbm>>
      %dma_wait3A_134 = arith.constant 0 : i32
      %dma_wait3A_135 = tpu.memref_slice %arg6[%mul3A_2, %dma_wait3A_134] : memref<4096x128xf32, #tpu.memory_space<hbm>> -> memref<128x128xf32, #tpu.memory_space<hbm>>
      tpu.wait_dma2 semaphore(%run_scoped3A : memref<!tpu.dma_semaphore, #tpu.memory_space<semaphore_mem>>) src(%arg20 : memref<128x128xf32, #tpu.memory_space<vmem>>) dst(%dma_wait3A_135 : memref<128x128xf32, #tpu.memory_space<hbm>>)
      tpu.yield
    }) : () -> ()
    return
  }
}

module attributes {stable_mosaic.version = 14 : i64} {
  func.func @_dense_pre_body(%arg0: memref<4096x128xf32, #tpu.memory_space<vmem>>, %arg1: memref<256x128xf32, #tpu.memory_space<vmem>>, %arg2: memref<1x128xf32, #tpu.memory_space<vmem>>, %arg3: memref<128x128xf32, #tpu.memory_space<vmem>>, %arg4: memref<128x128xf32, #tpu.memory_space<vmem>>, %arg5: memref<4096x128xf32, #tpu.memory_space<vmem>>, %arg6: memref<4096x128xf32, #tpu.memory_space<vmem>>, %arg7: memref<4096x128xf32, #tpu.memory_space<vmem>>) attributes {dimension_semantics = [], scalar_prefetch = 0 : i64, scratch_operands = 0 : i64, tpu.core_type = #tpu.core_type<tc>} {
    %get3A = arith.constant 0 : index
    %get3A_0 = arith.constant 0 : index
    %get3A_1 = vector.load %arg0[%get3A, %get3A_0] : memref<4096x128xf32, #tpu.memory_space<vmem>>, vector<4096x128xf32>
    %broadcast_in_dim3A = arith.constant 0.000000e+00 : f32
    %broadcast_in_dim3A_2 = vector.broadcast %broadcast_in_dim3A : f32 to vector<4096x128xf32>
    %concatenate3A = tpu.concatenate %get3A_1, %broadcast_in_dim3A_2 in 1 : vector<4096x128xf32>, vector<4096x128xf32> -> vector<4096x256xf32>
    %get3A_3 = arith.constant 0 : index
    %get3A_4 = arith.constant 0 : index
    %get3A_5 = vector.load %arg1[%get3A_3, %get3A_4] : memref<256x128xf32, #tpu.memory_space<vmem>>, vector<256x128xf32>
    %dot_general3A = arith.constant dense<0.000000e+00> : vector<4096x128xf32>
    %dot_general3A_6 = tpu.matmul %concatenate3A, %get3A_5, %dot_general3A {dimension_numbers = #tpu.dot_dimension_numbers<[1], [0], [0], [1], [0, 0, 1, 1], [], []>, transpose_lhs_hint = false} : vector<4096x256xf32>, vector<256x128xf32>, vector<4096x128xf32> -> vector<4096x128xf32>
    %get3A_7 = arith.constant 0 : index
    %get3A_8 = arith.constant 0 : index
    %get3A_9 = vector.load %arg2[%get3A_7, %get3A_8] : memref<1x128xf32, #tpu.memory_space<vmem>>, vector<1x128xf32>
    %add3A = vector.broadcast %get3A_9 : vector<1x128xf32> to vector<4096x128xf32>
    %add3A_10 = arith.addf %dot_general3A_6, %add3A : vector<4096x128xf32>
    %swap3A = arith.constant 0 : index
    %swap3A_11 = arith.constant 0 : index
    %swap3A_12 = vector.load %arg5[%swap3A, %swap3A_11] : memref<4096x128xf32, #tpu.memory_space<vmem>>, vector<4096x128xf32>
    tpu.vector_store %arg5[%swap3A, %swap3A_11], %add3A_10 {strides = array<i32>} : memref<4096x128xf32, #tpu.memory_space<vmem>>, vector<4096x128xf32>,
    %get3A_13 = arith.constant 0 : index
    %get3A_14 = arith.constant 0 : index
    %get3A_15 = vector.load %arg3[%get3A_13, %get3A_14] : memref<128x128xf32, #tpu.memory_space<vmem>>, vector<128x128xf32>
    %dot_general3A_16 = arith.constant dense<0.000000e+00> : vector<4096x128xf32>
    %dot_general3A_17 = tpu.matmul %add3A_10, %get3A_15, %dot_general3A_16 {dimension_numbers = #tpu.dot_dimension_numbers<[1], [0], [0], [1], [0, 0, 1, 1], [], []>, transpose_lhs_hint = false} : vector<4096x128xf32>, vector<128x128xf32>, vector<4096x128xf32> -> vector<4096x128xf32>
    %swap3A_18 = arith.constant 0 : index
    %swap3A_19 = arith.constant 0 : index
    %swap3A_20 = vector.load %arg6[%swap3A_18, %swap3A_19] : memref<4096x128xf32, #tpu.memory_space<vmem>>, vector<4096x128xf32>
    tpu.vector_store %arg6[%swap3A_18, %swap3A_19], %dot_general3A_17 {strides = array<i32>} : memref<4096x128xf32, #tpu.memory_space<vmem>>, vector<4096x128xf32>,
    %get3A_21 = arith.constant 0 : index
    %get3A_22 = arith.constant 0 : index
    %get3A_23 = vector.load %arg4[%get3A_21, %get3A_22] : memref<128x128xf32, #tpu.memory_space<vmem>>, vector<128x128xf32>
    %dot_general3A_24 = arith.constant dense<0.000000e+00> : vector<4096x128xf32>
    %dot_general3A_25 = tpu.matmul %add3A_10, %get3A_23, %dot_general3A_24 {dimension_numbers = #tpu.dot_dimension_numbers<[1], [0], [0], [1], [0, 0, 1, 1], [], []>, transpose_lhs_hint = false} : vector<4096x128xf32>, vector<128x128xf32>, vector<4096x128xf32> -> vector<4096x128xf32>
    %swap3A_26 = arith.constant 0 : index
    %swap3A_27 = arith.constant 0 : index
    %swap3A_28 = vector.load %arg7[%swap3A_26, %swap3A_27] : memref<4096x128xf32, #tpu.memory_space<vmem>>, vector<4096x128xf32>
    tpu.vector_store %arg7[%swap3A_26, %swap3A_27], %dot_general3A_25 {strides = array<i32>} : memref<4096x128xf32, #tpu.memory_space<vmem>>, vector<4096x128xf32>,
    return
  }
}

module attributes {stable_mosaic.version = 14 : i64} {
  func.func @_dense_post_body(%arg0: memref<4096x128xf32, #tpu.memory_space<vmem>>, %arg1: memref<4096x128xf32, #tpu.memory_space<vmem>>, %arg2: memref<4096x128xf32, #tpu.memory_space<vmem>>, %arg3: memref<1x128xf32, #tpu.memory_space<vmem>>, %arg4: memref<256x128xf32, #tpu.memory_space<vmem>>, %arg5: memref<1x128xf32, #tpu.memory_space<vmem>>, %arg6: memref<128x128xf32, #tpu.memory_space<vmem>>, %arg7: memref<1x128xf32, #tpu.memory_space<vmem>>, %arg8: memref<256x128xf32, #tpu.memory_space<vmem>>, %arg9: memref<1x128xf32, #tpu.memory_space<vmem>>, %arg10: memref<256x1xf32, #tpu.memory_space<vmem>>, %arg11: memref<1x1xf32, #tpu.memory_space<vmem>>, %arg12: memref<128x128xf32, #tpu.memory_space<vmem>>, %arg13: memref<4096x128xf32, #tpu.memory_space<vmem>>, %arg14: memref<4096x128xf32, #tpu.memory_space<vmem>>, %arg15: memref<1x1xf32, #tpu.memory_space<vmem>>, %arg16: memref<4096x128xf32, #tpu.memory_space<vmem>>) attributes {dimension_semantics = [], scalar_prefetch = 0 : i64, scratch_operands = 0 : i64, tpu.core_type = #tpu.core_type<tc>} {
    %get3A = arith.constant 0 : index
    %get3A_0 = arith.constant 0 : index
    %get3A_1 = vector.load %arg2[%get3A, %get3A_0] : memref<4096x128xf32, #tpu.memory_space<vmem>>, vector<4096x128xf32>
    %eq3A = arith.constant 0xFF800000 : f32
    %eq3A_2 = vector.broadcast %eq3A : f32 to vector<4096x128xf32>
    %eq3A_3 = arith.cmpf oeq, %get3A_1, %eq3A_2 : vector<4096x128xf32>
    %get3A_4 = arith.constant 0 : index
    %get3A_5 = arith.constant 0 : index
    %get3A_6 = vector.load %arg1[%get3A_4, %get3A_5] : memref<4096x128xf32, #tpu.memory_space<vmem>>, vector<4096x128xf32>
    %add3A = arith.addf %get3A_6, %get3A_1 : vector<4096x128xf32>
    %get3A_7 = arith.constant 0 : index
    %get3A_8 = arith.constant 0 : index
    %get3A_9 = vector.load %arg3[%get3A_7, %get3A_8] : memref<1x128xf32, #tpu.memory_space<vmem>>, vector<1x128xf32>
    %add3A_10 = vector.broadcast %get3A_9 : vector<1x128xf32> to vector<4096x128xf32>
    %add3A_11 = arith.addf %add3A, %add3A_10 : vector<4096x128xf32>
    %jit3A = arith.constant 0.000000e+00 : f32
    %broadcast_in_dim3A = vector.broadcast %jit3A : f32 to vector<4096x128xf32>
    %select_n3A = arith.select %eq3A_3, %broadcast_in_dim3A, %add3A_11 : vector<4096x128xi1>, vector<4096x128xf32>
    %get3A_12 = arith.constant 0 : index
    %get3A_13 = arith.constant 0 : index
    %get3A_14 = vector.load %arg0[%get3A_12, %get3A_13] : memref<4096x128xf32, #tpu.memory_space<vmem>>, vector<4096x128xf32>
    %concatenate3A = tpu.concatenate %get3A_14, %select_n3A in 1 : vector<4096x128xf32>, vector<4096x128xf32> -> vector<4096x256xf32>
    %get3A_15 = arith.constant 0 : index
    %get3A_16 = arith.constant 0 : index
    %get3A_17 = vector.load %arg4[%get3A_15, %get3A_16] : memref<256x128xf32, #tpu.memory_space<vmem>>, vector<256x128xf32>
    %dot_general3A = arith.constant dense<0.000000e+00> : vector<4096x128xf32>
    %dot_general3A_18 = tpu.matmul %concatenate3A, %get3A_17, %dot_general3A {dimension_numbers = #tpu.dot_dimension_numbers<[1], [0], [0], [1], [0, 0, 1, 1], [], []>, transpose_lhs_hint = false} : vector<4096x256xf32>, vector<256x128xf32>, vector<4096x128xf32> -> vector<4096x128xf32>
    %get3A_19 = arith.constant 0 : index
    %get3A_20 = arith.constant 0 : index
    %get3A_21 = vector.load %arg5[%get3A_19, %get3A_20] : memref<1x128xf32, #tpu.memory_space<vmem>>, vector<1x128xf32>
    %add3A_22 = vector.broadcast %get3A_21 : vector<1x128xf32> to vector<4096x128xf32>
    %add3A_23 = arith.addf %dot_general3A_18, %add3A_22 : vector<4096x128xf32>
    %max3A = arith.constant 0.000000e+00 : f32
    %max3A_24 = vector.broadcast %max3A : f32 to vector<4096x128xf32>
    %max3A_25 = arith.maximumf %add3A_23, %max3A_24 : vector<4096x128xf32>
    %get3A_26 = arith.constant 0 : index
    %get3A_27 = arith.constant 0 : index
    %get3A_28 = vector.load %arg6[%get3A_26, %get3A_27] : memref<128x128xf32, #tpu.memory_space<vmem>>, vector<128x128xf32>
    %dot_general3A_29 = arith.constant dense<0.000000e+00> : vector<4096x128xf32>
    %dot_general3A_30 = tpu.matmul %max3A_25, %get3A_28, %dot_general3A_29 {dimension_numbers = #tpu.dot_dimension_numbers<[1], [0], [0], [1], [0, 0, 1, 1], [], []>, transpose_lhs_hint = false} : vector<4096x128xf32>, vector<128x128xf32>, vector<4096x128xf32> -> vector<4096x128xf32>
    %get3A_31 = arith.constant 0 : index
    %get3A_32 = arith.constant 0 : index
    %get3A_33 = vector.load %arg7[%get3A_31, %get3A_32] : memref<1x128xf32, #tpu.memory_space<vmem>>, vector<1x128xf32>
    %add3A_34 = vector.broadcast %get3A_33 : vector<1x128xf32> to vector<4096x128xf32>
    %add3A_35 = arith.addf %dot_general3A_30, %add3A_34 : vector<4096x128xf32>
    %swap3A = arith.constant 0 : index
    %swap3A_36 = arith.constant 0 : index
    %swap3A_37 = vector.load %arg13[%swap3A, %swap3A_36] : memref<4096x128xf32, #tpu.memory_space<vmem>>, vector<4096x128xf32>
    tpu.vector_store %arg13[%swap3A, %swap3A_36], %add3A_35 {strides = array<i32>} : memref<4096x128xf32, #tpu.memory_space<vmem>>, vector<4096x128xf32>,
    %concatenate3A_38 = tpu.concatenate %get3A_14, %add3A_35 in 1 : vector<4096x128xf32>, vector<4096x128xf32> -> vector<4096x256xf32>
    %get3A_39 = arith.constant 0 : index
    %get3A_40 = arith.constant 0 : index
    %get3A_41 = vector.load %arg8[%get3A_39, %get3A_40] : memref<256x128xf32, #tpu.memory_space<vmem>>, vector<256x128xf32>
    %dot_general3A_42 = arith.constant dense<0.000000e+00> : vector<4096x128xf32>
    %dot_general3A_43 = tpu.matmul %concatenate3A_38, %get3A_41, %dot_general3A_42 {dimension_numbers = #tpu.dot_dimension_numbers<[1], [0], [0], [1], [0, 0, 1, 1], [], []>, transpose_lhs_hint = false} : vector<4096x256xf32>, vector<256x128xf32>, vector<4096x128xf32> -> vector<4096x128xf32>
    %get3A_44 = arith.constant 0 : index
    %get3A_45 = arith.constant 0 : index
    %get3A_46 = vector.load %arg9[%get3A_44, %get3A_45] : memref<1x128xf32, #tpu.memory_space<vmem>>, vector<1x128xf32>
    %add3A_47 = vector.broadcast %get3A_46 : vector<1x128xf32> to vector<4096x128xf32>
    %add3A_48 = arith.addf %dot_general3A_43, %add3A_47 : vector<4096x128xf32>
    %swap3A_49 = arith.constant 0 : index
    %swap3A_50 = arith.constant 0 : index
    %swap3A_51 = vector.load %arg14[%swap3A_49, %swap3A_50] : memref<4096x128xf32, #tpu.memory_space<vmem>>, vector<4096x128xf32>
    tpu.vector_store %arg14[%swap3A_49, %swap3A_50], %add3A_48 {strides = array<i32>} : memref<4096x128xf32, #tpu.memory_space<vmem>>, vector<4096x128xf32>,
    %reduce_sum3A = arith.constant dense<0.000000e+00> : vector<128xf32>
    %reduce_sum3A_52 = vector.multi_reduction <add>, %add3A_35, %reduce_sum3A [0] : vector<4096x128xf32> to vector<128xf32>
    %broadcast_in_dim3A_53 = vector.shape_cast %reduce_sum3A_52 : vector<128xf32> to vector<1x128xf32>
    %div3A = arith.constant 4.096000e+03 : f32
    %div3A_54 = vector.broadcast %div3A : f32 to vector<1x128xf32>
    %div3A_55 = arith.divf %broadcast_in_dim3A_53, %div3A_54 : vector<1x128xf32>
    %broadcast_in_dim3A_56 = vector.shape_cast %div3A_55 : vector<1x128xf32> to vector<1x128xf32>
    %broadcast_in_dim3A_57 = vector.broadcast %broadcast_in_dim3A_56 : vector<1x128xf32> to vector<4096x128xf32>
    %concatenate3A_58 = tpu.concatenate %add3A_35, %broadcast_in_dim3A_57 in 1 : vector<4096x128xf32>, vector<4096x128xf32> -> vector<4096x256xf32>
    %get3A_59 = arith.constant 0 : index
    %get3A_60 = arith.constant 0 : index
    %get3A_61 = vector.load %arg10[%get3A_59, %get3A_60] : memref<256x1xf32, #tpu.memory_space<vmem>>, vector<256x1xf32>
    %dot_general3A_62 = arith.constant dense<0.000000e+00> : vector<4096x1xf32>
    %dot_general3A_63 = tpu.matmul %concatenate3A_58, %get3A_61, %dot_general3A_62 {dimension_numbers = #tpu.dot_dimension_numbers<[1], [0], [0], [1], [0, 0, 1, 1], [], []>, transpose_lhs_hint = false} : vector<4096x256xf32>, vector<256x1xf32>, vector<4096x1xf32> -> vector<4096x1xf32>
    %get3A_64 = arith.constant 0 : index
    %get3A_65 = arith.constant 0 : index
    %get3A_66 = vector.load %arg11[%get3A_64, %get3A_65] : memref<1x1xf32, #tpu.memory_space<vmem>>, vector<1x1xf32>
    %add3A_67 = vector.broadcast %get3A_66 : vector<1x1xf32> to vector<4096x1xf32>
    %add3A_68 = arith.addf %dot_general3A_63, %add3A_67 : vector<4096x1xf32>
    %reduce_sum3A_69 = vector.shape_cast %add3A_68 : vector<4096x1xf32> to vector<1x4096x1xf32>
    %reduce_sum3A_70 = arith.constant dense<0.000000e+00> : vector<1xf32>
    %reduce_sum3A_71 = vector.multi_reduction <add>, %reduce_sum3A_69, %reduce_sum3A_70 [1, 2] : vector<1x4096x1xf32> to vector<1xf32>
    %reduce_sum3A_72 = vector.shape_cast %reduce_sum3A_71 : vector<1xf32> to vector<1x1x1xf32>
    %reduce_sum3A_73 = vector.extract %reduce_sum3A_72[0, 0, 0] : f32 from vector<1x1x1xf32>
    %broadcast_in_dim3A_74 = vector.broadcast %reduce_sum3A_73 : f32 to vector<1x1xf32>
    %div3A_75 = arith.constant 4.096000e+03 : f32
    %div3A_76 = vector.broadcast %div3A_75 : f32 to vector<1x1xf32>
    %div3A_77 = arith.divf %broadcast_in_dim3A_74, %div3A_76 : vector<1x1xf32>
    %swap3A_78 = arith.constant 0 : index
    %swap3A_79 = arith.constant 0 : index
    %swap3A_80 = vector.load %arg15[%swap3A_78, %swap3A_79] : memref<1x1xf32, #tpu.memory_space<vmem>>, vector<1x1xf32>
    tpu.vector_store %arg15[%swap3A_78, %swap3A_79], %div3A_77 {strides = array<i32>} : memref<1x1xf32, #tpu.memory_space<vmem>>, vector<1x1xf32>,
    %get3A_81 = arith.constant 0 : index
    %get3A_82 = arith.constant 0 : index
    %get3A_83 = vector.load %arg12[%get3A_81, %get3A_82] : memref<128x128xf32, #tpu.memory_space<vmem>>, vector<128x128xf32>
    %dot_general3A_84 = arith.constant dense<0.000000e+00> : vector<4096x128xf32>
    %dot_general3A_85 = tpu.matmul %add3A_35, %get3A_83, %dot_general3A_84 {dimension_numbers = #tpu.dot_dimension_numbers<[1], [0], [0], [1], [0, 0, 1, 1], [], []>, transpose_lhs_hint = false} : vector<4096x128xf32>, vector<128x128xf32>, vector<4096x128xf32> -> vector<4096x128xf32>
    %swap3A_86 = arith.constant 0 : index
    %swap3A_87 = arith.constant 0 : index
    %swap3A_88 = vector.load %arg16[%swap3A_86, %swap3A_87] : memref<4096x128xf32, #tpu.memory_space<vmem>>, vector<4096x128xf32>
    tpu.vector_store %arg16[%swap3A_86, %swap3A_87], %dot_general3A_85 {strides = array<i32>} : memref<4096x128xf32, #tpu.memory_space<vmem>>, vector<4096x128xf32>,
    return
  }
}

</mosaic_0001>

<sc_bundles>
// kernel: kernel.6.cloned.1.call-start
scs
__scs_entry_jumppad:
0x0: {  	(pc) =	sbr.rel $0x88, $3  }
0x1: {  	(tag) =	ssettag $0x0;
	lr =	simm.s32 $0x1  }
0x2: {  	[smem:$0x3F90] =	sst lr;
	_ =	strace $0xD0000000  }
0x3: {  	_ = 	snop  }
0x4: {  	_ = 	snop  }
0x5: {  	_ = 	snop  }
0x6: {  	_ = 	snop  }
0x7: {  	_ = 	snop  }
__scs_overlays_trampoline_lowered:
0x8: {  	[smem:$0x3F9F] =	sst s0  }
0x9: {  	[smem:$0x3FA0] =	sst s1  }
0xa: {  	[smem:$0x3FA1] =	sst s2  }
0xb: {  	[smem:$0x3FA2] =	sst s3  }
0xc: {  	[smem:$0x3FA3] =	sst s4  }
0xd: {  	[smem:$0x3FA4] =	sst s5  }
0xe: {  	[smem:$0x3FA5] =	sst s6  }
0xf: {  	[smem:$0x3FA6] =	sst s7  }
0x10: {  	[smem:$0x3FA7] =	sst s8  }
0x11: {  	[smem:$0x3FA8] =	sst s9;
	s0 =	simm.s32 @!p0 $0x0  }
0x12: {  	s1 =	sld [smem:$0x3F8E];
	s0 =	simm.s32 @p0 $0x1  }
0x13: {  	[smem:$0x3FA9] =	sst s0;
	s0 =	simm.s32 @!p1 $0x0  }
0x14: {  	s2 =	sld [smem:$0x3F8D];
	s0 =	simm.s32 @p1 $0x1  }
0x15: {  	[smem:$0x3FAA] =	sst s0;
	s0 =	simm.s32 @!p2 $0x0  }
0x16: {  	s3 =	sld [smem:$0x3FDB];
	s0 =	simm.s32 @p2 $0x1  }
0x17: {  	s4 =	simm.s32 $0x1BF5;
	[smem:$0x3FAC] =	sst s0  }
0x18: {  	s0 =	sld [smem:$0x3F8F];
	_ =	swait.ge [sflag:s4], $0x0  }
0x19: {  	s7 =	sld [smem:$0x3F90]  }
0x1a: {  	s8 =	sadd.s32 $0xFFFFE003, lr  }
0x1b: {  	s9 =	sadd.s32 $0xFFFFFEF7, lr;
	s5 =	simm.s32 $0xFFFFFFFF;
	p2 =	slt.u32 s8, $0xFFFFF086  }
0x1c: {  	p1 =	slt.u32 s9, $0xF7A;
	s5 =	simm.s32 @!p2 $0x0  }
0x1d: {  	s5 =	simm.s32 @p1 $0x1;
	p0 =	seq.s32 s7, s2  }
0x1e: {  	s7 =	smul.u32 @!p0 $0xF7A, s2;
	p2 =	seq.s32 @!p0 s5, $0x0  }
0x1f: {  	s9 =	smul.u32 $0xF7A, s1;
	s8 =	simm.s32 @!p0 $0x1BF5;
	p2 =	por !p2, p0  }
0x20: {  	[sflag:s8] =	ssyncset.s32 @!p0 $0xFFFFF086;
	s6 =	sadd.s32 @!p0 s3, s7;
	s7 =	simm.s32 @!p0 $0x108  }
0x21: {  	s3 =	sadd.s32 s3, s9;
	s6 =	sadd.s32 @!p0 $0x88, s6;
	s7 =	simm.s32 @p2 $0x1082  }
0x22: {  	[simem:s7], [sflag:s8] =	dma.local @!p0 [hbm:s6], $0xF7A  }
0x23: {  	s9 =	sor.u32 $0xD0000000, s2;
	s6 =	simm.s32 $0x108;
	_ =	swait.ge @!p0 [sflag:s8], $0x0  }
0x24: {  	s3 =	sadd.s32 $0x88, s3;
	s6 =	simm.s32 @!p1 $0x1082;
	[sflag:s4] =	ssyncset.s32 $0xFFFFF086  }
0x25: {  	[simem:s6], [sflag:s4] =	dma.local [hbm:s3], $0xF7A  }
0x26: {  	[smem:$0x3F90] =	sst s1;
	(tag) =	ssettag s2;
	_ =	strace s9  }
0x27: {  	s1 =	sld [smem:$0x3FA0]  }
0x28: {  	s2 =	sld [smem:$0x3FA1]  }
0x29: {  	s4 =	sld [smem:$0x3FA3]  }
0x2a: {  	p0 =	seq.s32 s5, $0x0;
	s5 =	sld [smem:$0x3FA4]  }
0x2b: {  	s6 =	sld [smem:$0x3FA5]  }
0x2c: {  	s7 =	sld [smem:$0x3FA6]  }
0x2d: {  	s3 =	simm.s32 $0x108;
	s8 =	sld [smem:$0x3FA7]  }
0x2e: {  	s3 =	simm.s32 @!p0 $0x1082;
	s9 =	sld [smem:$0x3FA8]  }
0x2f: {  	lr =	sadd.s32 s0, s3;
	s0 =	sld [smem:$0x3F9F]  }
0x30: {  	s3 =	sld [smem:$0x3FA2]  }
0x31: {  	[smem:$0x3FAB] =	sst s10  }
0x32: {  	s10 =	sld [smem:$0x3FA9];
	_ =	sdelay $0x3  }
0x33: {  	p0 =	seq.s32 s10, $0x1;
	s10 =	sld [smem:$0x3FAB];
	_ =	sdelay $0x3  }
0x34: {  	[smem:$0x3FAB] =	sst s10  }
0x35: {  	s10 =	sld [smem:$0x3FAA];
	_ =	sdelay $0x3  }
0x36: {  	p1 =	seq.s32 s10, $0x1;
	s10 =	sld [smem:$0x3FAB];
	_ =	sdelay $0x3  }
0x37: {  	[smem:$0x3FAB] =	sst s10  }
0x38: {  	s10 =	sld [smem:$0x3FAC]  }
0x39: {  	_ = 	snop;
	(pc) =	sbr.ind lr, $3  }
0x3a: {  	_ = 	snop  }
0x3b: {  	_ = 	snop  }
0x3c: {  	p2 =	seq.s32 s10, $0x1;
	s10 =	sld [smem:$0x3FAB]  }
0x3d: {  	_ =	shalt  }
0x3e: {  	_ =	shalt  }
0x3f: {  	_ =	shalt  }
0x40: {  	_ =	shalt  }
0x41: {  	_ =	shalt  }
0x42: {  	_ =	shalt  }
0x43: {  	_ =	shalt  }
0x44: {  	_ =	shalt  }
0x45: {  	_ =	shalt  }
0x46: {  	_ =	shalt  }
0x47: {  	_ =	shalt  }
0x48: {  	_ =	shalt  }
0x49: {  	_ =	shalt  }
0x4a: {  	_ =	shalt  }
0x4b: {  	_ =	shalt  }
0x4c: {  	_ =	shalt  }
0x4d: {  	_ =	shalt  }
0x4e: {  	_ =	shalt  }
0x4f: {  	_ =	shalt  }
0x50: {  	_ =	shalt  }
0x51: {  	_ =	shalt  }
0x52: {  	_ =	shalt  }
0x53: {  	_ =	shalt  }
0x54: {  	_ =	shalt  }
0x55: {  	_ =	shalt  }
0x56: {  	_ =	shalt  }
0x57: {  	_ =	shalt  }
0x58: {  	_ =	shalt  }
0x59: {  	_ =	shalt  }
0x5a: {  	_ =	shalt  }
0x5b: {  	_ =	shalt  }
0x5c: {  	_ =	shalt  }
0x5d: {  	_ =	shalt  }
0x5e: {  	_ =	shalt  }
0x5f: {  	_ =	shalt  }
0x60: {  	_ =	shalt  }
0x61: {  	_ =	shalt  }
0x62: {  	_ =	shalt  }
0x63: {  	_ =	shalt  }
0x64: {  	_ =	shalt  }
0x65: {  	_ =	shalt  }
0x66: {  	_ =	shalt  }
0x67: {  	_ =	shalt  }
0x68: {  	_ =	shalt  }
0x69: {  	_ =	shalt  }
0x6a: {  	_ =	shalt  }
0x6b: {  	_ =	shalt  }
0x6c: {  	_ =	shalt  }
0x6d: {  	_ =	shalt  }
0x6e: {  	_ =	shalt  }
0x6f: {  	_ =	shalt  }
0x70: {  	_ =	shalt  }
0x71: {  	_ =	shalt  }
0x72: {  	_ =	shalt  }
0x73: {  	_ =	shalt  }
0x74: {  	_ =	shalt  }
0x75: {  	_ =	shalt  }
0x76: {  	_ =	shalt  }
0x77: {  	_ =	shalt  }
0x78: {  	_ =	shalt  }
0x79: {  	_ =	shalt  }
0x7a: {  	_ =	shalt  }
0x7b: {  	_ =	shalt  }
0x7c: {  	_ =	shalt  }
0x7d: {  	_ =	shalt  }
0x7e: {  	_ =	shalt  }
0x7f: {  	_ =	shalt  }
0x80: {  	_ =	shalt  }
0x81: {  	_ =	shalt  }
0x82: {  	_ =	shalt  }
0x83: {  	_ =	shalt  }
0x84: {  	_ =	shalt  }
0x85: {  	_ =	shalt  }
0x86: {  	_ =	shalt  }
0x87: {  	_ =	shalt  }
.Lfunc_end0:
.L_simem_size_0:
called_computation_lowered:
.L_overlay_start_0:
0x88: {  	s2 =	sld [smem:$0x3FD9]  }
0x89: {  	s3 =	sld [smem:$0x3FFE];
	_ =	sdelay $0x1  }
0x8a: {  	s1 =	srdreg.scid  }
0x8b: {  	s0 =	sand.u32 $0x1, s1  }
0x8c: {  	s15 =	sshll.u32 s0, $0xA;
	s2 =	sadd.s32 s3, s2  }
0x8d: {  	s2 =	sadd.s32 s2, s15  }
0x8e: {  	[smem:$0x3FB7] =	sst s2  }
0x8f: {  	_ = 	snop  }
0x90: {  	s2 =	sld [smem:$0x3FD0];
	_ =	sdelay $0x2  }
0x91: {  	s4 =	simm.s32 $0xA;
	s5 =	simm.s32 $0x10;
	s16 =	sld [smem:$0x3FC7]  }
0x92: {  	[smem:s5], [sflag:s4] =	dma.local [hbm:s2], $0x1  }
0x93: {  	_ =	swait.eq [sflag:s4], $0x1  }
0x94: {  	s17 =	sld [smem:$0x10]  }
0x95: {  	s18 =	sld [smem:$0x11];
	[sflag:s4] =	ssyncset.done $0x0  }
0x96: {  	s6 =	sld [smem:$0x12];
	[sflag:s4] =	ssyncadd.s32 $0xFFFFFFFF  }
0x97: {  	s19 =	sld [smem:$0x13];
	(tm) =	ssettm $0x1  }
0x98: {  	s7 =	sld [smem:$0x3FFB];
	_ =	sdelay $0x3  }
0x99: {  	_ =	strace s7  }
0x9a: {  	s7 =	sld [smem:$0x3FFC];
	_ =	sdelay $0x3  }
0x9b: {  	_ =	strace s7  }
0x9c: {  	s7 =	sld [smem:$0x3FFD];
	_ =	sdelay $0x3  }
0x9d: {  	_ =	strace s7  }
0x9e: {  	_ =	strace $0x8FFFFFFF  }
0x9f: {  	s20 =	sld [smem:$0x3FDB];
	_ =	sdelay $0x1  }
0xa0: {  	s8 =	simm.s32 $_scs_section_size  }
0xa1: {  	s9 =	simm.s32 $_size__tile_overlayer_lowered;
	s10 =	simm.s32 $_tile_overlayer_lowered  }
0xa2: {  	s23 =	simm.s32 $0x1BFF;
	s22 =	sshll.u32 s10, $0x1;
	s7 =	sadd.s32 s8, s20  }
0xa3: {  	s11 =	simm.s32 $0x0;
	s21 =	sshll.u32 s9, $0x1;
	s9 =	sadd.s32 s22, s7  }
0xa4: {  	[timem:s11], [sflag:s23] =	dma.local [hbm:s9], s21  }
0xa5: {  	_ =	swait.ge [sflag:s23], s21  }
0xa6: {  	s8 =	ssub.s32 $0x0, s21;
	[sflag:s23] =	ssyncset.done $0x0  }
0xa7: {  	[sflag:s23] =	ssyncadd.s32 s8;
	_ =	sdelay $0x1  }
0xa8: {  	s24 =	simm.s32 $0x1B8B  }
0xa9: {  	_ =	swait.ge [sflag:s24], $0x1  }
0xaa: {  	[sflag:s24] =	ssyncset.done $0x0  }
0xab: {  	s25 =	simm.s32 $0x1B8E;
	[sflag:s24] =	ssyncadd.s32 $0xFFFFFFFF  }
0xac: {  	s26 =	simm.s32 $execute0_lowered;
	[smem:$0x3FD2] =	sst s25  }
0xad: {  	s8 =	sshll.u32 s26, $0x1;
	_ =	strace $0x80000046;
	[dreg:$0x1] =	wrdreg $0xFFFFFFFF  }
0xae: {  	s28 =	simm.s32 $_size_execute0_lowered;
	s7 =	sadd.s32 s7, s8;
	[dreg:$0x0] =	wrdreg $0x0  }
0xaf: {  	s8 =	sshll.u32 s28, $0x1;
	[dreg:$0x2] =	wrdreg s7  }
0xb0: {  	[dreg:$0x3] =	wrdreg s8  }
0xb1: {  	[dreg:$0x4] =	wrdreg $0xC0  }
0xb2: {  	_ =	task [dreg:s11], $0x5FFFF  }
0xb3: {  	[dreg:$0x1] =	wrdreg $0xFFFFFFFF  }
0xb4: {  	[dreg:$0x0] =	wrdreg $0x60  }
0xb5: {  	[dreg:$0x2] =	wrdreg s18  }
0xb6: {  	[dreg:$0x3] =	wrdreg s16  }
0xb7: {  	[dreg:$0x4] =	wrdreg s17  }
0xb8: {  	[dreg:$0x5] =	wrdreg s19  }
0xb9: {  	[dreg:$0x6] =	wrdreg s6  }
0xba: {  	[dreg:$0x7] =	wrdreg $0x9  }
0xbb: {  	_ =	task.clear_ibuf [dreg:s11], $0x8FFFF;
	_ =	strace $0x90000046  }
0xbc: {  	s29 =	simm.s32 $0x9;
	_ =	strace $0x80000048  }
0xbd: {  	_ =	swait.ge [sflag:s29], $0x1  }
0xbe: {  	[sflag:s29] =	ssyncadd.s32 $0xFFFFFFFF  }
0xbf: {  	_ =	strace $0x90000048  }
0xc0: {  	_ =	sfence  }
0xc1: {  	s30 =	sld [smem:$0x0];
	_ =	sdelay $0x2  }
0xc2: {  	s31 =	sshll.u32 s1, $0xD;
	s1 =	sshrl.u32 s1, $0x2  }
0xc3: {  	s3 =	sand.u32 $0x4000, s31;
	s1 =	sadd.s32 s1, s30  }
0xc4: {  	s0 =	sor.u32 s3, s0;
	s1 =	sshll.u32 s1, $0x11  }
0xc5: {  	s0 =	sor.u32 s1, s0  }
0xc6: {  	s0 =	sadd.s32 $0x8F2B, s0  }
0xc7: {  	[sflag:s0] =	ssyncadd.remote.s32 $0x1  }
0xc8: {  	_ =	sfence.sel $0xFFFF  }
0xc9: {  	[dreg:$0x0] =	wrdreg $0xFFFFFFFF;
	(pc) =	sbr.abs _section_cstart, $3  }
0xca: {  	[dreg:$0x1] =	wrdreg $0xFFFFFFFF  }
0xcb: {  	_ =	task.clear_ibuf [dreg:s11], $0x2FFFF;
	_ =	strace $0x9FFFFFFF  }
0xcc: {  	(tm) =	ssettm $0x7FFFFFFF  }
0xcd: {  	_ =	shalt  }
tec
execute0_lowered:
.L_overlay_start_1:
0x0: {  	(tag) =	ssettag $0x1  }
0x1: {  	s1 =	rddreg [dreg:$0x0]  }
0x2: {  	s2 =	rddreg [dreg:$0x1]  }
0x3: {  	s3 =	rddreg [dreg:$0x2]  }
0x4: {  	s0 =	rddreg [dreg:$0x4]  }
0x5: {  	s4 =	srdreg.scid;
	s6 =	simm.s32 $0x0;
	s7 =	stileid.u32  }
0x6: {  	s10 =	simm.s32 $0x2;
	s11 =	simm.s32 $0x4000;
	s12 =	simm.s32 $0x80  }
0x7: {  	s13 =	simm.s32 $0xC400;
	s14 =	simm.s32 $0xC580;
	s15 =	simm.s32 $0x1  }
0x8: {  	s16 =	simm.s32 $0xC480;
	s17 =	simm.s32 $0xC500;
	s18 =	simm.s32 $0x8000  }
0x9: {  	s19 =	simm.s32 $0x8880;
	s20 =	simm.s32 $0x9100;
	s21 =	simm.s32 $0x9980  }
0xa: {  	s22 =	simm.s32 $0xA200;
	s23 =	simm.s32 $0xAA80;
	s24 =	simm.s32 $0xB300  }
0xb: {  	s25 =	simm.s32 $0xBB80;
	s26 =	simm.s32 $0x0;
	s4 =	sand.u32 $0x1, s4  }
0xc: {  	s29 =	simm.s32 $0x0;
	s7 =	sshll.u32 s7, $0x1;
	s5 =	ssub.s32 $0x2, s4  }
0xd: {  	[smem:$0x7FF] =	sst s6;
	s4 =	sor.u32 s4, s7;
	s30 =	sshrl.u32 s5, $0x1  }
0xe: {  	v3 =	vimm.f32 $-Inf;
	v4 =	vimm.s32 $0x0;
	s31 =	sshll.u32 s4, $0x7;
	s7 =	sshll.u32 s4, $0x13;
	s4 =	sshll.u32 s4, $0xB  }
0xf: {  	v5 =	vimm.s32 $0x80;
	v6 =	vimm.f32 $0.0e+00;
	v7 =	vlaneseq.u32;
	s5 =	ssub.s32 s5, s30;
	s9 =	sadd.s32 $0x80000, s7;
	s0 =	sadd.s32 s0, s4  }
0x10: {  	_ =	strace $0x80000047;
	v0 =	vmov s7;
	v2 =	vmov s31;
	[dreg:$0x6] =	wrdreg s0;
	s8 =	smax.u32 s5, $0x1;
	v1 =	vmov s9  }
.LBB2_1:
0x11: {  	s0 =	simm.s32 $0x0;
	s4 =	simm.s32 $0x40  }
.LBB2_2:
0x12: {  	p0 =	sne.s32 s4, $0x2000;
	[tilespmem:s0+$0xBB80] =	vst v3  }
0x13: {  	[tilespmem:s0+$0x8000] =	vst v3  }
0x14: {  	[tilespmem:s0+$0x8880] =	vst v3  }
.Ltmp0:
0x15: {  	[tilespmem:s0+$0x9100] =	vst v3;
	(pc) =	sbr.rel @p0 .LBB2_2-.Ltmp0, $4  }
0x16: {  	[tilespmem:s0+$0x9980] =	vst v3  }
0x17: {  	[tilespmem:s0+$0xA200] =	vst v3  }
0x18: {  	[tilespmem:s0+$0xAA80] =	vst v3  }
0x19: {  	[tilespmem:s0+$0xB300] =	vst v3;
	s0 =	sshra.s32 s4, $0x2;
	s4 =	sadd.s32 $0x40, s4  }
0x1a: {  	[tilespmem:s0+$0xBB80] =	vst v3  }
0x1b: {  	[tilespmem:s0+$0x8000] =	vst v3  }
0x1c: {  	[tilespmem:s0+$0x8880] =	vst v3  }
0x1d: {  	[tilespmem:s0+$0x9100] =	vst v3  }
0x1e: {  	[tilespmem:s0+$0x9980] =	vst v3  }
0x1f: {  	[tilespmem:s0+$0xA200] =	vst v3  }
0x20: {  	[tilespmem:s0+$0xAA80] =	vst v3  }
0x21: {  	[tilespmem:s0+$0xB300] =	vst v3  }
0x22: {  	[tilespmem:$0xC400] =	vst v4  }
0x23: {  	[tilespmem:$0xC480] =	vst v5  }
0x24: {  	[tilespmem:$0xC500] =	vst v6  }
0x25: {  	[tilespmem:$0xC410] =	vst v4  }
0x26: {  	[tilespmem:$0xC490] =	vst v5  }
0x27: {  	[tilespmem:$0xC510] =	vst v6  }
0x28: {  	[tilespmem:$0xC420] =	vst v4  }
0x29: {  	[tilespmem:$0xC4A0] =	vst v5  }
0x2a: {  	[tilespmem:$0xC520] =	vst v6  }
0x2b: {  	[tilespmem:$0xC430] =	vst v4  }
0x2c: {  	[tilespmem:$0xC4B0] =	vst v5  }
0x2d: {  	[tilespmem:$0xC530] =	vst v6  }
0x2e: {  	[tilespmem:$0xC440] =	vst v4  }
0x2f: {  	[tilespmem:$0xC4C0] =	vst v5  }
0x30: {  	[tilespmem:$0xC540] =	vst v6  }
0x31: {  	[tilespmem:$0xC450] =	vst v4  }
0x32: {  	[tilespmem:$0xC4D0] =	vst v5  }
0x33: {  	[tilespmem:$0xC550] =	vst v6  }
0x34: {  	[tilespmem:$0xC460] =	vst v4  }
0x35: {  	[tilespmem:$0xC4E0] =	vst v5  }
0x36: {  	[tilespmem:$0xC560] =	vst v6  }
0x37: {  	[tilespmem:$0xC470] =	vst v4  }
0x38: {  	[tilespmem:$0xC4F0] =	vst v5  }
.Ltmp1:
0x39: {  	s31 =	rddreg [dreg:$0x3];
	s4 =	simm.s32 $0x10580;
	[tilespmem:$0xC570] =	vst v6;
	(pc) =	sbr.rel .LBB2_4-.Ltmp1, $4  }
0x3a: {  	[tilespmem:s4], [sflag:$0x2] =	stream.linear.gather [hbm4b:s31+s29], $0x80, $0x38;
	[tilespmem:$0x10600] =	vst v63  }
0x3b: {  	_ =	swait.ge [sflag:s10], $0x80  }
0x3c: {  	[sflag:s10] =	ssyncset.done $0x0  }
0x3d: {  	s28 =	simm.s32 $0x0;
	s30 =	simm.s32 $0x0;
	[sflag:s10] =	ssyncadd.s32 $0xFFFFFF80  }
.LBB2_15:
0x3e: {  	s30 =	sadd.s32 $0x1, s30  }
0x3f: {  	p0 =	sne.s32 s30, $0x8  }
.Ltmp2:
0x40: {  	_ = 	snop;
	(pc) =	sbr.rel @!p0 .LBB2_16-.Ltmp2, $1  }
0x41: {  	_ =	sdelay $0x3  }
.LBB2_4:
0x42: {  	s0 =	sshll.u32 s30, $0xB  }
0x43: {  	s4 =	sadd.s32 s1, s0  }
0x44: {  	[tilespmem:s29], [sflag:$0x2] =	stream.linear.gather [hbm4b:s4+s29], $0x4000, $0x38;
	[tilespmem:$0x10600] =	vst v63  }
0x45: {  	_ =	swait.ge [sflag:s10], $0x4000  }
0x46: {  	[sflag:s10] =	ssyncset.done $0x0  }
.Ltmp3:
0x47: {  	s0 =	sadd.s32 s2, s0;
	[sflag:s10] =	ssyncadd.s32 $0xFFFFC000;
	(pc) =	sbr.rel .LBB2_5-.Ltmp3, $4  }
0x48: {  	[tilespmem:s11], [sflag:$0x2] =	stream.linear.gather [hbm4b:s0+s29], $0x4000, $0x38;
	[tilespmem:$0x10600] =	vst v63  }
0x49: {  	_ =	swait.ge [sflag:s10], $0x4000  }
0x4a: {  	[sflag:s10] =	ssyncset.done $0x0  }
0x4b: {  	s31 =	simm.s32 $0x0;
	[sflag:s10] =	ssyncadd.s32 $0xFFFFC000  }
.LBB2_8:
0x4c: {  	s9 =	simm.s32 $0xC5C0  }
.LBB2_12:
0x4d: {  	_ =	sdelay $0x3  }
0x4e: {  	[tilespmem:v9+s25+$0x0] =	vst.idx.msk @p0 $0xffff, v11  }
0x4f: {  	v9 =	vld.idx.msk [tilespmem:v10+s16+$0x0], $0xffff;
	_ =	sdelay $0x4  }
0x50: {  	v9 =	vshll.u32 v9, $0x4  }
0x51: {  	v10 =	vld.idx.msk [tilespmem:v10+s17+$0x0], $0xffff;
	v9 =	vor.u32 v7, v9  }
0x52: {  	s6 =	sadd.s32 @p0 $0x80, s9;
	v11 =	vld [tilespmem:$0x10580]  }
0x53: {  	s4 =	smov.u32 @p0 s6  }
0x54: {  	v12 =	vld [tilespmem:s4+$0xFFFFFFC0];
	_ =	sdelay $0x1  }
0x55: {  	v13 =	vld.idx.msk [tilespmem:v9+s18+$0x0], $0xffff  }
0x56: {  	v11 =	vmul.f32 v11, v10;
	_ =	sdelay $0x1  }
0x57: {  	v11 =	vadd.f32 v11, v12;
	_ =	sdelay $0x1  }
0x58: {  	v11 =	vmax.f32 v13, v11  }
0x59: {  	[tilespmem:v9+s18+$0x0] =	vst.idx.msk $0xffff, v11  }
0x5a: {  	v11 =	vld [tilespmem:$0x10590];
	_ =	sdelay $0x1  }
0x5b: {  	v50 =	vld [tilespmem:s4+$0xFFFFFFD0];
	_ =	sdelay $0x1  }
0x5c: {  	v51 =	vld.idx.msk [tilespmem:v9+s19+$0x0], $0xffff  }
0x5d: {  	v11 =	vmul.f32 v11, v10;
	_ =	sdelay $0x1  }
0x5e: {  	v11 =	vadd.f32 v11, v50;
	_ =	sdelay $0x1  }
0x5f: {  	v11 =	vmax.f32 v51, v11  }
0x60: {  	[tilespmem:v9+s19+$0x0] =	vst.idx.msk $0xffff, v11  }
0x61: {  	v11 =	vld [tilespmem:$0x105A0];
	_ =	sdelay $0x1  }
0x62: {  	v52 =	vld [tilespmem:s4+$0xFFFFFFE0];
	_ =	sdelay $0x1  }
0x63: {  	v53 =	vld.idx.msk [tilespmem:v9+s20+$0x0], $0xffff  }
0x64: {  	v11 =	vmul.f32 v11, v10;
	_ =	sdelay $0x1  }
0x65: {  	v11 =	vadd.f32 v11, v52;
	_ =	sdelay $0x1  }
0x66: {  	v11 =	vmax.f32 v53, v11  }
0x67: {  	[tilespmem:v9+s20+$0x0] =	vst.idx.msk $0xffff, v11  }
0x68: {  	v11 =	vld [tilespmem:$0x105B0];
	_ =	sdelay $0x1  }
0x69: {  	v54 =	vld [tilespmem:s4+$0xFFFFFFF0];
	_ =	sdelay $0x1  }
0x6a: {  	v55 =	vld.idx.msk [tilespmem:v9+s21+$0x0], $0xffff  }
0x6b: {  	v11 =	vmul.f32 v11, v10;
	_ =	sdelay $0x1  }
0x6c: {  	v11 =	vadd.f32 v11, v54;
	_ =	sdelay $0x1  }
0x6d: {  	v11 =	vmax.f32 v55, v11  }
0x6e: {  	[tilespmem:v9+s21+$0x0] =	vst.idx.msk $0xffff, v11  }
0x6f: {  	v11 =	vld [tilespmem:$0x105C0];
	_ =	sdelay $0x1  }
0x70: {  	v56 =	vld [tilespmem:s4+$0x0];
	_ =	sdelay $0x1  }
0x71: {  	v57 =	vld.idx.msk [tilespmem:v9+s22+$0x0], $0xffff  }
0x72: {  	v11 =	vmul.f32 v11, v10;
	_ =	sdelay $0x1  }
0x73: {  	v11 =	vadd.f32 v11, v56;
	_ =	sdelay $0x1  }
0x74: {  	v11 =	vmax.f32 v57, v11  }
0x75: {  	[tilespmem:v9+s22+$0x0] =	vst.idx.msk $0xffff, v11  }
0x76: {  	v11 =	vld [tilespmem:$0x105D0];
	_ =	sdelay $0x1  }
0x77: {  	v58 =	vld [tilespmem:s4+$0x10];
	_ =	sdelay $0x1  }
0x78: {  	v59 =	vld.idx.msk [tilespmem:v9+s23+$0x0], $0xffff  }
0x79: {  	v11 =	vmul.f32 v11, v10;
	_ =	sdelay $0x1  }
0x7a: {  	v11 =	vadd.f32 v11, v58;
	_ =	sdelay $0x1  }
0x7b: {  	v11 =	vmax.f32 v59, v11  }
0x7c: {  	[tilespmem:v9+s23+$0x0] =	vst.idx.msk $0xffff, v11  }
0x7d: {  	v11 =	vld [tilespmem:$0x105E0];
	_ =	sdelay $0x1  }
0x7e: {  	v60 =	vld [tilespmem:s4+$0x20];
	_ =	sdelay $0x1  }
0x7f: {  	v61 =	vld.idx.msk [tilespmem:v9+s24+$0x0], $0xffff  }
0x80: {  	v11 =	vmul.f32 v11, v10;
	_ =	sdelay $0x1  }
0x81: {  	v11 =	vadd.f32 v11, v60;
	_ =	sdelay $0x1  }
0x82: {  	v11 =	vmax.f32 v61, v11  }
0x83: {  	[tilespmem:v9+s24+$0x0] =	vst.idx.msk $0xffff, v11  }
0x84: {  	v11 =	vld [tilespmem:$0x105F0];
	_ =	sdelay $0x1  }
0x85: {  	v62 =	vld [tilespmem:s4+$0x30];
	_ =	sdelay $0x1  }
0x86: {  	v63 =	vld.idx.msk [tilespmem:v9+s25+$0x0], $0xffff  }
0x87: {  	v10 =	vmul.f32 v11, v10;
	_ =	sdelay $0x1  }
0x88: {  	v10 =	vadd.f32 v10, v62;
	_ =	sdelay $0x1  }
0x89: {  	v10 =	vmax.f32 v63, v10  }
0x8a: {  	[tilespmem:v9+s25+$0x0] =	vst.idx.msk $0xffff, v10  }
.LBB2_13:
0x8b: {  	v9 =	vld [tilespmem:s5+$0x4000]  }
0x8c: {  	p0 =	sgt.s32 s28, $0x70  }
0x8d: {  	v10 =	vand.u32 $0xFFF, v8;
	v8 =	vshra.s32 v8, $0xC;
	s28 =	simm.s32 @p0 $0x0  }
0x8e: {  	v8 =	vsub.s32 v8, v2;
	[tilespmem:s28+$0xC400] =	vst.msk vm0, v10  }
0x8f: {  	[tilespmem:s28+$0xC480] =	vst.msk vm0, v8  }
0x90: {  	[tilespmem:s28+$0xC500] =	vst.msk vm0, v9;
	s28 =	sadd.s32 s28, s0  }
.LBB2_14:
0x91: {  	s31 =	sadd.s32 $0x1, s31  }
0x92: {  	p0 =	sne.s32 s31, $0x400  }
.Ltmp4:
0x93: {  	_ = 	snop;
	(pc) =	sbr.rel @!p0 .LBB2_15-.Ltmp4, $1  }
0x94: {  	_ =	sdelay $0x3  }
.LBB2_5:
0x95: {  	s5 =	sshll.u32 s31, $0x4  }
0x96: {  	v8 =	vld [tilespmem:s5+$0x0];
	_ =	sdelay $0x4  }
0x97: {  	vm0 =	vge.s32 v8, v0;
	vm1 =	vlt.s32 v8, v1  }
0x98: {  	vm0 =	vmand vm0, vm1  }
0x99: {  	v9 =	vmpcnt.ones.xlane vm0;
	_ =	sdelay $0x1  }
0x9a: {  	(v2sf) =	vpush v9, $0x0;
	_ =	sdelay $0xe  }
0x9b: {  	s0 =	spop (v2sf)  }
0x9c: {  	p0 =	slt.s32 s0, $0x1  }
.Ltmp5:
0x9d: {  	_ = 	snop;
	(pc) =	sbr.rel @p0 .LBB2_14-.Ltmp5, $1  }
0x9e: {  	_ =	sdelay $0x3  }
0x9f: {  	p0 =	slt.s32 s28, $0x71  }
.Ltmp6:
0xa0: {  	_ = 	snop;
	(pc) =	sbr.rel @p0 .LBB2_13-.Ltmp6, $1  }
0xa1: {  	_ =	sdelay $0x3  }
0xa2: {  	p1 =	sne.s32 s28, $0x1  }
.Ltmp7:
0xa3: {  	_ = 	snop;
	(pc) =	sbr.rel @!p1 .LBB2_8-.Ltmp7, $4  }
0xa4: {  	[tilespmem:s14], [sflag:$0x1] =	stream.indirect.gather [hbm4b:s3+s12], $0x80, s13, s12, $0xb8;
	[tilespmem:$0x10600] =	vst v63  }
0xa5: {  	_ =	swait.ge [sflag:s15], $0x4000  }
0xa6: {  	s6 =	simm.s32 $0x0;
	s4 =	simm.s32 $0xC5C0;
	[sflag:s15] =	ssyncset.done $0x0  }
0xa7: {  	s7 =	simm.s32 $0x1;
	p0 =	por $0x0, $0x0;
	v10 =	vmov s6;
	[sflag:s15] =	ssyncadd.s32 $0xFFFFC000  }
0xa8: {  	_ =	sdelay $0x3  }
0xa9: {  	v9 =	vld.idx.msk [tilespmem:v10+s16+$0x0], $0xffff;
	_ =	sdelay $0x4  }
0xaa: {  	v9 =	vshll.u32 v9, $0x4  }
0xab: {  	v10 =	vld.idx.msk [tilespmem:v10+s17+$0x0], $0xffff;
	v9 =	vor.u32 v7, v9  }
0xac: {  	v11 =	vld [tilespmem:$0x10580];
	_ =	sdelay $0x1  }
0xad: {  	v12 =	vld [tilespmem:s4+$0xFFFFFFC0];
	_ =	sdelay $0x1  }
0xae: {  	v13 =	vld.idx.msk [tilespmem:v9+s18+$0x0], $0xffff  }
0xaf: {  	v11 =	vmul.f32 v11, v10;
	_ =	sdelay $0x1  }
0xb0: {  	v11 =	vadd.f32 v11, v12;
	_ =	sdelay $0x1  }
0xb1: {  	v11 =	vmax.f32 v13, v11  }
0xb2: {  	[tilespmem:v9+s18+$0x0] =	vst.idx.msk $0xffff, v11  }
0xb3: {  	v11 =	vld [tilespmem:$0x10590];
	_ =	sdelay $0x1  }
0xb4: {  	v50 =	vld [tilespmem:s4+$0xFFFFFFD0];
	_ =	sdelay $0x1  }
0xb5: {  	v51 =	vld.idx.msk [tilespmem:v9+s19+$0x0], $0xffff  }
0xb6: {  	v11 =	vmul.f32 v11, v10;
	_ =	sdelay $0x1  }
0xb7: {  	v11 =	vadd.f32 v11, v50;
	_ =	sdelay $0x1  }
0xb8: {  	v11 =	vmax.f32 v51, v11  }
0xb9: {  	[tilespmem:v9+s19+$0x0] =	vst.idx.msk $0xffff, v11  }
0xba: {  	v11 =	vld [tilespmem:$0x105A0];
	_ =	sdelay $0x1  }
0xbb: {  	v52 =	vld [tilespmem:s4+$0xFFFFFFE0];
	_ =	sdelay $0x1  }
0xbc: {  	v53 =	vld.idx.msk [tilespmem:v9+s20+$0x0], $0xffff  }
0xbd: {  	v11 =	vmul.f32 v11, v10;
	_ =	sdelay $0x1  }
0xbe: {  	v11 =	vadd.f32 v11, v52;
	_ =	sdelay $0x1  }
0xbf: {  	v11 =	vmax.f32 v53, v11  }
0xc0: {  	[tilespmem:v9+s20+$0x0] =	vst.idx.msk $0xffff, v11  }
0xc1: {  	v11 =	vld [tilespmem:$0x105B0];
	_ =	sdelay $0x1  }
0xc2: {  	v54 =	vld [tilespmem:s4+$0xFFFFFFF0];
	_ =	sdelay $0x1  }
0xc3: {  	v55 =	vld.idx.msk [tilespmem:v9+s21+$0x0], $0xffff  }
0xc4: {  	v11 =	vmul.f32 v11, v10;
	_ =	sdelay $0x1  }
0xc5: {  	v11 =	vadd.f32 v11, v54;
	_ =	sdelay $0x1  }
0xc6: {  	v11 =	vmax.f32 v55, v11  }
0xc7: {  	[tilespmem:v9+s21+$0x0] =	vst.idx.msk $0xffff, v11  }
0xc8: {  	v11 =	vld [tilespmem:$0x105C0];
	_ =	sdelay $0x1  }
0xc9: {  	v56 =	vld [tilespmem:s4+$0x0];
	_ =	sdelay $0x1  }
0xca: {  	v57 =	vld.idx.msk [tilespmem:v9+s22+$0x0], $0xffff  }
0xcb: {  	v11 =	vmul.f32 v11, v10;
	_ =	sdelay $0x1  }
0xcc: {  	v11 =	vadd.f32 v11, v56;
	_ =	sdelay $0x1  }
0xcd: {  	v11 =	vmax.f32 v57, v11  }
0xce: {  	[tilespmem:v9+s22+$0x0] =	vst.idx.msk $0xffff, v11  }
0xcf: {  	v11 =	vld [tilespmem:$0x105D0];
	_ =	sdelay $0x1  }
0xd0: {  	v58 =	vld [tilespmem:s4+$0x10];
	_ =	sdelay $0x1  }
0xd1: {  	v59 =	vld.idx.msk [tilespmem:v9+s23+$0x0], $0xffff  }
0xd2: {  	v11 =	vmul.f32 v11, v10;
	_ =	sdelay $0x1  }
0xd3: {  	v11 =	vadd.f32 v11, v58;
	_ =	sdelay $0x1  }
0xd4: {  	v11 =	vmax.f32 v59, v11  }
0xd5: {  	[tilespmem:v9+s23+$0x0] =	vst.idx.msk $0xffff, v11  }
0xd6: {  	v11 =	vld [tilespmem:$0x105E0];
	_ =	sdelay $0x1  }
0xd7: {  	v60 =	vld [tilespmem:s4+$0x20];
	_ =	sdelay $0x1  }
0xd8: {  	v61 =	vld.idx.msk [tilespmem:v9+s24+$0x0], $0xffff  }
0xd9: {  	v11 =	vmul.f32 v11, v10;
	_ =	sdelay $0x1  }
0xda: {  	v11 =	vadd.f32 v11, v60;
	_ =	sdelay $0x1  }
0xdb: {  	v11 =	vmax.f32 v61, v11  }
0xdc: {  	[tilespmem:v9+s24+$0x0] =	vst.idx.msk $0xffff, v11  }
0xdd: {  	v11 =	vld [tilespmem:$0x105F0];
	_ =	sdelay $0x1  }
0xde: {  	v62 =	vld [tilespmem:s4+$0x30];
	_ =	sdelay $0x2  }
0xdf: {  	p1 =	sne.s32 s28, $0x2;
	v63 =	vld.idx.msk [tilespmem:v9+s25+$0x0], $0xffff;
	v10 =	vmul.f32 v11, v10  }
.Ltmp8:
0xe0: {  	_ = 	snop;
	(pc) =	sbr.rel @!p1 .LBB2_10-.Ltmp8, $2  }
0xe1: {  	v11 =	vadd.f32 v10, v62;
	v10 =	vmov s7;
	_ =	sdelay $0x2  }
0xe2: {  	s6 =	simm.s32 $0x2;
	p0 =	por $0x1, $0x1;
	s9 =	simm.s32 $0xC5C0;
	v11 =	vmax.f32 v63, v11  }
.LBB2_11:
0xe3: {  	[tilespmem:v9+s25+$0x0] =	vst.idx.msk $0xffff, v11;
	s9 =	sadd.s32 $0x80, s9;
	s7 =	smov.u32 s6;
	s6 =	sadd.s32 $0x1, s6  }
0xe4: {  	p1 =	sne.s32 s28, s6;
	v9 =	vld.idx.msk [tilespmem:v10+s16+$0x0], $0xffff;
	_ =	sdelay $0x5  }
0xe5: {  	v9 =	vshll.u32 v9, $0x4  }
0xe6: {  	v9 =	vor.u32 v7, v9  }
0xe7: {  	v10 =	vld.idx.msk [tilespmem:v10+s17+$0x0], $0xffff  }
0xe8: {  	v11 =	vld [tilespmem:$0x10580];
	_ =	sdelay $0x1  }
0xe9: {  	v12 =	vld [tilespmem:s9+$0xFFFFFFC0]  }
0xea: {  	v13 =	vld.idx.msk [tilespmem:v9+s18+$0x0], $0xffff;
	_ =	sdelay $0x1  }
0xeb: {  	v11 =	vmul.f32 v11, v10;
	_ =	sdelay $0x1  }
0xec: {  	v11 =	vadd.f32 v11, v12;
	_ =	sdelay $0x1  }
0xed: {  	v11 =	vmax.f32 v13, v11  }
0xee: {  	[tilespmem:v9+s18+$0x0] =	vst.idx.msk $0xffff, v11  }
0xef: {  	v11 =	vld [tilespmem:$0x10590];
	_ =	sdelay $0x1  }
0xf0: {  	v12 =	vld [tilespmem:s9+$0xFFFFFFD0]  }
0xf1: {  	v13 =	vld.idx.msk [tilespmem:v9+s19+$0x0], $0xffff;
	_ =	sdelay $0x1  }
0xf2: {  	v11 =	vmul.f32 v11, v10;
	_ =	sdelay $0x1  }
0xf3: {  	v11 =	vadd.f32 v11, v12;
	_ =	sdelay $0x1  }
0xf4: {  	v11 =	vmax.f32 v13, v11  }
0xf5: {  	[tilespmem:v9+s19+$0x0] =	vst.idx.msk $0xffff, v11  }
0xf6: {  	v11 =	vld [tilespmem:$0x105A0];
	_ =	sdelay $0x1  }
0xf7: {  	v12 =	vld [tilespmem:s9+$0xFFFFFFE0]  }
0xf8: {  	v13 =	vld.idx.msk [tilespmem:v9+s20+$0x0], $0xffff;
	_ =	sdelay $0x1  }
0xf9: {  	v11 =	vmul.f32 v11, v10;
	_ =	sdelay $0x1  }
0xfa: {  	v11 =	vadd.f32 v11, v12;
	_ =	sdelay $0x1  }
0xfb: {  	v11 =	vmax.f32 v13, v11  }
0xfc: {  	[tilespmem:v9+s20+$0x0] =	vst.idx.msk $0xffff, v11  }
0xfd: {  	v11 =	vld [tilespmem:$0x105B0];
	_ =	sdelay $0x1  }
0xfe: {  	v12 =	vld [tilespmem:s9+$0xFFFFFFF0]  }
0xff: {  	v13 =	vld.idx.msk [tilespmem:v9+s21+$0x0], $0xffff;
	_ =	sdelay $0x1  }
0x100: {  	v11 =	vmul.f32 v11, v10;
	_ =	sdelay $0x1  }
0x101: {  	v11 =	vadd.f32 v11, v12;
	_ =	sdelay $0x1  }
0x102: {  	v11 =	vmax.f32 v13, v11  }
0x103: {  	[tilespmem:v9+s21+$0x0] =	vst.idx.msk $0xffff, v11  }
0x104: {  	v11 =	vld [tilespmem:$0x105C0];
	_ =	sdelay $0x1  }
0x105: {  	v12 =	vld [tilespmem:s9+$0x0]  }
0x106: {  	v13 =	vld.idx.msk [tilespmem:v9+s22+$0x0], $0xffff;
	_ =	sdelay $0x1  }
0x107: {  	v11 =	vmul.f32 v11, v10;
	_ =	sdelay $0x1  }
0x108: {  	v11 =	vadd.f32 v11, v12;
	_ =	sdelay $0x1  }
0x109: {  	v11 =	vmax.f32 v13, v11  }
0x10a: {  	[tilespmem:v9+s22+$0x0] =	vst.idx.msk $0xffff, v11  }
0x10b: {  	v11 =	vld [tilespmem:$0x105D0]  }
0x10c: {  	v12 =	vld [tilespmem:s9+$0x10]  }
0x10d: {  	v13 =	vld.idx.msk [tilespmem:v9+s23+$0x0], $0xffff;
	_ =	sdelay $0x2  }
0x10e: {  	v11 =	vmul.f32 v11, v10;
	_ =	sdelay $0x1  }
0x10f: {  	v11 =	vadd.f32 v11, v12;
	_ =	sdelay $0x1  }
0x110: {  	v11 =	vmax.f32 v13, v11  }
0x111: {  	[tilespmem:v9+s23+$0x0] =	vst.idx.msk $0xffff, v11  }
0x112: {  	v11 =	vld [tilespmem:$0x105E0]  }
0x113: {  	v12 =	vld [tilespmem:s9+$0x20]  }
0x114: {  	v13 =	vld.idx.msk [tilespmem:v9+s24+$0x0], $0xffff;
	_ =	sdelay $0x2  }
0x115: {  	v11 =	vmul.f32 v11, v10;
	_ =	sdelay $0x1  }
0x116: {  	v11 =	vadd.f32 v11, v12;
	_ =	sdelay $0x1  }
0x117: {  	v11 =	vmax.f32 v13, v11  }
0x118: {  	[tilespmem:v9+s24+$0x0] =	vst.idx.msk $0xffff, v11  }
0x119: {  	v11 =	vld [tilespmem:$0x105F0]  }
0x11a: {  	v12 =	vld [tilespmem:s9+$0x30]  }
0x11b: {  	v13 =	vld.idx.msk [tilespmem:v9+s25+$0x0], $0xffff;
	_ =	sdelay $0x2  }
.Ltmp9:
0x11c: {  	v11 =	vmul.f32 v11, v10;
	(pc) =	sbr.rel @p1 .LBB2_11-.Ltmp9, $3  }
0x11d: {  	v10 =	vmov s7  }
0x11e: {  	v11 =	vadd.f32 v11, v12;
	_ =	sdelay $0x1  }
0x11f: {  	v11 =	vmax.f32 v13, v11  }
.Ltmp10:
0x120: {  	_ = 	snop;
	(pc) =	sbr.rel .LBB2_12-.Ltmp10, $1  }
0x121: {  	_ =	sdelay $0x3  }
.LBB2_10:
.Ltmp11:
0x122: {  	(pc) =	sbr.rel .LBB2_12-.Ltmp11, $2  }
0x123: {  	_ =	sdelay $0x2  }
0x124: {  	s9 =	simm.s32 $0xC5C0  }
.LBB2_16:
0x125: {  	p0 =	slt.s32 s28, $0x1  }
.Ltmp12:
0x126: {  	_ = 	snop;
	(pc) =	sbr.rel @p0 .LBB2_23-.Ltmp12, $4  }
0x127: {  	[tilespmem:s14], [sflag:$0x1] =	stream.indirect.gather [hbm4b:s3+s12], $0x80, s13, s12, $0xb8;
	[tilespmem:$0x10600] =	vst v63  }
0x128: {  	_ =	swait.ge [sflag:s15], $0x4000  }
0x129: {  	[sflag:s15] =	ssyncset.done $0x0  }
0x12a: {  	[sflag:s15] =	ssyncadd.s32 $0xFFFFC000  }
0x12b: {  	p1 =	sne.s32 s28, $0x1  }
.Ltmp13:
0x12c: {  	_ = 	snop;
	(pc) =	sbr.rel @!p1 .LBB2_18-.Ltmp13, $3  }
0x12d: {  	_ =	sdelay $0x1  }
0x12e: {  	s5 =	simm.s32 $0x0  }
0x12f: {  	s0 =	simm.s32 $0xC5C0;
	s4 =	simm.s32 $0x1;
	p0 =	por $0x0, $0x0;
	v9 =	vmov s5  }
0x130: {  	_ =	sdelay $0x3  }
0x131: {  	v8 =	vld.idx.msk [tilespmem:v9+s16+$0x0], $0xffff;
	_ =	sdelay $0x4  }
0x132: {  	v8 =	vshll.u32 v8, $0x4  }
0x133: {  	v9 =	vld.idx.msk [tilespmem:v9+s17+$0x0], $0xffff;
	v8 =	vor.u32 v7, v8  }
0x134: {  	v10 =	vld [tilespmem:$0x10580];
	_ =	sdelay $0x1  }
0x135: {  	v11 =	vld [tilespmem:s0+$0xFFFFFFC0];
	_ =	sdelay $0x1  }
0x136: {  	v12 =	vld.idx.msk [tilespmem:v8+s18+$0x0], $0xffff  }
0x137: {  	v10 =	vmul.f32 v10, v9;
	_ =	sdelay $0x1  }
0x138: {  	v10 =	vadd.f32 v10, v11;
	_ =	sdelay $0x1  }
0x139: {  	v10 =	vmax.f32 v12, v10  }
0x13a: {  	[tilespmem:v8+s18+$0x0] =	vst.idx.msk $0xffff, v10  }
0x13b: {  	v10 =	vld [tilespmem:$0x10590];
	_ =	sdelay $0x1  }
0x13c: {  	v11 =	vld [tilespmem:s0+$0xFFFFFFD0];
	_ =	sdelay $0x1  }
0x13d: {  	v57 =	vld.idx.msk [tilespmem:v8+s19+$0x0], $0xffff  }
0x13e: {  	v10 =	vmul.f32 v10, v9;
	_ =	sdelay $0x1  }
0x13f: {  	v10 =	vadd.f32 v10, v11;
	_ =	sdelay $0x1  }
0x140: {  	v10 =	vmax.f32 v57, v10  }
0x141: {  	[tilespmem:v8+s19+$0x0] =	vst.idx.msk $0xffff, v10  }
0x142: {  	v10 =	vld [tilespmem:$0x105A0];
	_ =	sdelay $0x1  }
0x143: {  	v11 =	vld [tilespmem:s0+$0xFFFFFFE0];
	_ =	sdelay $0x1  }
0x144: {  	v58 =	vld.idx.msk [tilespmem:v8+s20+$0x0], $0xffff  }
0x145: {  	v10 =	vmul.f32 v10, v9;
	_ =	sdelay $0x1  }
0x146: {  	v10 =	vadd.f32 v10, v11;
	_ =	sdelay $0x1  }
0x147: {  	v10 =	vmax.f32 v58, v10  }
0x148: {  	[tilespmem:v8+s20+$0x0] =	vst.idx.msk $0xffff, v10  }
0x149: {  	v10 =	vld [tilespmem:$0x105B0];
	_ =	sdelay $0x1  }
0x14a: {  	v11 =	vld [tilespmem:s0+$0xFFFFFFF0];
	_ =	sdelay $0x1  }
0x14b: {  	v59 =	vld.idx.msk [tilespmem:v8+s21+$0x0], $0xffff  }
0x14c: {  	v10 =	vmul.f32 v10, v9;
	_ =	sdelay $0x1  }
0x14d: {  	v10 =	vadd.f32 v10, v11;
	_ =	sdelay $0x1  }
0x14e: {  	v10 =	vmax.f32 v59, v10  }
0x14f: {  	[tilespmem:v8+s21+$0x0] =	vst.idx.msk $0xffff, v10  }
0x150: {  	v10 =	vld [tilespmem:$0x105C0];
	_ =	sdelay $0x1  }
0x151: {  	v11 =	vld [tilespmem:s0+$0x0];
	_ =	sdelay $0x1  }
0x152: {  	v60 =	vld.idx.msk [tilespmem:v8+s22+$0x0], $0xffff  }
0x153: {  	v10 =	vmul.f32 v10, v9;
	_ =	sdelay $0x1  }
0x154: {  	v10 =	vadd.f32 v10, v11;
	_ =	sdelay $0x1  }
0x155: {  	v10 =	vmax.f32 v60, v10  }
0x156: {  	[tilespmem:v8+s22+$0x0] =	vst.idx.msk $0xffff, v10  }
0x157: {  	v10 =	vld [tilespmem:$0x105D0];
	_ =	sdelay $0x1  }
0x158: {  	v11 =	vld [tilespmem:s0+$0x10];
	_ =	sdelay $0x1  }
0x159: {  	v61 =	vld.idx.msk [tilespmem:v8+s23+$0x0], $0xffff  }
0x15a: {  	v10 =	vmul.f32 v10, v9;
	_ =	sdelay $0x1  }
0x15b: {  	v10 =	vadd.f32 v10, v11;
	_ =	sdelay $0x1  }
0x15c: {  	v10 =	vmax.f32 v61, v10  }
0x15d: {  	[tilespmem:v8+s23+$0x0] =	vst.idx.msk $0xffff, v10  }
0x15e: {  	v10 =	vld [tilespmem:$0x105E0];
	_ =	sdelay $0x1  }
0x15f: {  	v11 =	vld [tilespmem:s0+$0x20];
	_ =	sdelay $0x1  }
0x160: {  	v62 =	vld.idx.msk [tilespmem:v8+s24+$0x0], $0xffff  }
0x161: {  	v10 =	vmul.f32 v10, v9;
	_ =	sdelay $0x1  }
0x162: {  	v10 =	vadd.f32 v10, v11;
	_ =	sdelay $0x1  }
0x163: {  	v10 =	vmax.f32 v62, v10  }
0x164: {  	[tilespmem:v8+s24+$0x0] =	vst.idx.msk $0xffff, v10  }
0x165: {  	v10 =	vld [tilespmem:$0x105F0];
	_ =	sdelay $0x1  }
0x166: {  	v11 =	vld [tilespmem:s0+$0x30];
	_ =	sdelay $0x2  }
0x167: {  	p1 =	sne.s32 s28, $0x2;
	v63 =	vld.idx.msk [tilespmem:v8+s25+$0x0], $0xffff;
	v9 =	vmul.f32 v10, v9  }
.Ltmp14:
0x168: {  	_ = 	snop;
	(pc) =	sbr.rel @!p1 .LBB2_20-.Ltmp14, $2  }
0x169: {  	v10 =	vadd.f32 v9, v11;
	v9 =	vmov s4;
	_ =	sdelay $0x2  }
0x16a: {  	s5 =	simm.s32 $0x2;
	p0 =	por $0x1, $0x1;
	s4 =	simm.s32 $0xC5C0;
	v10 =	vmax.f32 v63, v10  }
.LBB2_21:
0x16b: {  	[tilespmem:v8+s25+$0x0] =	vst.idx.msk $0xffff, v10;
	s4 =	sadd.s32 $0x80, s4;
	s6 =	smov.u32 s5;
	s5 =	sadd.s32 $0x1, s5  }
0x16c: {  	p1 =	sne.s32 s28, s5;
	v8 =	vld.idx.msk [tilespmem:v9+s16+$0x0], $0xffff;
	_ =	sdelay $0x5  }
0x16d: {  	v8 =	vshll.u32 v8, $0x4  }
0x16e: {  	v8 =	vor.u32 v7, v8  }
0x16f: {  	v9 =	vld.idx.msk [tilespmem:v9+s17+$0x0], $0xffff  }
0x170: {  	v10 =	vld [tilespmem:$0x10580];
	_ =	sdelay $0x1  }
0x171: {  	v11 =	vld [tilespmem:s4+$0xFFFFFFC0]  }
0x172: {  	v12 =	vld.idx.msk [tilespmem:v8+s18+$0x0], $0xffff;
	_ =	sdelay $0x1  }
0x173: {  	v10 =	vmul.f32 v10, v9;
	_ =	sdelay $0x1  }
0x174: {  	v10 =	vadd.f32 v10, v11;
	_ =	sdelay $0x1  }
0x175: {  	v10 =	vmax.f32 v12, v10  }
0x176: {  	[tilespmem:v8+s18+$0x0] =	vst.idx.msk $0xffff, v10  }
0x177: {  	v10 =	vld [tilespmem:$0x10590];
	_ =	sdelay $0x1  }
0x178: {  	v11 =	vld [tilespmem:s4+$0xFFFFFFD0]  }
0x179: {  	v12 =	vld.idx.msk [tilespmem:v8+s19+$0x0], $0xffff;
	_ =	sdelay $0x1  }
0x17a: {  	v10 =	vmul.f32 v10, v9;
	_ =	sdelay $0x1  }
0x17b: {  	v10 =	vadd.f32 v10, v11;
	_ =	sdelay $0x1  }
0x17c: {  	v10 =	vmax.f32 v12, v10  }
0x17d: {  	[tilespmem:v8+s19+$0x0] =	vst.idx.msk $0xffff, v10  }
0x17e: {  	v10 =	vld [tilespmem:$0x105A0];
	_ =	sdelay $0x1  }
0x17f: {  	v11 =	vld [tilespmem:s4+$0xFFFFFFE0]  }
0x180: {  	v12 =	vld.idx.msk [tilespmem:v8+s20+$0x0], $0xffff;
	_ =	sdelay $0x1  }
0x181: {  	v10 =	vmul.f32 v10, v9;
	_ =	sdelay $0x1  }
0x182: {  	v10 =	vadd.f32 v10, v11;
	_ =	sdelay $0x1  }
0x183: {  	v10 =	vmax.f32 v12, v10  }
0x184: {  	[tilespmem:v8+s20+$0x0] =	vst.idx.msk $0xffff, v10  }
0x185: {  	v10 =	vld [tilespmem:$0x105B0];
	_ =	sdelay $0x1  }
0x186: {  	v11 =	vld [tilespmem:s4+$0xFFFFFFF0]  }
0x187: {  	v12 =	vld.idx.msk [tilespmem:v8+s21+$0x0], $0xffff;
	_ =	sdelay $0x1  }
0x188: {  	v10 =	vmul.f32 v10, v9;
	_ =	sdelay $0x1  }
0x189: {  	v10 =	vadd.f32 v10, v11;
	_ =	sdelay $0x1  }
0x18a: {  	v10 =	vmax.f32 v12, v10  }
0x18b: {  	[tilespmem:v8+s21+$0x0] =	vst.idx.msk $0xffff, v10  }
0x18c: {  	v10 =	vld [tilespmem:$0x105C0];
	_ =	sdelay $0x1  }
0x18d: {  	v11 =	vld [tilespmem:s4+$0x0]  }
0x18e: {  	v12 =	vld.idx.msk [tilespmem:v8+s22+$0x0], $0xffff;
	_ =	sdelay $0x1  }
0x18f: {  	v10 =	vmul.f32 v10, v9;
	_ =	sdelay $0x1  }
0x190: {  	v10 =	vadd.f32 v10, v11;
	_ =	sdelay $0x1  }
0x191: {  	v10 =	vmax.f32 v12, v10  }
0x192: {  	[tilespmem:v8+s22+$0x0] =	vst.idx.msk $0xffff, v10  }
0x193: {  	v10 =	vld [tilespmem:$0x105D0]  }
0x194: {  	v11 =	vld [tilespmem:s4+$0x10]  }
0x195: {  	v12 =	vld.idx.msk [tilespmem:v8+s23+$0x0], $0xffff;
	_ =	sdelay $0x2  }
0x196: {  	v10 =	vmul.f32 v10, v9;
	_ =	sdelay $0x1  }
0x197: {  	v10 =	vadd.f32 v10, v11;
	_ =	sdelay $0x1  }
0x198: {  	v10 =	vmax.f32 v12, v10  }
0x199: {  	[tilespmem:v8+s23+$0x0] =	vst.idx.msk $0xffff, v10  }
0x19a: {  	v10 =	vld [tilespmem:$0x105E0]  }
0x19b: {  	v11 =	vld [tilespmem:s4+$0x20]  }
0x19c: {  	v12 =	vld.idx.msk [tilespmem:v8+s24+$0x0], $0xffff;
	_ =	sdelay $0x2  }
0x19d: {  	v10 =	vmul.f32 v10, v9;
	_ =	sdelay $0x1  }
0x19e: {  	v10 =	vadd.f32 v10, v11;
	_ =	sdelay $0x1  }
0x19f: {  	v10 =	vmax.f32 v12, v10  }
0x1a0: {  	[tilespmem:v8+s24+$0x0] =	vst.idx.msk $0xffff, v10  }
0x1a1: {  	v10 =	vld [tilespmem:$0x105F0]  }
0x1a2: {  	v11 =	vld [tilespmem:s4+$0x30]  }
0x1a3: {  	v12 =	vld.idx.msk [tilespmem:v8+s25+$0x0], $0xffff;
	_ =	sdelay $0x2  }
.Ltmp15:
0x1a4: {  	v10 =	vmul.f32 v10, v9;
	(pc) =	sbr.rel @p1 .LBB2_21-.Ltmp15, $3  }
0x1a5: {  	v9 =	vmov s6  }
0x1a6: {  	v10 =	vadd.f32 v10, v11;
	_ =	sdelay $0x1  }
0x1a7: {  	v10 =	vmax.f32 v12, v10  }
.LBB2_22:
0x1a8: {  	_ =	sdelay $0x3  }
0x1a9: {  	[tilespmem:v8+s25+$0x0] =	vst.idx.msk @p0 $0xffff, v10  }
0x1aa: {  	v8 =	vld.idx.msk [tilespmem:v9+s16+$0x0], $0xffff;
	_ =	sdelay $0x4  }
0x1ab: {  	v8 =	vshll.u32 v8, $0x4  }
0x1ac: {  	v49 =	vld.idx.msk [tilespmem:v9+s17+$0x0], $0xffff;
	v8 =	vor.u32 v7, v8  }
0x1ad: {  	s4 =	sadd.s32 @p0 $0x80, s4;
	v10 =	vld [tilespmem:$0x10580]  }
0x1ae: {  	s0 =	smov.u32 @p0 s4  }
0x1af: {  	v11 =	vld [tilespmem:s0+$0xFFFFFFC0];
	_ =	sdelay $0x1  }
0x1b0: {  	v12 =	vld.idx.msk [tilespmem:v8+s18+$0x0], $0xffff  }
0x1b1: {  	v10 =	vmul.f32 v10, v49;
	_ =	sdelay $0x1  }
0x1b2: {  	v10 =	vadd.f32 v10, v11;
	_ =	sdelay $0x1  }
0x1b3: {  	v10 =	vmax.f32 v12, v10  }
0x1b4: {  	[tilespmem:v8+s18+$0x0] =	vst.idx.msk $0xffff, v10  }
0x1b5: {  	v10 =	vld [tilespmem:$0x10590];
	_ =	sdelay $0x1  }
0x1b6: {  	v50 =	vld [tilespmem:s0+$0xFFFFFFD0];
	_ =	sdelay $0x1  }
0x1b7: {  	v51 =	vld.idx.msk [tilespmem:v8+s19+$0x0], $0xffff  }
0x1b8: {  	v10 =	vmul.f32 v10, v49;
	_ =	sdelay $0x1  }
0x1b9: {  	v10 =	vadd.f32 v10, v50;
	_ =	sdelay $0x1  }
0x1ba: {  	v10 =	vmax.f32 v51, v10  }
0x1bb: {  	[tilespmem:v8+s19+$0x0] =	vst.idx.msk $0xffff, v10  }
0x1bc: {  	v10 =	vld [tilespmem:$0x105A0];
	_ =	sdelay $0x1  }
0x1bd: {  	v52 =	vld [tilespmem:s0+$0xFFFFFFE0];
	_ =	sdelay $0x1  }
0x1be: {  	v53 =	vld.idx.msk [tilespmem:v8+s20+$0x0], $0xffff  }
0x1bf: {  	v10 =	vmul.f32 v10, v49;
	_ =	sdelay $0x1  }
0x1c0: {  	v10 =	vadd.f32 v10, v52;
	_ =	sdelay $0x1  }
0x1c1: {  	v10 =	vmax.f32 v53, v10  }
0x1c2: {  	[tilespmem:v8+s20+$0x0] =	vst.idx.msk $0xffff, v10  }
0x1c3: {  	v10 =	vld [tilespmem:$0x105B0];
	_ =	sdelay $0x1  }
0x1c4: {  	v54 =	vld [tilespmem:s0+$0xFFFFFFF0];
	_ =	sdelay $0x1  }
0x1c5: {  	v55 =	vld.idx.msk [tilespmem:v8+s21+$0x0], $0xffff  }
0x1c6: {  	v10 =	vmul.f32 v10, v49;
	_ =	sdelay $0x1  }
0x1c7: {  	v10 =	vadd.f32 v10, v54;
	_ =	sdelay $0x1  }
0x1c8: {  	v10 =	vmax.f32 v55, v10  }
0x1c9: {  	[tilespmem:v8+s21+$0x0] =	vst.idx.msk $0xffff, v10  }
0x1ca: {  	v10 =	vld [tilespmem:$0x105C0];
	_ =	sdelay $0x1  }
0x1cb: {  	v56 =	vld [tilespmem:s0+$0x0];
	_ =	sdelay $0x1  }
0x1cc: {  	v57 =	vld.idx.msk [tilespmem:v8+s22+$0x0], $0xffff  }
0x1cd: {  	v10 =	vmul.f32 v10, v49;
	_ =	sdelay $0x1  }
0x1ce: {  	v10 =	vadd.f32 v10, v56;
	_ =	sdelay $0x1  }
0x1cf: {  	v10 =	vmax.f32 v57, v10  }
0x1d0: {  	[tilespmem:v8+s22+$0x0] =	vst.idx.msk $0xffff, v10  }
0x1d1: {  	v10 =	vld [tilespmem:$0x105D0];
	_ =	sdelay $0x1  }
0x1d2: {  	v58 =	vld [tilespmem:s0+$0x10];
	_ =	sdelay $0x1  }
0x1d3: {  	v59 =	vld.idx.msk [tilespmem:v8+s23+$0x0], $0xffff  }
0x1d4: {  	v10 =	vmul.f32 v10, v49;
	_ =	sdelay $0x1  }
0x1d5: {  	v10 =	vadd.f32 v10, v58;
	_ =	sdelay $0x1  }
0x1d6: {  	v10 =	vmax.f32 v59, v10  }
0x1d7: {  	[tilespmem:v8+s23+$0x0] =	vst.idx.msk $0xffff, v10  }
0x1d8: {  	v10 =	vld [tilespmem:$0x105E0];
	_ =	sdelay $0x1  }
0x1d9: {  	v60 =	vld [tilespmem:s0+$0x20];
	_ =	sdelay $0x1  }
0x1da: {  	v61 =	vld.idx.msk [tilespmem:v8+s24+$0x0], $0xffff  }
0x1db: {  	v10 =	vmul.f32 v10, v49;
	_ =	sdelay $0x1  }
0x1dc: {  	v10 =	vadd.f32 v10, v60;
	_ =	sdelay $0x1  }
0x1dd: {  	v10 =	vmax.f32 v61, v10  }
0x1de: {  	[tilespmem:v8+s24+$0x0] =	vst.idx.msk $0xffff, v10  }
0x1df: {  	v10 =	vld [tilespmem:$0x105F0];
	_ =	sdelay $0x1  }
0x1e0: {  	v62 =	vld [tilespmem:s0+$0x30];
	_ =	sdelay $0x1  }
0x1e1: {  	v63 =	vld.idx.msk [tilespmem:v8+s25+$0x0], $0xffff  }
0x1e2: {  	v9 =	vmul.f32 v10, v49;
	_ =	sdelay $0x1  }
0x1e3: {  	v9 =	vadd.f32 v9, v62;
	_ =	sdelay $0x1  }
0x1e4: {  	v9 =	vmax.f32 v63, v9  }
0x1e5: {  	[tilespmem:v8+s25+$0x0] =	vst.idx.msk $0xffff, v9  }
.LBB2_23:
0x1e6: {  	s4 =	simm.s32 $0x0  }
0x1e7: {  	v8 =	vld [tilespmem:s4+$0x8000];
	_ =	sdelay $0x3  }
0x1e8: {  	s0 =	simm.s32 $0xC5C0  }
0x1e9: {  	[tilespmem:s0+$0xFFFFFFC0] =	vst v8  }
0x1ea: {  	v8 =	vld [tilespmem:s4+$0x8880];
	_ =	sdelay $0x4  }
0x1eb: {  	[tilespmem:s0+$0xFFFFFFD0] =	vst v8  }
0x1ec: {  	v8 =	vld [tilespmem:s4+$0x9100];
	_ =	sdelay $0x4  }
0x1ed: {  	[tilespmem:s0+$0xFFFFFFE0] =	vst v8  }
0x1ee: {  	v8 =	vld [tilespmem:s4+$0x9980];
	_ =	sdelay $0x4  }
0x1ef: {  	[tilespmem:s0+$0xFFFFFFF0] =	vst v8  }
0x1f0: {  	v8 =	vld [tilespmem:s4+$0xA200];
	_ =	sdelay $0x4  }
0x1f1: {  	[tilespmem:s0+$0x0] =	vst v8  }
0x1f2: {  	v8 =	vld [tilespmem:s4+$0xAA80];
	_ =	sdelay $0x4  }
0x1f3: {  	[tilespmem:s0+$0x10] =	vst v8  }
0x1f4: {  	v8 =	vld [tilespmem:s4+$0xB300];
	_ =	sdelay $0x4  }
0x1f5: {  	[tilespmem:s0+$0x20] =	vst v8  }
0x1f6: {  	v8 =	vld [tilespmem:s4+$0xBB80];
	_ =	sdelay $0x4  }
0x1f7: {  	s5 =	simm.s32 $0x80;
	s4 =	simm.s32 $0x10;
	[tilespmem:s0+$0x30] =	vst v8  }
.LBB2_24:
0x1f8: {  	p0 =	sne.s32 s5, $0x1FC0;
	v8 =	vld [tilespmem:s4+$0x8000];
	_ =	sdelay $0x3  }
0x1f9: {  	s0 =	sadd.s32 $0x80, s0  }
0x1fa: {  	[tilespmem:s0+$0xFFFFFFC0] =	vst v8  }
0x1fb: {  	v8 =	vld [tilespmem:s4+$0x8880];
	_ =	sdelay $0x4  }
0x1fc: {  	[tilespmem:s0+$0xFFFFFFD0] =	vst v8  }
0x1fd: {  	v8 =	vld [tilespmem:s4+$0x9100];
	_ =	sdelay $0x4  }
0x1fe: {  	[tilespmem:s0+$0xFFFFFFE0] =	vst v8  }
0x1ff: {  	v8 =	vld [tilespmem:s4+$0x9980];
	_ =	sdelay $0x4  }
0x200: {  	[tilespmem:s0+$0xFFFFFFF0] =	vst v8  }
0x201: {  	v8 =	vld [tilespmem:s4+$0xA200];
	_ =	sdelay $0x4  }
0x202: {  	[tilespmem:s0+$0x0] =	vst v8  }
0x203: {  	v8 =	vld [tilespmem:s4+$0xAA80];
	_ =	sdelay $0x4  }
0x204: {  	[tilespmem:s0+$0x10] =	vst v8  }
0x205: {  	v8 =	vld [tilespmem:s4+$0xB300];
	_ =	sdelay $0x4  }
0x206: {  	[tilespmem:s0+$0x20] =	vst v8  }
0x207: {  	v8 =	vld [tilespmem:s4+$0xBB80]  }
.Ltmp16:
0x208: {  	(pc) =	sbr.rel @p0 .LBB2_24-.Ltmp16, $2  }
0x209: {  	_ =	sdelay $0x2  }
0x20a: {  	s4 =	sshra.s32 s5, $0x2;
	s5 =	sadd.s32 $0x40, s5;
	[tilespmem:s0+$0x30] =	vst v8  }
0x20b: {  	v8 =	vld [tilespmem:s4+$0x8000];
	_ =	sdelay $0x3  }
0x20c: {  	s0 =	sadd.s32 $0x80, s0  }
0x20d: {  	[tilespmem:s0+$0xFFFFFFC0] =	vst v8  }
0x20e: {  	v8 =	vld [tilespmem:s4+$0x8880];
	_ =	sdelay $0x4  }
0x20f: {  	[tilespmem:s0+$0xFFFFFFD0] =	vst v8  }
0x210: {  	v8 =	vld [tilespmem:s4+$0x9100];
	_ =	sdelay $0x4  }
0x211: {  	[tilespmem:s0+$0xFFFFFFE0] =	vst v8  }
0x212: {  	v8 =	vld [tilespmem:s4+$0x9980];
	_ =	sdelay $0x4  }
0x213: {  	[tilespmem:s0+$0xFFFFFFF0] =	vst v8  }
0x214: {  	v8 =	vld [tilespmem:s4+$0xA200];
	_ =	sdelay $0x4  }
0x215: {  	[tilespmem:s0+$0x0] =	vst v8  }
0x216: {  	v8 =	vld [tilespmem:s4+$0xAA80];
	_ =	sdelay $0x4  }
0x217: {  	[tilespmem:s0+$0x10] =	vst v8  }
0x218: {  	v8 =	vld [tilespmem:s4+$0xB300];
	_ =	sdelay $0x4  }
0x219: {  	[tilespmem:s0+$0x20] =	vst v8  }
0x21a: {  	v8 =	vld [tilespmem:s4+$0xBB80];
	_ =	sdelay $0x3  }
0x21b: {  	s26 =	sadd.s32 $0x1, s26  }
0x21c: {  	s30 =	simm.s32 $0x0;
	s31 =	rddreg [dreg:$0x6];
	p0 =	sne.s32 s26, s8;
	[tilespmem:s0+$0x30] =	vst v8  }
0x21d: {  	[hbm4b:s31+s30] =	stream.linear.scatter [tilespmem:s14], [sflag:$0x2], $0x4000, $0x38;
	[tilespmem:$0x10600] =	vst v63  }
.Ltmp17:
0x21e: {  	_ = 	snop;
	(pc) =	sbr.rel @p0 .LBB2_1-.Ltmp17, $4  }
.Ltmp18:
0x21f: {  	_ = 	snop;
	(pc) =	sbr.rel @!p0 .LBB2_26-.Ltmp18, $4  }
0x220: {  	_ =	swait.ge [sflag:s10], $0x4000  }
0x221: {  	[sflag:s10] =	ssyncset.done $0x0  }
0x222: {  	[sflag:s10] =	ssyncadd.s32 $0xFFFFC000  }
0x223: {  	_ = 	snop  }
.LBB2_18:
.Ltmp19:
0x224: {  	(pc) =	sbr.rel .LBB2_22-.Ltmp19, $2  }
0x225: {  	_ =	sdelay $0x2  }
0x226: {  	s4 =	simm.s32 $0xC5C0  }
.LBB2_20:
.Ltmp20:
0x227: {  	(pc) =	sbr.rel .LBB2_22-.Ltmp20, $2  }
0x228: {  	_ =	sdelay $0x2  }
0x229: {  	s4 =	simm.s32 $0xC5C0  }
.LBB2_26:
0x22a: {  	_ =	sfence.sel $0x180000  }
0x22b: {  	[bflag:$0x0] =	sbarrier.arrive $0xFFFF  }
0x22c: {  	_ =	strace $0x90000047  }
0x22d: {  	s0 =	stileid.u32;
	[bflag:$0x2] =	sbarrier.arrive $0xFFFF  }
0x22e: {  	p0 =	sne.s32 s0, $0x0;
	s0 =	rddreg [dreg:$0x5]  }
0x22f: {  	s0 =	sadd.s32 @!p0 $0x100000, s0  }
0x230: {  	[sflag:s0] =	ssyncadd.tile.s32 @!p0 $0x1;
	_ =	shalt  }
.Lfunc_end2:
_tile_overlayer_lowered:
.L_overlay_start_2:
0x231: {  	(tag) =	ssettag $0x2  }
0x232: {  	s0 =	rddreg [dreg:$0x0];
	s2 =	stileid.u32  }
0x233: {  	s1 =	rddreg [dreg:$0x1];
	p0 =	sne.s32 s2, $0x0  }
0x234: {  	s3 =	rddreg [dreg:$0x2];
	[bflag:$0x3] =	sbarrier.arrive $0xFFFF;
	s2 =	simm.s32 @!p0 $0x1C02  }
0x235: {  	[timem:s3], [sflag:s2] =	dma.local @!p0 [hbm:s0], s1  }
0x236: {  	s0 =	simm.s32 @!p0 $0x2  }
0x237: {  	_ =	swait.ge @!p0 [sflag:s0], s1  }
0x238: {  	s1 =	ssub.s32 @!p0 $0x0, s1;
	[sflag:s0] =	ssyncset.done @!p0 $0x0  }
0x239: {  	[sflag:s0] =	ssyncadd.s32 @!p0 s1  }
0x23a: {  	[bflag:$0x3] =	sbarrier.arrive $0xFFFF  }
0x23b: {  	_ =	shalt  }

// kernel: kernel.9.cloned.1.call-start
scs
__scs_entry_jumppad:
0x0: {  	(pc) =	sbr.rel $0x88, $3  }
0x1: {  	(tag) =	ssettag $0x0;
	lr =	simm.s32 $0x1  }
0x2: {  	[smem:$0x3F90] =	sst lr;
	_ =	strace $0xD0000000  }
0x3: {  	_ = 	snop  }
0x4: {  	_ = 	snop  }
0x5: {  	_ = 	snop  }
0x6: {  	_ = 	snop  }
0x7: {  	_ = 	snop  }
__scs_overlays_trampoline_lowered:
0x8: {  	[smem:$0x3F9F] =	sst s0  }
0x9: {  	[smem:$0x3FA0] =	sst s1  }
0xa: {  	[smem:$0x3FA1] =	sst s2  }
0xb: {  	[smem:$0x3FA2] =	sst s3  }
0xc: {  	[smem:$0x3FA3] =	sst s4  }
0xd: {  	[smem:$0x3FA4] =	sst s5  }
0xe: {  	[smem:$0x3FA5] =	sst s6  }
0xf: {  	[smem:$0x3FA6] =	sst s7  }
0x10: {  	[smem:$0x3FA7] =	sst s8  }
0x11: {  	[smem:$0x3FA8] =	sst s9;
	s0 =	simm.s32 @!p0 $0x0  }
0x12: {  	s1 =	sld [smem:$0x3F8E];
	s0 =	simm.s32 @p0 $0x1  }
0x13: {  	[smem:$0x3FA9] =	sst s0;
	s0 =	simm.s32 @!p1 $0x0  }
0x14: {  	s2 =	sld [smem:$0x3F8D];
	s0 =	simm.s32 @p1 $0x1  }
0x15: {  	[smem:$0x3FAA] =	sst s0;
	s0 =	simm.s32 @!p2 $0x0  }
0x16: {  	s3 =	sld [smem:$0x3FDB];
	s0 =	simm.s32 @p2 $0x1  }
0x17: {  	s4 =	simm.s32 $0x1BF5;
	[smem:$0x3FAC] =	sst s0  }
0x18: {  	s0 =	sld [smem:$0x3F8F];
	_ =	swait.ge [sflag:s4], $0x0  }
0x19: {  	s7 =	sld [smem:$0x3F90]  }
0x1a: {  	s8 =	sadd.s32 $0xFFFFE003, lr  }
0x1b: {  	s9 =	sadd.s32 $0xFFFFFEF7, lr;
	s5 =	simm.s32 $0xFFFFFFFF;
	p2 =	slt.u32 s8, $0xFFFFF086  }
0x1c: {  	p1 =	slt.u32 s9, $0xF7A;
	s5 =	simm.s32 @!p2 $0x0  }
0x1d: {  	s5 =	simm.s32 @p1 $0x1;
	p0 =	seq.s32 s7, s2  }
0x1e: {  	s7 =	smul.u32 @!p0 $0xF7A, s2;
	p2 =	seq.s32 @!p0 s5, $0x0  }
0x1f: {  	s9 =	smul.u32 $0xF7A, s1;
	s8 =	simm.s32 @!p0 $0x1BF5;
	p2 =	por !p2, p0  }
0x20: {  	[sflag:s8] =	ssyncset.s32 @!p0 $0xFFFFF086;
	s6 =	sadd.s32 @!p0 s3, s7;
	s7 =	simm.s32 @!p0 $0x108  }
0x21: {  	s3 =	sadd.s32 s3, s9;
	s6 =	sadd.s32 @!p0 $0x88, s6;
	s7 =	simm.s32 @p2 $0x1082  }
0x22: {  	[simem:s7], [sflag:s8] =	dma.local @!p0 [hbm:s6], $0xF7A  }
0x23: {  	s9 =	sor.u32 $0xD0000000, s2;
	s6 =	simm.s32 $0x108;
	_ =	swait.ge @!p0 [sflag:s8], $0x0  }
0x24: {  	s3 =	sadd.s32 $0x88, s3;
	s6 =	simm.s32 @!p1 $0x1082;
	[sflag:s4] =	ssyncset.s32 $0xFFFFF086  }
0x25: {  	[simem:s6], [sflag:s4] =	dma.local [hbm:s3], $0xF7A  }
0x26: {  	[smem:$0x3F90] =	sst s1;
	(tag) =	ssettag s2;
	_ =	strace s9  }
0x27: {  	s1 =	sld [smem:$0x3FA0]  }
0x28: {  	s2 =	sld [smem:$0x3FA1]  }
0x29: {  	s4 =	sld [smem:$0x3FA3]  }
0x2a: {  	p0 =	seq.s32 s5, $0x0;
	s5 =	sld [smem:$0x3FA4]  }
0x2b: {  	s6 =	sld [smem:$0x3FA5]  }
0x2c: {  	s7 =	sld [smem:$0x3FA6]  }
0x2d: {  	s3 =	simm.s32 $0x108;
	s8 =	sld [smem:$0x3FA7]  }
0x2e: {  	s3 =	simm.s32 @!p0 $0x1082;
	s9 =	sld [smem:$0x3FA8]  }
0x2f: {  	lr =	sadd.s32 s0, s3;
	s0 =	sld [smem:$0x3F9F]  }
0x30: {  	s3 =	sld [smem:$0x3FA2]  }
0x31: {  	[smem:$0x3FAB] =	sst s10  }
0x32: {  	s10 =	sld [smem:$0x3FA9];
	_ =	sdelay $0x3  }
0x33: {  	p0 =	seq.s32 s10, $0x1;
	s10 =	sld [smem:$0x3FAB];
	_ =	sdelay $0x3  }
0x34: {  	[smem:$0x3FAB] =	sst s10  }
0x35: {  	s10 =	sld [smem:$0x3FAA];
	_ =	sdelay $0x3  }
0x36: {  	p1 =	seq.s32 s10, $0x1;
	s10 =	sld [smem:$0x3FAB];
	_ =	sdelay $0x3  }
0x37: {  	[smem:$0x3FAB] =	sst s10  }
0x38: {  	s10 =	sld [smem:$0x3FAC]  }
0x39: {  	_ = 	snop;
	(pc) =	sbr.ind lr, $3  }
0x3a: {  	_ = 	snop  }
0x3b: {  	_ = 	snop  }
0x3c: {  	p2 =	seq.s32 s10, $0x1;
	s10 =	sld [smem:$0x3FAB]  }
0x3d: {  	_ =	shalt  }
0x3e: {  	_ =	shalt  }
0x3f: {  	_ =	shalt  }
0x40: {  	_ =	shalt  }
0x41: {  	_ =	shalt  }
0x42: {  	_ =	shalt  }
0x43: {  	_ =	shalt  }
0x44: {  	_ =	shalt  }
0x45: {  	_ =	shalt  }
0x46: {  	_ =	shalt  }
0x47: {  	_ =	shalt  }
0x48: {  	_ =	shalt  }
0x49: {  	_ =	shalt  }
0x4a: {  	_ =	shalt  }
0x4b: {  	_ =	shalt  }
0x4c: {  	_ =	shalt  }
0x4d: {  	_ =	shalt  }
0x4e: {  	_ =	shalt  }
0x4f: {  	_ =	shalt  }
0x50: {  	_ =	shalt  }
0x51: {  	_ =	shalt  }
0x52: {  	_ =	shalt  }
0x53: {  	_ =	shalt  }
0x54: {  	_ =	shalt  }
0x55: {  	_ =	shalt  }
0x56: {  	_ =	shalt  }
0x57: {  	_ =	shalt  }
0x58: {  	_ =	shalt  }
0x59: {  	_ =	shalt  }
0x5a: {  	_ =	shalt  }
0x5b: {  	_ =	shalt  }
0x5c: {  	_ =	shalt  }
0x5d: {  	_ =	shalt  }
0x5e: {  	_ =	shalt  }
0x5f: {  	_ =	shalt  }
0x60: {  	_ =	shalt  }
0x61: {  	_ =	shalt  }
0x62: {  	_ =	shalt  }
0x63: {  	_ =	shalt  }
0x64: {  	_ =	shalt  }
0x65: {  	_ =	shalt  }
0x66: {  	_ =	shalt  }
0x67: {  	_ =	shalt  }
0x68: {  	_ =	shalt  }
0x69: {  	_ =	shalt  }
0x6a: {  	_ =	shalt  }
0x6b: {  	_ =	shalt  }
0x6c: {  	_ =	shalt  }
0x6d: {  	_ =	shalt  }
0x6e: {  	_ =	shalt  }
0x6f: {  	_ =	shalt  }
0x70: {  	_ =	shalt  }
0x71: {  	_ =	shalt  }
0x72: {  	_ =	shalt  }
0x73: {  	_ =	shalt  }
0x74: {  	_ =	shalt  }
0x75: {  	_ =	shalt  }
0x76: {  	_ =	shalt  }
0x77: {  	_ =	shalt  }
0x78: {  	_ =	shalt  }
0x79: {  	_ =	shalt  }
0x7a: {  	_ =	shalt  }
0x7b: {  	_ =	shalt  }
0x7c: {  	_ =	shalt  }
0x7d: {  	_ =	shalt  }
0x7e: {  	_ =	shalt  }
0x7f: {  	_ =	shalt  }
0x80: {  	_ =	shalt  }
0x81: {  	_ =	shalt  }
0x82: {  	_ =	shalt  }
0x83: {  	_ =	shalt  }
0x84: {  	_ =	shalt  }
0x85: {  	_ =	shalt  }
0x86: {  	_ =	shalt  }
0x87: {  	_ =	shalt  }
.Lfunc_end0:
.L_simem_size_0:
called_computation.1_lowered:
.L_overlay_start_0:
0x88: {  	s2 =	sld [smem:$0x3FD9]  }
0x89: {  	s3 =	sld [smem:$0x3FFE];
	_ =	sdelay $0x1  }
0x8a: {  	s1 =	srdreg.scid  }
0x8b: {  	s0 =	sand.u32 $0x1, s1  }
0x8c: {  	s14 =	sshll.u32 s0, $0xA;
	s2 =	sadd.s32 s3, s2  }
0x8d: {  	s2 =	sadd.s32 s2, s14  }
0x8e: {  	[smem:$0x3FB7] =	sst s2  }
0x8f: {  	_ = 	snop  }
0x90: {  	s2 =	sld [smem:$0x3FD0];
	_ =	sdelay $0x2  }
0x91: {  	s4 =	simm.s32 $0xA;
	s5 =	simm.s32 $0x10;
	s15 =	sld [smem:$0x3FC7]  }
0x92: {  	[smem:s5], [sflag:s4] =	dma.local [hbm:s2], $0x1  }
0x93: {  	_ =	swait.eq [sflag:s4], $0x1  }
0x94: {  	[sflag:s4] =	ssyncset.done $0x0  }
0x95: {  	[sflag:s4] =	ssyncadd.s32 $0xFFFFFFFF  }
0x96: {  	s16 =	sld [smem:$0x11];
	(tm) =	ssettm $0x1  }
0x97: {  	s17 =	sld [smem:$0x3FFB];
	_ =	sdelay $0x3  }
0x98: {  	_ =	strace s17  }
0x99: {  	s4 =	sld [smem:$0x3FFC];
	_ =	sdelay $0x3  }
0x9a: {  	_ =	strace s4  }
0x9b: {  	s4 =	sld [smem:$0x3FFD];
	_ =	sdelay $0x3  }
0x9c: {  	_ =	strace s4  }
0x9d: {  	_ =	strace $0x8FFFFFFF  }
0x9e: {  	s18 =	sld [smem:$0x3FDB];
	_ =	sdelay $0x1  }
0x9f: {  	s19 =	simm.s32 $_scs_section_size  }
0xa0: {  	s6 =	simm.s32 $_size__tile_overlayer_lowered;
	s7 =	simm.s32 $_tile_overlayer_lowered  }
0xa1: {  	s22 =	simm.s32 $0x1BFF;
	s21 =	sshll.u32 s7, $0x1;
	s4 =	sadd.s32 s19, s18  }
0xa2: {  	s8 =	simm.s32 $0x0;
	s20 =	sshll.u32 s6, $0x1;
	s6 =	sadd.s32 s21, s4  }
0xa3: {  	[timem:s8], [sflag:s22] =	dma.local [hbm:s6], s20  }
0xa4: {  	_ =	swait.ge [sflag:s22], s20  }
0xa5: {  	s5 =	ssub.s32 $0x0, s20;
	[sflag:s22] =	ssyncset.done $0x0  }
0xa6: {  	[sflag:s22] =	ssyncadd.s32 s5;
	_ =	sdelay $0x1  }
0xa7: {  	s23 =	simm.s32 $0x1B8B  }
0xa8: {  	_ =	swait.ge [sflag:s23], $0x1  }
0xa9: {  	[sflag:s23] =	ssyncset.done $0x0  }
0xaa: {  	s25 =	simm.s32 $0x1B8E;
	s24 =	sld [smem:$0x3FFE];
	[sflag:s23] =	ssyncadd.s32 $0xFFFFFFFF  }
0xab: {  	s26 =	simm.s32 $execute0_lowered;
	[smem:$0x3FD2] =	sst s25  }
0xac: {  	s6 =	sshll.u32 s26, $0x1;
	_ =	strace $0x80000049;
	[dreg:$0x1] =	wrdreg $0xFFFFFFFF  }
0xad: {  	s28 =	simm.s32 $_size_execute0_lowered;
	s4 =	sadd.s32 s4, s6;
	[dreg:$0x0] =	wrdreg $0x0  }
0xae: {  	s6 =	sshll.u32 s28, $0x1;
	[dreg:$0x2] =	wrdreg s4  }
0xaf: {  	[dreg:$0x3] =	wrdreg s6  }
0xb0: {  	[dreg:$0x4] =	wrdreg $0xC0  }
0xb1: {  	_ =	task [dreg:s8], $0x5FFFF  }
0xb2: {  	[dreg:$0x1] =	wrdreg $0xFFFFFFFF  }
0xb3: {  	[dreg:$0x0] =	wrdreg $0x60  }
0xb4: {  	[dreg:$0x2] =	wrdreg s16  }
0xb5: {  	[dreg:$0x3] =	wrdreg s15  }
0xb6: {  	[dreg:$0x4] =	wrdreg s24  }
0xb7: {  	[dreg:$0x5] =	wrdreg $0x9  }
0xb8: {  	_ =	task.clear_ibuf [dreg:s8], $0x6FFFF;
	_ =	strace $0x90000049  }
0xb9: {  	s29 =	simm.s32 $0x9;
	_ =	strace $0x8000004B  }
0xba: {  	_ =	swait.ge [sflag:s29], $0x1  }
0xbb: {  	[sflag:s29] =	ssyncadd.s32 $0xFFFFFFFF  }
0xbc: {  	_ =	strace $0x9000004B  }
0xbd: {  	_ =	sfence  }
0xbe: {  	s30 =	sld [smem:$0x0];
	_ =	sdelay $0x2  }
0xbf: {  	s31 =	sshll.u32 s1, $0xD;
	s1 =	sshrl.u32 s1, $0x2  }
0xc0: {  	s3 =	sand.u32 $0x4000, s31;
	s1 =	sadd.s32 s1, s30  }
0xc1: {  	s0 =	sor.u32 s3, s0;
	s1 =	sshll.u32 s1, $0x11  }
0xc2: {  	s0 =	sor.u32 s1, s0  }
0xc3: {  	s0 =	sadd.s32 $0x8F2B, s0  }
0xc4: {  	[sflag:s0] =	ssyncadd.remote.s32 $0x1  }
0xc5: {  	_ =	sfence.sel $0xFFFF  }
0xc6: {  	[dreg:$0x0] =	wrdreg $0xFFFFFFFF;
	(pc) =	sbr.abs _section_cstart, $3  }
0xc7: {  	[dreg:$0x1] =	wrdreg $0xFFFFFFFF  }
0xc8: {  	_ =	task.clear_ibuf [dreg:s8], $0x2FFFF;
	_ =	strace $0x9FFFFFFF  }
0xc9: {  	(tm) =	ssettm $0x7FFFFFFF  }
tec
execute0_lowered:
.L_overlay_start_1:
0x0: {  	(tag) =	ssettag $0x1  }
0x1: {  	s1 =	rddreg [dreg:$0x0]  }
0x2: {  	s3 =	rddreg [dreg:$0x1]  }
0x3: {  	s0 =	rddreg [dreg:$0x2]  }
0x4: {  	s2 =	srdreg.scid;
	s5 =	stileid.u32;
	s4 =	simm.s32 $0x0  }
0x5: {  	s2 =	sand.u32 $0x1, s2;
	s5 =	sshll.u32 s5, $0x1;
	[smem:$0x7FF] =	sst s4  }
0x6: {  	s7 =	sadd.s32 $0x1800, s0;
	s26 =	sadd.s32 $0x1C00, s0;
	s5 =	sor.u32 s2, s5  }
0x7: {  	_ =	strace $0x8000004A;
	[dreg:$0x4] =	wrdreg s7;
	s2 =	ssub.s32 $0x2, s2  }
0x8: {  	[dreg:$0x5] =	wrdreg s26;
	s7 =	sadd.s32 $0x2000, s0;
	s29 =	sshll.u32 s5, $0x10  }
0x9: {  	s6 =	sshll.u32 s5, $0x4;
	s28 =	sshrl.u32 s2, $0x1;
	s8 =	sadd.s32 s7, s29  }
0xa: {  	s6 =	sadd.s32 s6, s0;
	s0 =	ssub.s32 s2, s28;
	s2 =	sadd.s32 $0x800, s8  }
0xb: {  	s30 =	sadd.s32 $0x1000, s8;
	[dreg:$0x6] =	wrdreg s2  }
0xc: {  	s31 =	sadd.s32 $0x1800, s8;
	[dreg:$0x7] =	wrdreg s30  }
0xd: {  	s9 =	sadd.s32 $0x2000, s8;
	[dreg:$0x8] =	wrdreg s31  }
0xe: {  	s10 =	sadd.s32 $0x2800, s8;
	[dreg:$0x9] =	wrdreg s9  }
0xf: {  	s11 =	sadd.s32 $0x3000, s8;
	[dreg:$0xa] =	wrdreg s10  }
0x10: {  	s12 =	sadd.s32 $0x3800, s8;
	[dreg:$0xb] =	wrdreg s11  }
0x11: {  	s13 =	sadd.s32 $0x4000, s8;
	[dreg:$0xc] =	wrdreg s12  }
0x12: {  	s14 =	sadd.s32 $0x4800, s8;
	[dreg:$0xd] =	wrdreg s13  }
0x13: {  	s15 =	sadd.s32 $0x5000, s8;
	[dreg:$0xe] =	wrdreg s14  }
0x14: {  	s16 =	sadd.s32 $0x5800, s8;
	[dreg:$0xf] =	wrdreg s15  }
0x15: {  	s17 =	sadd.s32 $0x1E00, s6;
	[dreg:$0x10] =	wrdreg s16  }
0x16: {  	s19 =	sshll.u32 s5, $0x13;
	s0 =	smax.u32 s0, $0x1;
	[dreg:$0x11] =	wrdreg s17  }
0x17: {  	s20 =	sshll.u32 s5, $0x7;
	s18 =	sadd.s32 $0x6000, s8;
	[dreg:$0x12] =	wrdreg s0  }
0x18: {  	s22 =	smul.u32 $0x80080, s5;
	s23 =	sadd.s32 $0x6800, s8;
	[dreg:$0x13] =	wrdreg s18  }
0x19: {  	s21 =	sadd.s32 $0x80000, s19;
	s24 =	sadd.s32 $0x7000, s8;
	[dreg:$0x14] =	wrdreg s23  }
0x1a: {  	v2 =	vmov s19;
	s19 =	simm.s32 $0xD080;
	s25 =	sadd.s32 $0x7800, s8;
	[dreg:$0x15] =	wrdreg s24  }
0x1b: {  	v1 =	vmov s20;
	s20 =	simm.s32 $0x4000;
	s26 =	sadd.s32 $0x8000, s8;
	[dreg:$0x16] =	wrdreg s25  }
0x1c: {  	s28 =	sadd.s32 $0x8800, s8;
	s29 =	sadd.s32 $0x9000, s8;
	[dreg:$0x17] =	wrdreg s26  }
0x1d: {  	s5 =	sadd.s32 $0xB800, s8;
	s6 =	sadd.s32 $0xC000, s8;
	[dreg:$0x18] =	wrdreg s28  }
0x1e: {  	v3 =	vmov s21;
	s21 =	simm.s32 $0x2;
	[dreg:$0x19] =	wrdreg s29;
	s30 =	sadd.s32 $0x9800, s8  }
0x1f: {  	s31 =	sadd.s32 $0xA000, s8;
	s0 =	sadd.s32 $0xA800, s8;
	s2 =	sadd.s32 $0xB000, s8  }
0x20: {  	s9 =	sadd.s32 $0xC800, s8;
	s10 =	sadd.s32 $0xD000, s8;
	s11 =	sadd.s32 $0xD800, s8  }
0x21: {  	s12 =	sadd.s32 $0xE000, s8;
	s13 =	sadd.s32 $0xE800, s8;
	s14 =	sadd.s32 $0xF000, s8  }
0x22: {  	s15 =	sadd.s32 $0xF800, s8;
	s16 =	simm.s32 $0x8000;
	[dreg:$0x1a] =	wrdreg s30  }
0x23: {  	v4 =	vimm.f32 $-Inf;
	v5 =	vimm.s32 $0x1;
	v0 =	vmov s22;
	s17 =	simm.s32 $0x1;
	s18 =	simm.s32 $0x3;
	[dreg:$0x1b] =	wrdreg s31  }
.LBB2_1:
0x24: {  	s22 =	simm.s32 $0x40;
	s23 =	simm.s32 $0x0  }
.LBB2_2:
0x25: {  	p0 =	sne.s32 s22, $0xFFC0;
	[tilespmem:s23+$0x8000] =	vst v4;
	s23 =	smov.u32 s22;
	s22 =	sadd.s32 $0x40, s22  }
.Ltmp0:
0x26: {  	(pc) =	sbr.rel @p0 .LBB2_2-.Ltmp0, $2  }
0x27: {  	_ =	sdelay $0x2  }
0x28: {  	s23 =	sshra.s32 s23, $0x2  }
0x29: {  	[tilespmem:s23+$0x8000] =	vst v4;
	s22 =	simm.s32 $0x0  }
0x2a: {  	[hbm4b:s8+s22] =	stream.linear.scatter [tilespmem:s16], [sflag:$0x1], $0x4000, $0x38;
	[tilespmem:$0xD200] =	vst v63  }
0x2b: {  	s29 =	rddreg [dreg:$0x6]  }
0x2c: {  	[hbm4b:s29+s22] =	stream.linear.scatter [tilespmem:s16], [sflag:$0x1], $0x4000, $0x38;
	[tilespmem:$0xD200] =	vst v63  }
0x2d: {  	s30 =	rddreg [dreg:$0x7]  }
0x2e: {  	[hbm4b:s30+s22] =	stream.linear.scatter [tilespmem:s16], [sflag:$0x1], $0x4000, $0x38;
	[tilespmem:$0xD200] =	vst v63  }
0x2f: {  	s31 =	rddreg [dreg:$0x8]  }
0x30: {  	[hbm4b:s31+s22] =	stream.linear.scatter [tilespmem:s16], [sflag:$0x1], $0x4000, $0x38;
	[tilespmem:$0xD200] =	vst v63  }
0x31: {  	s24 =	rddreg [dreg:$0x9]  }
0x32: {  	[hbm4b:s24+s22] =	stream.linear.scatter [tilespmem:s16], [sflag:$0x1], $0x4000, $0x38;
	[tilespmem:$0xD200] =	vst v63  }
0x33: {  	s25 =	rddreg [dreg:$0xa]  }
0x34: {  	[hbm4b:s25+s22] =	stream.linear.scatter [tilespmem:s16], [sflag:$0x1], $0x4000, $0x38;
	[tilespmem:$0xD200] =	vst v63  }
0x35: {  	s26 =	rddreg [dreg:$0xb]  }
0x36: {  	[hbm4b:s26+s22] =	stream.linear.scatter [tilespmem:s16], [sflag:$0x1], $0x4000, $0x38;
	[tilespmem:$0xD200] =	vst v63  }
0x37: {  	s28 =	rddreg [dreg:$0xc]  }
0x38: {  	[hbm4b:s28+s22] =	stream.linear.scatter [tilespmem:s16], [sflag:$0x1], $0x4000, $0x38;
	[tilespmem:$0xD200] =	vst v63  }
0x39: {  	s29 =	rddreg [dreg:$0xd]  }
0x3a: {  	[hbm4b:s29+s22] =	stream.linear.scatter [tilespmem:s16], [sflag:$0x1], $0x4000, $0x38;
	[tilespmem:$0xD200] =	vst v63  }
0x3b: {  	s30 =	rddreg [dreg:$0xe]  }
0x3c: {  	[hbm4b:s30+s22] =	stream.linear.scatter [tilespmem:s16], [sflag:$0x1], $0x4000, $0x38;
	[tilespmem:$0xD200] =	vst v63  }
0x3d: {  	s31 =	rddreg [dreg:$0xf]  }
0x3e: {  	[hbm4b:s31+s22] =	stream.linear.scatter [tilespmem:s16], [sflag:$0x1], $0x4000, $0x38;
	[tilespmem:$0xD200] =	vst v63  }
0x3f: {  	s24 =	rddreg [dreg:$0x10]  }
0x40: {  	[hbm4b:s24+s22] =	stream.linear.scatter [tilespmem:s16], [sflag:$0x1], $0x4000, $0x38;
	[tilespmem:$0xD200] =	vst v63  }
0x41: {  	s25 =	rddreg [dreg:$0x13]  }
0x42: {  	[hbm4b:s25+s22] =	stream.linear.scatter [tilespmem:s16], [sflag:$0x1], $0x4000, $0x38;
	[tilespmem:$0xD200] =	vst v63  }
0x43: {  	s26 =	rddreg [dreg:$0x14]  }
0x44: {  	[hbm4b:s26+s22] =	stream.linear.scatter [tilespmem:s16], [sflag:$0x1], $0x4000, $0x38;
	[tilespmem:$0xD200] =	vst v63  }
0x45: {  	s28 =	rddreg [dreg:$0x15]  }
0x46: {  	[hbm4b:s28+s22] =	stream.linear.scatter [tilespmem:s16], [sflag:$0x1], $0x4000, $0x38;
	[tilespmem:$0xD200] =	vst v63  }
0x47: {  	s29 =	rddreg [dreg:$0x16]  }
0x48: {  	[hbm4b:s29+s22] =	stream.linear.scatter [tilespmem:s16], [sflag:$0x1], $0x4000, $0x38;
	[tilespmem:$0xD200] =	vst v63  }
0x49: {  	s30 =	rddreg [dreg:$0x17]  }
0x4a: {  	[hbm4b:s30+s22] =	stream.linear.scatter [tilespmem:s16], [sflag:$0x1], $0x4000, $0x38;
	[tilespmem:$0xD200] =	vst v63  }
0x4b: {  	s31 =	rddreg [dreg:$0x18]  }
0x4c: {  	[hbm4b:s31+s22] =	stream.linear.scatter [tilespmem:s16], [sflag:$0x1], $0x4000, $0x38;
	[tilespmem:$0xD200] =	vst v63  }
0x4d: {  	s24 =	rddreg [dreg:$0x19]  }
0x4e: {  	[hbm4b:s24+s22] =	stream.linear.scatter [tilespmem:s16], [sflag:$0x1], $0x4000, $0x38;
	[tilespmem:$0xD200] =	vst v63  }
0x4f: {  	s25 =	rddreg [dreg:$0x1a]  }
0x50: {  	[hbm4b:s25+s22] =	stream.linear.scatter [tilespmem:s16], [sflag:$0x1], $0x4000, $0x38;
	[tilespmem:$0xD200] =	vst v63  }
0x51: {  	s26 =	rddreg [dreg:$0x1b]  }
0x52: {  	[hbm4b:s26+s22] =	stream.linear.scatter [tilespmem:s16], [sflag:$0x1], $0x4000, $0x38;
	[tilespmem:$0xD200] =	vst v63  }
0x53: {  	_ = 	snop  }
0x54: {  	[hbm4b:s0+s22] =	stream.linear.scatter [tilespmem:s16], [sflag:$0x1], $0x4000, $0x38;
	[tilespmem:$0xD200] =	vst v63  }
0x55: {  	_ = 	snop  }
0x56: {  	[hbm4b:s2+s22] =	stream.linear.scatter [tilespmem:s16], [sflag:$0x1], $0x4000, $0x38;
	[tilespmem:$0xD200] =	vst v63  }
0x57: {  	_ = 	snop  }
0x58: {  	[hbm4b:s5+s22] =	stream.linear.scatter [tilespmem:s16], [sflag:$0x1], $0x4000, $0x38;
	[tilespmem:$0xD200] =	vst v63  }
0x59: {  	_ = 	snop  }
0x5a: {  	[hbm4b:s6+s22] =	stream.linear.scatter [tilespmem:s16], [sflag:$0x1], $0x4000, $0x38;
	[tilespmem:$0xD200] =	vst v63  }
0x5b: {  	_ = 	snop  }
0x5c: {  	[hbm4b:s9+s22] =	stream.linear.scatter [tilespmem:s16], [sflag:$0x1], $0x4000, $0x38;
	[tilespmem:$0xD200] =	vst v63  }
0x5d: {  	_ = 	snop  }
0x5e: {  	[hbm4b:s10+s22] =	stream.linear.scatter [tilespmem:s16], [sflag:$0x1], $0x4000, $0x38;
	[tilespmem:$0xD200] =	vst v63  }
0x5f: {  	_ = 	snop  }
0x60: {  	[hbm4b:s11+s22] =	stream.linear.scatter [tilespmem:s16], [sflag:$0x1], $0x4000, $0x38;
	[tilespmem:$0xD200] =	vst v63  }
0x61: {  	_ = 	snop  }
0x62: {  	[hbm4b:s12+s22] =	stream.linear.scatter [tilespmem:s16], [sflag:$0x1], $0x4000, $0x38;
	[tilespmem:$0xD200] =	vst v63  }
0x63: {  	_ = 	snop  }
0x64: {  	[hbm4b:s13+s22] =	stream.linear.scatter [tilespmem:s16], [sflag:$0x1], $0x4000, $0x38;
	[tilespmem:$0xD200] =	vst v63  }
0x65: {  	_ = 	snop  }
0x66: {  	[hbm4b:s14+s22] =	stream.linear.scatter [tilespmem:s16], [sflag:$0x1], $0x4000, $0x38;
	[tilespmem:$0xD200] =	vst v63  }
0x67: {  	_ = 	snop  }
0x68: {  	[hbm4b:s15+s22] =	stream.linear.scatter [tilespmem:s16], [sflag:$0x1], $0x4000, $0x38;
	[tilespmem:$0xD200] =	vst v63  }
0x69: {  	_ =	swait.ge [sflag:s17], $0x4000  }
0x6a: {  	[sflag:s17] =	ssyncset.done $0x0  }
0x6b: {  	[sflag:s17] =	ssyncadd.s32 $0xFFFFC000  }
0x6c: {  	_ =	swait.ge [sflag:s17], $0x4000  }
0x6d: {  	[sflag:s17] =	ssyncset.done $0x0  }
0x6e: {  	[sflag:s17] =	ssyncadd.s32 $0xFFFFC000  }
0x6f: {  	_ =	swait.ge [sflag:s17], $0x4000  }
0x70: {  	[sflag:s17] =	ssyncset.done $0x0  }
0x71: {  	[sflag:s17] =	ssyncadd.s32 $0xFFFFC000  }
0x72: {  	_ =	swait.ge [sflag:s17], $0x4000  }
0x73: {  	[sflag:s17] =	ssyncset.done $0x0  }
0x74: {  	[sflag:s17] =	ssyncadd.s32 $0xFFFFC000  }
0x75: {  	_ =	swait.ge [sflag:s17], $0x4000  }
0x76: {  	[sflag:s17] =	ssyncset.done $0x0  }
0x77: {  	[sflag:s17] =	ssyncadd.s32 $0xFFFFC000  }
0x78: {  	_ =	swait.ge [sflag:s17], $0x4000  }
0x79: {  	[sflag:s17] =	ssyncset.done $0x0  }
0x7a: {  	[sflag:s17] =	ssyncadd.s32 $0xFFFFC000  }
0x7b: {  	_ =	swait.ge [sflag:s17], $0x4000  }
0x7c: {  	[sflag:s17] =	ssyncset.done $0x0  }
0x7d: {  	[sflag:s17] =	ssyncadd.s32 $0xFFFFC000  }
0x7e: {  	_ =	swait.ge [sflag:s17], $0x4000  }
0x7f: {  	[sflag:s17] =	ssyncset.done $0x0  }
0x80: {  	[sflag:s17] =	ssyncadd.s32 $0xFFFFC000  }
0x81: {  	_ =	swait.ge [sflag:s17], $0x4000  }
0x82: {  	[sflag:s17] =	ssyncset.done $0x0  }
0x83: {  	[sflag:s17] =	ssyncadd.s32 $0xFFFFC000  }
0x84: {  	_ =	swait.ge [sflag:s17], $0x4000  }
0x85: {  	[sflag:s17] =	ssyncset.done $0x0  }
0x86: {  	[sflag:s17] =	ssyncadd.s32 $0xFFFFC000  }
0x87: {  	_ =	swait.ge [sflag:s17], $0x4000  }
0x88: {  	[sflag:s17] =	ssyncset.done $0x0  }
0x89: {  	[sflag:s17] =	ssyncadd.s32 $0xFFFFC000  }
0x8a: {  	_ =	swait.ge [sflag:s17], $0x4000  }
0x8b: {  	[sflag:s17] =	ssyncset.done $0x0  }
0x8c: {  	[sflag:s17] =	ssyncadd.s32 $0xFFFFC000  }
0x8d: {  	_ =	swait.ge [sflag:s17], $0x4000  }
0x8e: {  	[sflag:s17] =	ssyncset.done $0x0  }
0x8f: {  	[sflag:s17] =	ssyncadd.s32 $0xFFFFC000  }
0x90: {  	_ =	swait.ge [sflag:s17], $0x4000  }
0x91: {  	[sflag:s17] =	ssyncset.done $0x0  }
0x92: {  	[sflag:s17] =	ssyncadd.s32 $0xFFFFC000  }
0x93: {  	_ =	swait.ge [sflag:s17], $0x4000  }
0x94: {  	[sflag:s17] =	ssyncset.done $0x0  }
0x95: {  	[sflag:s17] =	ssyncadd.s32 $0xFFFFC000  }
0x96: {  	_ =	swait.ge [sflag:s17], $0x4000  }
0x97: {  	[sflag:s17] =	ssyncset.done $0x0  }
0x98: {  	[sflag:s17] =	ssyncadd.s32 $0xFFFFC000  }
0x99: {  	_ =	swait.ge [sflag:s17], $0x4000  }
0x9a: {  	[sflag:s17] =	ssyncset.done $0x0  }
0x9b: {  	[sflag:s17] =	ssyncadd.s32 $0xFFFFC000  }
0x9c: {  	_ =	swait.ge [sflag:s17], $0x4000  }
0x9d: {  	[sflag:s17] =	ssyncset.done $0x0  }
0x9e: {  	[sflag:s17] =	ssyncadd.s32 $0xFFFFC000  }
0x9f: {  	_ =	swait.ge [sflag:s17], $0x4000  }
0xa0: {  	[sflag:s17] =	ssyncset.done $0x0  }
0xa1: {  	[sflag:s17] =	ssyncadd.s32 $0xFFFFC000  }
0xa2: {  	_ =	swait.ge [sflag:s17], $0x4000  }
0xa3: {  	[sflag:s17] =	ssyncset.done $0x0  }
0xa4: {  	[sflag:s17] =	ssyncadd.s32 $0xFFFFC000  }
0xa5: {  	_ =	swait.ge [sflag:s17], $0x4000  }
0xa6: {  	[sflag:s17] =	ssyncset.done $0x0  }
0xa7: {  	[sflag:s17] =	ssyncadd.s32 $0xFFFFC000  }
0xa8: {  	_ =	swait.ge [sflag:s17], $0x4000  }
0xa9: {  	[sflag:s17] =	ssyncset.done $0x0  }
0xaa: {  	[sflag:s17] =	ssyncadd.s32 $0xFFFFC000  }
0xab: {  	_ =	swait.ge [sflag:s17], $0x4000  }
0xac: {  	[sflag:s17] =	ssyncset.done $0x0  }
0xad: {  	[sflag:s17] =	ssyncadd.s32 $0xFFFFC000  }
0xae: {  	_ =	swait.ge [sflag:s17], $0x4000  }
0xaf: {  	[sflag:s17] =	ssyncset.done $0x0  }
0xb0: {  	[sflag:s17] =	ssyncadd.s32 $0xFFFFC000  }
0xb1: {  	_ =	swait.ge [sflag:s17], $0x4000  }
0xb2: {  	[sflag:s17] =	ssyncset.done $0x0  }
0xb3: {  	[sflag:s17] =	ssyncadd.s32 $0xFFFFC000  }
0xb4: {  	_ =	swait.ge [sflag:s17], $0x4000  }
0xb5: {  	[sflag:s17] =	ssyncset.done $0x0  }
0xb6: {  	[sflag:s17] =	ssyncadd.s32 $0xFFFFC000  }
0xb7: {  	_ =	swait.ge [sflag:s17], $0x4000  }
0xb8: {  	[sflag:s17] =	ssyncset.done $0x0  }
0xb9: {  	[sflag:s17] =	ssyncadd.s32 $0xFFFFC000  }
0xba: {  	_ =	swait.ge [sflag:s17], $0x4000  }
0xbb: {  	[sflag:s17] =	ssyncset.done $0x0  }
0xbc: {  	[sflag:s17] =	ssyncadd.s32 $0xFFFFC000  }
0xbd: {  	_ =	swait.ge [sflag:s17], $0x4000  }
0xbe: {  	[sflag:s17] =	ssyncset.done $0x0  }
0xbf: {  	[sflag:s17] =	ssyncadd.s32 $0xFFFFC000  }
0xc0: {  	_ =	swait.ge [sflag:s17], $0x4000  }
0xc1: {  	[sflag:s17] =	ssyncset.done $0x0  }
0xc2: {  	[sflag:s17] =	ssyncadd.s32 $0xFFFFC000  }
0xc3: {  	_ =	swait.ge [sflag:s17], $0x4000  }
0xc4: {  	[sflag:s17] =	ssyncset.done $0x0  }
0xc5: {  	[sflag:s17] =	ssyncadd.s32 $0xFFFFC000  }
0xc6: {  	_ =	swait.ge [sflag:s17], $0x4000  }
0xc7: {  	[sflag:s17] =	ssyncset.done $0x0  }
0xc8: {  	s24 =	simm.s32 $0xC000;
	s28 =	rddreg [dreg:$0x11];
	[sflag:s17] =	ssyncadd.s32 $0xFFFFC000  }
0xc9: {  	[tilespmem:s24], [sflag:$0x3] =	stream.linear.gather [hbm4b:s28+s22], $0x80, $0x38;
	[tilespmem:$0xD200] =	vst v63  }
0xca: {  	_ =	swait.ge [sflag:s18], $0x80  }
0xcb: {  	[sflag:s18] =	ssyncset.done $0x0  }
0xcc: {  	s30 =	simm.s32 $0xC080;
	s29 =	rddreg [dreg:$0x4];
	[sflag:s18] =	ssyncadd.s32 $0xFFFFFF80  }
0xcd: {  	[tilespmem:s30], [sflag:$0x3] =	stream.linear.gather [hbm4b:s29+s22], $0x1000, $0x38;
	[tilespmem:$0xD200] =	vst v63  }
0xce: {  	_ =	swait.ge [sflag:s18], $0x1000  }
0xcf: {  	[sflag:s18] =	ssyncset.done $0x0  }
0xd0: {  	s31 =	rddreg [dreg:$0x5];
	[sflag:s18] =	ssyncadd.s32 $0xFFFFF000  }
0xd1: {  	[tilespmem:s19], [sflag:$0x3] =	stream.linear.gather [hbm4b:s31+s22], $0x80, $0x38;
	[tilespmem:$0xD200] =	vst v63  }
0xd2: {  	_ =	swait.ge [sflag:s18], $0x80  }
0xd3: {  	[sflag:s18] =	ssyncset.done $0x0  }
0xd4: {  	[sflag:s18] =	ssyncadd.s32 $0xFFFFFF80  }
0xd5: {  	v6 =	vld.msk [tilespmem:s19+$0x0], $0xffff  }
0xd6: {  	v7 =	vld.idx.msk [tilespmem:v5+s19+$0x0], $0xffff;
	[tilespmem:$0xD100] =	vst v0  }
0xd7: {  	[tilespmem:$0xD180] =	vst v4  }
0xd8: {  	[tilespmem:$0xD110] =	vst v0  }
0xd9: {  	[tilespmem:$0xD190] =	vst v4  }
0xda: {  	[tilespmem:$0xD120] =	vst v0  }
0xdb: {  	[tilespmem:$0xD1A0] =	vst v4  }
0xdc: {  	[tilespmem:$0xD130] =	vst v0  }
0xdd: {  	[tilespmem:$0xD1B0] =	vst v4  }
0xde: {  	[tilespmem:$0xD140] =	vst v0  }
0xdf: {  	[tilespmem:$0xD1C0] =	vst v4  }
0xe0: {  	[tilespmem:$0xD150] =	vst v0  }
0xe1: {  	[tilespmem:$0xD1D0] =	vst v4  }
0xe2: {  	[tilespmem:$0xD160] =	vst v0  }
0xe3: {  	[tilespmem:$0xD1E0] =	vst v4  }
0xe4: {  	[tilespmem:$0xD170] =	vst v0  }
0xe5: {  	s23 =	simm.s32 $0x0;
	s25 =	simm.s32 $0x0;
	[tilespmem:$0xD1F0] =	vst v4  }
.LBB2_4:
0xe6: {  	s24 =	sshll.u32 s23, $0xB  }
0xe7: {  	s26 =	sadd.s32 s1, s24  }
0xe8: {  	[tilespmem:s22], [sflag:$0x3] =	stream.linear.gather [hbm4b:s26+s22], $0x4000, $0x38;
	[tilespmem:$0xD200] =	vst v63  }
0xe9: {  	_ =	swait.ge [sflag:s18], $0x4000  }
0xea: {  	[sflag:s18] =	ssyncset.done $0x0  }
0xeb: {  	s24 =	sadd.s32 s3, s24;
	[sflag:s18] =	ssyncadd.s32 $0xFFFFC000  }
0xec: {  	[tilespmem:s20], [sflag:$0x3] =	stream.linear.gather [hbm4b:s24+s22], $0x4000, $0x38;
	[tilespmem:$0xD200] =	vst v63  }
0xed: {  	_ =	swait.ge [sflag:s18], $0x4000  }
0xee: {  	[sflag:s18] =	ssyncset.done $0x0  }
0xef: {  	s31 =	simm.s32 $0x0;
	[sflag:s18] =	ssyncadd.s32 $0xFFFFC000  }
0xf0: {  	v8 =	vld [tilespmem:s31+$0x0];
	_ =	sdelay $0x4  }
0xf1: {  	v9 =	vand.u32 $0xFFF, v8  }
0xf2: {  	v10 =	vshra.s32 v8, $0xC;
	vm0 =	vlt.s32 v8, v3;
	vm1 =	vge.s32 v8, v2  }
0xf3: {  	vm2 =	vne.s32 v10, v9;
	vm0 =	vmand vm1, vm0  }
0xf4: {  	vm0 =	vmand vm0, vm2  }
0xf5: {  	v11 =	vmpcnt.ones.xlane vm0;
	_ =	sdelay $0x1  }
0xf6: {  	(v2sf) =	vpush v11, $0x0;
	_ =	sdelay $0xe  }
0xf7: {  	s24 =	spop (v2sf)  }
0xf8: {  	p0 =	slt.s32 s24, $0x1  }
0xf9: {  	p1 =	slt.s32 @!p0 s25, $0x71  }
0xfa: {  	p1 =	por p1, p0  }
0xfb: {  	v10 =	vsub.s32 v10, v1;
	s26 =	simm.s32 @!p1 $0x80;
	s28 =	simm.s32 @!p1 $0xD100;
	s29 =	simm.s32 @!p1 $0xD180  }
0xfc: {  	v10 =	vnsel @!p0 vm0, $0x0, v10;
	[hbm4b:s7+s26] =	stream.indirect.scatter @!p1 [tilespmem:s29], [sflag:$0x2], $0x1, s28, s26, $0xb8;
	[tilespmem:$0xD200] =	vst v63  }
0xfd: {  	s26 =	simm.s32 @!p1 $0x2  }
0xfe: {  	_ =	swait.ge @!p1 [sflag:s26], $0x80  }
0xff: {  	[sflag:s26] =	ssyncset.done @!p1 $0x0  }
0x100: {  	[sflag:s26] =	ssyncadd.s32 @!p1 $0xFFFFFF80;
	s26 =	simm.s32 @!p0 $0xC000  }
0x101: {  	s28 =	simm.s32 @!p0 $0x0;
	v10 =	vld.idx.msk @!p0 [tilespmem:v10+s26+$0x0], $0xffff  }
0x102: {  	s26 =	simm.s32 @!p0 $0xC080;
	v11 =	vld @!p0 [tilespmem:s28+$0x4000]  }
0x103: {  	p1 =	sgt.s32 @!p0 s25, $0x70;
	v9 =	vld.idx.msk @!p0 [tilespmem:v9+s26+$0x0], $0xffff  }
0x104: {  	p1 =	por !p1, p0;
	s28 =	smov.u32 s25  }
0x105: {  	s28 =	simm.s32 @!p1 $0x0  }
0x106: {  	s26 =	sadd.s32 @!p0 s28, s24  }
0x107: {  	s26 =	smov.u32 @p0 s25  }
0x108: {  	s24 =	simm.s32 $0x40;
	[tilespmem:s28+$0xD100] =	vst.msk @!p0 vm0, v8;
	s25 =	smov.u32 s26;
	v8 =	vadd.f32 @!p0 v9, v10;
	v9 =	vmul.f32 @!p0 v11, v6  }
.LBB2_5:
0x109: {  	s29 =	smov.u32 s25  }
0x10a: {  	s26 =	smov.u32 s24;
	s24 =	sadd.s32 $0x40, s24;
	v8 =	vadd.f32 @!p0 v8, v9  }
0x10b: {  	p1 =	sne.s32 s24, $0x10000  }
0x10c: {  	v8 =	vadd.f32 @!p0 v8, v7  }
0x10d: {  	s25 =	sshra.s32 s26, $0x2  }
0x10e: {  	[tilespmem:s28+$0xD180] =	vst.msk @!p0 vm0, v8  }
0x10f: {  	v8 =	vld [tilespmem:s25+$0x0];
	_ =	sdelay $0x4  }
0x110: {  	v9 =	vand.u32 $0xFFF, v8;
	v10 =	vshra.s32 v8, $0xC;
	vm0 =	vlt.s32 v8, v3  }
0x111: {  	vm1 =	vge.s32 v8, v2;
	vm2 =	vne.s32 v10, v9  }
0x112: {  	vm0 =	vmand vm1, vm0  }
0x113: {  	vm0 =	vmand vm0, vm2  }
0x114: {  	v11 =	vmpcnt.ones.xlane vm0;
	_ =	sdelay $0x1  }
0x115: {  	(v2sf) =	vpush v11, $0x0;
	_ =	sdelay $0xe  }
0x116: {  	s25 =	spop (v2sf)  }
0x117: {  	v10 =	vsub.s32 v10, v1;
	p0 =	slt.s32 s25, $0x1  }
0x118: {  	p2 =	slt.s32 @!p0 s29, $0x71;
	p3 =	sgt.s32 @!p0 s29, $0x70;
	v10 =	vnsel @!p0 vm0, $0x0, v10  }
0x119: {  	p3 =	por !p3, p0;
	p2 =	por p2, p0  }
0x11a: {  	s28 =	simm.s32 @!p2 $0x80;
	s30 =	simm.s32 @!p2 $0xD100;
	s31 =	simm.s32 @!p2 $0xD180  }
0x11b: {  	[hbm4b:s7+s28] =	stream.indirect.scatter @!p2 [tilespmem:s31], [sflag:$0x2], $0x1, s30, s28, $0xb8;
	[tilespmem:$0xD200] =	vst v63  }
0x11c: {  	s28 =	smov.u32 s29  }
0x11d: {  	s30 =	simm.s32 @!p2 $0x2;
	s28 =	simm.s32 @!p3 $0x0  }
0x11e: {  	_ =	swait.ge @!p2 [sflag:s30], $0x80;
	s25 =	sadd.s32 @!p0 s28, s25  }
0x11f: {  	[sflag:s30] =	ssyncset.done @!p2 $0x0;
	s25 =	smov.u32 @p0 s29  }
0x120: {  	s29 =	simm.s32 @!p0 $0xC000;
	[sflag:s30] =	ssyncadd.s32 @!p2 $0xFFFFFF80  }
0x121: {  	v10 =	vld.idx.msk @!p0 [tilespmem:v10+s29+$0x0], $0xffff;
	s29 =	simm.s32 @!p0 $0xC080  }
0x122: {  	s26 =	sshra.s32 @!p0 s26, $0x2;
	v9 =	vld.idx.msk @!p0 [tilespmem:v9+s29+$0x0], $0xffff  }
0x123: {  	v11 =	vld @!p0 [tilespmem:s26+$0x4000]  }
.Ltmp1:
0x124: {  	[tilespmem:s28+$0xD100] =	vst.msk @!p0 vm0, v8;
	(pc) =	sbr.rel @p1 .LBB2_5-.Ltmp1, $2  }
0x125: {  	_ =	sdelay $0x2  }
0x126: {  	v8 =	vadd.f32 @!p0 v9, v10;
	v9 =	vmul.f32 @!p0 v11, v6  }
0x127: {  	s23 =	sadd.s32 $0x1, s23  }
0x128: {  	p1 =	sne.s32 s23, $0x8  }
.Ltmp2:
0x129: {  	v8 =	vadd.f32 @!p0 v8, v9;
	(pc) =	sbr.rel @p1 .LBB2_4-.Ltmp2, $3  }
0x12a: {  	_ = 	snop  }
0x12b: {  	v8 =	vadd.f32 @!p0 v8, v7;
	_ =	sdelay $0x1  }
0x12c: {  	[tilespmem:s28+$0xD180] =	vst.msk @!p0 vm0, v8  }
0x12d: {  	s22 =	simm.s32 $0x80;
	s23 =	simm.s32 $0xD100;
	s24 =	simm.s32 $0xD180  }
0x12e: {  	[hbm4b:s7+s22] =	stream.indirect.scatter [tilespmem:s24], [sflag:$0x2], $0x1, s23, s22, $0xb8;
	[tilespmem:$0xD200] =	vst v63  }
0x12f: {  	_ =	swait.ge [sflag:s21], $0x80  }
0x130: {  	s4 =	sadd.s32 $0x1, s4;
	s31 =	rddreg [dreg:$0x12]  }
0x131: {  	p0 =	sne.s32 s4, s31  }
.Ltmp3:
0x132: {  	_ = 	snop;
	(pc) =	sbr.rel @p0 .LBB2_1-.Ltmp3, $3  }
0x133: {  	_ =	sdelay $0x1  }
0x134: {  	[sflag:s21] =	ssyncset.done $0x0  }
0x135: {  	[sflag:s21] =	ssyncadd.s32 $0xFFFFFF80  }
0x136: {  	_ =	sfence.sel $0x180000  }
0x137: {  	[bflag:$0x0] =	sbarrier.arrive $0xFFFF  }
0x138: {  	_ =	strace $0x9000004A  }
0x139: {  	s0 =	stileid.u32;
	[bflag:$0x2] =	sbarrier.arrive $0xFFFF  }
0x13a: {  	p0 =	sne.s32 s0, $0x0;
	s0 =	rddreg [dreg:$0x3]  }
0x13b: {  	s0 =	sadd.s32 @!p0 $0x100000, s0  }
0x13c: {  	[sflag:s0] =	ssyncadd.tile.s32 @!p0 $0x1;
	_ =	shalt  }
.Lfunc_end2:
_tile_overlayer_lowered:
.L_overlay_start_2:
0x13d: {  	(tag) =	ssettag $0x2  }
0x13e: {  	s0 =	rddreg [dreg:$0x0];
	s2 =	stileid.u32  }
0x13f: {  	s1 =	rddreg [dreg:$0x1];
	p0 =	sne.s32 s2, $0x0  }
0x140: {  	s3 =	rddreg [dreg:$0x2];
	[bflag:$0x3] =	sbarrier.arrive $0xFFFF;
	s2 =	simm.s32 @!p0 $0x1C03  }
0x141: {  	[timem:s3], [sflag:s2] =	dma.local @!p0 [hbm:s0], s1  }
0x142: {  	s0 =	simm.s32 @!p0 $0x3  }
0x143: {  	_ =	swait.ge @!p0 [sflag:s0], s1  }
0x144: {  	s1 =	ssub.s32 @!p0 $0x0, s1;
	[sflag:s0] =	ssyncset.done @!p0 $0x0  }
0x145: {  	[sflag:s0] =	ssyncadd.s32 @!p0 s1  }
0x146: {  	[bflag:$0x3] =	sbarrier.arrive $0xFFFF  }
0x147: {  	_ =	shalt  }

</sc_bundles>
